<compile_context>
chip_gen: v7x
topology: tpu7x:2x2x1
jax: 0.10.2.dev20260603
libtpu: 0.0.44.dev20260713+nightly
codegen_flags: <defaults>
</compile_context>

<pallas_src>
import functools

import jax
import jax.numpy as jnp
from jax import lax
from jax.experimental import pallas as pl
from jax.experimental.pallas import tpu as pltpu
from jax.experimental.pallas import tpu_sc as plsc

D = 64
B = 4096
K = 128
GAMMA = 24.0
ALPHA = 0.02
NC = 2
NS = 16
NW = NC * NS
BQ = B // NW
L = 16
NG = K // L
QG = BQ // L
DG = D // L


def _sc_body(ent, off_t, ans, tm_t, ta_t, sm_t, sa_t, w_hbm,
             hid_hbm, rid_hbm, pid_hbm, nid_hbm, out_hbm,
             hid_v, rid_v, pid_v, nid_v, w_v,
             cen_v, box_v, tm_v, ta_v, sm_v, sa_v, pr_v,
             na_v, nb_v, nc_v, nd_v, out_v, sem0, sem1, sem2, sem3):
  wid = lax.axis_index("s") * NC + lax.axis_index("c")
  base = wid * BQ

  pltpu.sync_copy(hid_hbm.at[pl.ds(base, BQ)], hid_v)
  pltpu.sync_copy(rid_hbm.at[pl.ds(base, BQ)], rid_v)
  pltpu.sync_copy(pid_hbm.at[pl.ds(base, BQ)], pid_v)
  pltpu.sync_copy(w_hbm.at[pl.ds(base, BQ)], w_v)
  pltpu.sync_copy(nid_hbm.at[pl.ds(base, BQ)], nid_v)

  d0 = pltpu.async_copy(ent.at[hid_v], cen_v, sem0)
  d1 = pltpu.async_copy(off_t.at[hid_v], box_v, sem0)
  d2 = pltpu.async_copy(tm_t.at[rid_v], tm_v, sem0)
  d3 = pltpu.async_copy(ta_t.at[rid_v], ta_v, sem0)
  d4 = pltpu.async_copy(sm_t.at[rid_v], sm_v, sem0)
  d5 = pltpu.async_copy(sa_t.at[rid_v], sa_v, sem0)
  d6 = pltpu.async_copy(ans.at[pid_v], pr_v, sem0)
  for d in (d0, d1, d2, d3, d4, d5, d6):
    d.wait()

  def _mk_query(b, _):
    for g in range(DG):
      sl = pl.ds(g * L, L)
      e16 = cen_v[b, sl]
      cen_v[b, sl] = e16 * tm_v[b, sl] + ta_v[b, sl]
      o16 = box_v[b, sl]
      box_v[b, sl] = jnp.abs(o16 * sm_v[b, sl] + sa_v[b, sl])
    return 0

  lax.fori_loop(0, BQ, _mk_query, 0)

  iota = lax.iota(jnp.int32, L)
  one_m_alpha = jnp.float32(1.0 - ALPHA)
  zero16 = jnp.zeros((L,), jnp.float32)


  for g in range(QG):
    rowv = iota + g * L
    wv = w_v[pl.ds(g * L, L)]

    def _pos_d(d, carry):
      s1, s2 = carry
      dmask = jnp.bitwise_and(d + iota, D - 1)
      a = plsc.load_gather(pr_v, [rowv, dmask])
      c = plsc.load_gather(cen_v, [rowv, dmask])
      o = plsc.load_gather(box_v, [rowv, dmask])
      dv = jnp.abs(a - c)
      return s1 + dv, s2 + jnp.minimum(dv, o)

    s1, s2 = lax.fori_loop(0, D, _pos_d, (zero16, zero16))
    logit = (GAMMA - s1 + one_m_alpha * s2) * wv
    plsc.store_scatter(out_v, [rowv, jnp.zeros((L,), jnp.int32)], logit)

  def _neg_compute(b, buf):
    bsplat = jnp.full((L,), b, jnp.int32)
    wspl = plsc.load_gather(w_v, [bsplat])

    def _neg_d(d, carry):
      dmask = jnp.bitwise_and(d + iota, D - 1)
      c = plsc.load_gather(cen_v, [bsplat, dmask])
      o = plsc.load_gather(box_v, [bsplat, dmask])
      new = []
      for g in range(NG):
        s1, s2 = carry[2 * g], carry[2 * g + 1]
        a = plsc.load_gather(buf, [iota + g * L, dmask])
        dv = jnp.abs(a - c)
        new.append(s1 + dv)
        new.append(s2 + jnp.minimum(dv, o))
      return tuple(new)

    acc = lax.fori_loop(0, D, _neg_d, (zero16,) * (2 * NG))
    for g in range(NG):
      s1, s2 = acc[2 * g], acc[2 * g + 1]
      logit = (GAMMA - s1 + one_m_alpha * s2) * wspl
      cols = jnp.full((L,), 1 + g * L, jnp.int32) + iota
      plsc.store_scatter(out_v, [bsplat, cols], logit)

  bufs = (na_v, nb_v, nc_v, nd_v)
  sems = (sem0, sem1, sem2, sem3)
  for u in range(3):
    pltpu.async_copy(ans.at[nid_v.at[u]], bufs[u], sems[u])

  def _quad(i, _):
    b0 = 4 * i
    for u in range(4):
      b = b0 + u
      pltpu.make_async_copy(ans.at[nid_v.at[b]], bufs[u], sems[u]).wait()

      @pl.when(b + 3 < BQ)
      def _():
        pltpu.async_copy(ans.at[nid_v.at[b + 3]], bufs[(u + 3) % 4],
                         sems[(u + 3) % 4])

      _neg_compute(b, bufs[u])
    return 0

  lax.fori_loop(0, BQ // 4, _quad, 0)

  pltpu.sync_copy(out_v, out_hbm.at[pl.ds(base, BQ)])


@jax.jit
def _run(ent, off_t, ans, tm_t, ta_t, sm_t, sa_t, w, hid, rid, pid, nid):
  mesh = plsc.VectorSubcoreMesh(core_axis_name="c", subcore_axis_name="s")
  f = functools.partial(
      pl.kernel,
      out_type=jax.ShapeDtypeStruct((B, 1 + K), jnp.float32),
      mesh=mesh,
      compiler_params=pltpu.CompilerParams(
          needs_layout_passes=False, use_tc_tiling_on_sc=False),
      scratch_types=[
          pltpu.VMEM((BQ,), jnp.int32),
          pltpu.VMEM((BQ,), jnp.int32),
          pltpu.VMEM((BQ,), jnp.int32),
          pltpu.VMEM((BQ, K), jnp.int32),
          pltpu.VMEM((BQ,), jnp.float32),
          pltpu.VMEM((BQ, D), jnp.float32),
          pltpu.VMEM((BQ, D), jnp.float32),
          pltpu.VMEM((BQ, D), jnp.float32),
          pltpu.VMEM((BQ, D), jnp.float32),
          pltpu.VMEM((BQ, D), jnp.float32),
          pltpu.VMEM((BQ, D), jnp.float32),
          pltpu.VMEM((BQ, D), jnp.float32),
          pltpu.VMEM((K, D), jnp.float32),
          pltpu.VMEM((K, D), jnp.float32),
          pltpu.VMEM((K, D), jnp.float32),
          pltpu.VMEM((K, D), jnp.float32),
          pltpu.VMEM((BQ, 1 + K), jnp.float32),
          pltpu.SemaphoreType.DMA,
          pltpu.SemaphoreType.DMA,
          pltpu.SemaphoreType.DMA,
          pltpu.SemaphoreType.DMA,
      ],
  )(_sc_body)
  return f(ent, off_t, ans, tm_t, ta_t, sm_t, sa_t, w, hid, rid, pid, nid)




def kernel(entity_embedding, offset_embedding, answer_embedding,
           translation_mul, translation_add, scaling_mul, scaling_add,
           subsampling_weight, head_ids, rel_ids, positive_sample,
           negative_sample):
  return _run(entity_embedding, offset_embedding, answer_embedding,
              translation_mul, translation_add, scaling_mul, scaling_add,
              subsampling_weight,
              head_ids.astype(jnp.int32), rel_ids.astype(jnp.int32),
              positive_sample.astype(jnp.int32),
              negative_sample.astype(jnp.int32))

# --- scband reference (transcript-rebuilt; emitter-appended) ---
"""Pipeline reference for scband-kgreasoning-20452634263798 (READ-ONLY COPY).

The authoritative reference and input builder live on the scoring server;
editing this copy changes nothing except your own understanding.
"""

import jax, jax.numpy as jnp
import numpy as np

NENTITY = 1000000
NREL = 1000
D = 64
B = 4096
K = 128
GAMMA = 24.0
ALPHA = 0.02
EPSILON = 2.0
ER = (GAMMA + EPSILON) / D


def setup_inputs(seed: int = 0) -> dict:
    key = jax.random.key(seed)
    ks = jax.random.split(key, 12)
    entity_embedding = jax.random.uniform(ks[0], (NENTITY, D), minval=-ER, maxval=ER, dtype=jnp.float32)
    offset_embedding = jax.random.uniform(ks[1], (NENTITY, D), minval=0.0, maxval=ER, dtype=jnp.float32)
    answer_embedding = jax.random.uniform(ks[2], (NENTITY, D), minval=-ER, maxval=ER, dtype=jnp.float32)
    translation_mul = jax.random.uniform(ks[3], (NREL, D), minval=-ER, maxval=ER, dtype=jnp.float32)
    translation_add = jax.random.uniform(ks[4], (NREL, D), minval=-ER, maxval=ER, dtype=jnp.float32)
    scaling_mul = jax.random.uniform(ks[5], (NREL, D), minval=-ER, maxval=ER, dtype=jnp.float32)
    scaling_add = jax.random.uniform(ks[6], (NREL, D), minval=-ER, maxval=ER, dtype=jnp.float32)
    head_ids = jax.random.randint(ks[7], (B,), 0, NENTITY, dtype=jnp.int64) if jax.config.jax_enable_x64 else jax.random.randint(ks[7], (B,), 0, NENTITY)
    rel_ids = jax.random.randint(ks[8], (B,), 0, NREL)
    positive_sample = jax.random.randint(ks[9], (B,), 0, NENTITY)
    negative_sample = jax.random.randint(ks[10], (B, K), 0, NENTITY)
    subsampling_weight = jax.random.uniform(ks[11], (B,), dtype=jnp.float32)
    return {
        'entity_embedding': entity_embedding,
        'offset_embedding': offset_embedding,
        'answer_embedding': answer_embedding,
        'translation_mul': translation_mul,
        'translation_add': translation_add,
        'scaling_mul': scaling_mul,
        'scaling_add': scaling_add,
        'subsampling_weight': subsampling_weight,
        'head_ids': head_ids,
        'rel_ids': rel_ids,
        'positive_sample': positive_sample,
        'negative_sample': negative_sample,
    }


def _box_logit(a, center, box_off):
    d = jnp.abs(a - center)
    dist_out = jnp.maximum(d - box_off, 0.0)
    dist_in = jnp.minimum(d, box_off)
    return GAMMA - jnp.sum(dist_out, axis=-1) - ALPHA * jnp.sum(dist_in, axis=-1)


def reference(entity_embedding, offset_embedding, answer_embedding,
              translation_mul, translation_add, scaling_mul, scaling_add,
              subsampling_weight, head_ids, rel_ids, positive_sample, negative_sample):
    # 1p query embedding (Query2Box-style): gather anchor entity + relation transforms
    e = jnp.take(entity_embedding, head_ids, axis=0)      # [B, D]
    off = jnp.take(offset_embedding, head_ids, axis=0)    # [B, D]
    tm = jnp.take(translation_mul, rel_ids, axis=0)
    ta = jnp.take(translation_add, rel_ids, axis=0)
    sm = jnp.take(scaling_mul, rel_ids, axis=0)
    sa = jnp.take(scaling_add, rel_ids, axis=0)
    center = e * tm + ta                                   # box center after relation projection
    box_off = jnp.abs(off * sm + sa)                       # non-negative box offset
    # membership logits for positive and negative answer entities
    a_pos = jnp.take(answer_embedding, positive_sample, axis=0)   # [B, D]
    pos_logit = _box_logit(a_pos, center, box_off)                 # [B]
    a_neg = jnp.take(answer_embedding, negative_sample, axis=0)   # [B, K, D]
    neg_logit = _box_logit(a_neg, center[:, None, :], box_off[:, None, :])  # [B, K]
    out = jnp.concatenate([pos_logit[:, None], neg_logit], axis=1) * subsampling_weight[:, None]
    return out

if __name__ == "__main__":
    import jax
    _d = setup_inputs()
    print(jax.jit(kernel)(*tuple(_d.values())))

</pallas_src>

<mosaic_0001>
#map = affine_map<(d0, d1) -> (0, 0)>
#map1 = affine_map<(d0, d1) -> (0)>
module attributes {stable_mosaic.version = 14 : i64} {
  func.func @_sc_body(%arg0: i32, %arg1: i32, %arg2: memref<1000000x64xf32, #tpu.memory_space<hbm>>, %arg3: memref<1000000x64xf32, #tpu.memory_space<hbm>>, %arg4: memref<1000000x64xf32, #tpu.memory_space<hbm>>, %arg5: memref<1000x64xf32, #tpu.memory_space<hbm>>, %arg6: memref<1000x64xf32, #tpu.memory_space<hbm>>, %arg7: memref<1000x64xf32, #tpu.memory_space<hbm>>, %arg8: memref<1000x64xf32, #tpu.memory_space<hbm>>, %arg9: memref<4096xf32, #tpu.memory_space<hbm>>, %arg10: memref<4096xi32, #tpu.memory_space<hbm>>, %arg11: memref<4096xi32, #tpu.memory_space<hbm>>, %arg12: memref<4096xi32, #tpu.memory_space<hbm>>, %arg13: memref<4096x128xi32, #tpu.memory_space<hbm>>, %arg14: memref<4096x129xf32, #tpu.memory_space<hbm>>, %arg15: memref<128xi32, #tpu.memory_space<vmem>>, %arg16: memref<128xi32, #tpu.memory_space<vmem>>, %arg17: memref<128xi32, #tpu.memory_space<vmem>>, %arg18: memref<128x128xi32, #tpu.memory_space<vmem>>, %arg19: memref<128xf32, #tpu.memory_space<vmem>>, %arg20: memref<128x64xf32, #tpu.memory_space<vmem>>, %arg21: memref<128x64xf32, #tpu.memory_space<vmem>>, %arg22: memref<128x64xf32, #tpu.memory_space<vmem>>, %arg23: memref<128x64xf32, #tpu.memory_space<vmem>>, %arg24: memref<128x64xf32, #tpu.memory_space<vmem>>, %arg25: memref<128x64xf32, #tpu.memory_space<vmem>>, %arg26: memref<128x64xf32, #tpu.memory_space<vmem>>, %arg27: memref<128x64xf32, #tpu.memory_space<vmem>>, %arg28: memref<128x64xf32, #tpu.memory_space<vmem>>, %arg29: memref<128x64xf32, #tpu.memory_space<vmem>>, %arg30: memref<128x64xf32, #tpu.memory_space<vmem>>, %arg31: memref<128x129xf32, #tpu.memory_space<vmem>>, %arg32: memref<!tpu.dma_semaphore, #tpu.memory_space<semaphore_mem>>, %arg33: memref<!tpu.dma_semaphore, #tpu.memory_space<semaphore_mem>>, %arg34: memref<!tpu.dma_semaphore, #tpu.memory_space<semaphore_mem>>, %arg35: memref<!tpu.dma_semaphore, #tpu.memory_space<semaphore_mem>>) attributes {dimension_semantics = [#tpu.dimension_semantics<core_parallel>, #tpu.dimension_semantics<subcore_parallel>], iteration_bounds = array<i64: 2, 16>, scalar_prefetch = 0 : i64, scratch_operands = 21 : i64, tpu.core_type = #tpu.core_type<sc_vector_subcore>, window_params = [{transform_indices = #map}, {transform_indices = #map}, {transform_indices = #map}, {transform_indices = #map}, {transform_indices = #map}, {transform_indices = #map}, {transform_indices = #map}, {transform_indices = #map1}, {transform_indices = #map1}, {transform_indices = #map1}, {transform_indices = #map1}, {transform_indices = #map}, {transform_indices = #map}]} {
    %mul3A = arith.constant 2 : i32
    %mul3A_0 = arith.muli %arg1, %mul3A : i32
    %add3A = arith.addi %mul3A_0, %arg0 : i32
    %mul3A_1 = arith.constant 128 : i32
    %mul3A_2 = arith.muli %add3A, %mul3A_1 : i32
    "tpu.region"() ({
      %run_scoped3A = tpu.sem_alloc : memref<!tpu.dma_semaphore, #tpu.memory_space<semaphore_mem>>
      %dma_start3A_245 = tpu.memref_slice %arg10[%mul3A_2] : memref<4096xi32, #tpu.memory_space<hbm>> -> memref<128xi32, #tpu.memory_space<hbm>>
      %dma_start3A_246 = tpu.memref_slice %arg10[%mul3A_2] : memref<4096xi32, #tpu.memory_space<hbm>> -> memref<128xi32, #tpu.memory_space<hbm>>
      tpu.enqueue_dma source(%dma_start3A_246 : memref<128xi32, #tpu.memory_space<hbm>>) target(%arg15 : memref<128xi32, #tpu.memory_space<vmem>>) target_semaphore(%run_scoped3A : memref<!tpu.dma_semaphore, #tpu.memory_space<semaphore_mem>>)
      %dma_wait3A_247 = tpu.memref_slice %arg10[%mul3A_2] : memref<4096xi32, #tpu.memory_space<hbm>> -> memref<128xi32, #tpu.memory_space<hbm>>
      %dma_wait3A_248 = tpu.memref_slice %arg10[%mul3A_2] : memref<4096xi32, #tpu.memory_space<hbm>> -> memref<128xi32, #tpu.memory_space<hbm>>
      tpu.wait_dma2 semaphore(%run_scoped3A : memref<!tpu.dma_semaphore, #tpu.memory_space<semaphore_mem>>) src(%dma_wait3A_248 : memref<128xi32, #tpu.memory_space<hbm>>) dst(%arg15 : memref<128xi32, #tpu.memory_space<vmem>>)
      tpu.yield
    }) : () -> ()
    "tpu.region"() ({
      %run_scoped3A = tpu.sem_alloc : memref<!tpu.dma_semaphore, #tpu.memory_space<semaphore_mem>>
      %dma_start3A_245 = tpu.memref_slice %arg11[%mul3A_2] : memref<4096xi32, #tpu.memory_space<hbm>> -> memref<128xi32, #tpu.memory_space<hbm>>
      %dma_start3A_246 = tpu.memref_slice %arg11[%mul3A_2] : memref<4096xi32, #tpu.memory_space<hbm>> -> memref<128xi32, #tpu.memory_space<hbm>>
      tpu.enqueue_dma source(%dma_start3A_246 : memref<128xi32, #tpu.memory_space<hbm>>) target(%arg16 : memref<128xi32, #tpu.memory_space<vmem>>) target_semaphore(%run_scoped3A : memref<!tpu.dma_semaphore, #tpu.memory_space<semaphore_mem>>)
      %dma_wait3A_247 = tpu.memref_slice %arg11[%mul3A_2] : memref<4096xi32, #tpu.memory_space<hbm>> -> memref<128xi32, #tpu.memory_space<hbm>>
      %dma_wait3A_248 = tpu.memref_slice %arg11[%mul3A_2] : memref<4096xi32, #tpu.memory_space<hbm>> -> memref<128xi32, #tpu.memory_space<hbm>>
      tpu.wait_dma2 semaphore(%run_scoped3A : memref<!tpu.dma_semaphore, #tpu.memory_space<semaphore_mem>>) src(%dma_wait3A_248 : memref<128xi32, #tpu.memory_space<hbm>>) dst(%arg16 : memref<128xi32, #tpu.memory_space<vmem>>)
      tpu.yield
    }) : () -> ()
    "tpu.region"() ({
      %run_scoped3A = tpu.sem_alloc : memref<!tpu.dma_semaphore, #tpu.memory_space<semaphore_mem>>
      %dma_start3A_245 = tpu.memref_slice %arg12[%mul3A_2] : memref<4096xi32, #tpu.memory_space<hbm>> -> memref<128xi32, #tpu.memory_space<hbm>>
      %dma_start3A_246 = tpu.memref_slice %arg12[%mul3A_2] : memref<4096xi32, #tpu.memory_space<hbm>> -> memref<128xi32, #tpu.memory_space<hbm>>
      tpu.enqueue_dma source(%dma_start3A_246 : memref<128xi32, #tpu.memory_space<hbm>>) target(%arg17 : memref<128xi32, #tpu.memory_space<vmem>>) target_semaphore(%run_scoped3A : memref<!tpu.dma_semaphore, #tpu.memory_space<semaphore_mem>>)
      %dma_wait3A_247 = tpu.memref_slice %arg12[%mul3A_2] : memref<4096xi32, #tpu.memory_space<hbm>> -> memref<128xi32, #tpu.memory_space<hbm>>
      %dma_wait3A_248 = tpu.memref_slice %arg12[%mul3A_2] : memref<4096xi32, #tpu.memory_space<hbm>> -> memref<128xi32, #tpu.memory_space<hbm>>
      tpu.wait_dma2 semaphore(%run_scoped3A : memref<!tpu.dma_semaphore, #tpu.memory_space<semaphore_mem>>) src(%dma_wait3A_248 : memref<128xi32, #tpu.memory_space<hbm>>) dst(%arg17 : memref<128xi32, #tpu.memory_space<vmem>>)
      tpu.yield
    }) : () -> ()
    "tpu.region"() ({
      %run_scoped3A = tpu.sem_alloc : memref<!tpu.dma_semaphore, #tpu.memory_space<semaphore_mem>>
      %dma_start3A_245 = tpu.memref_slice %arg9[%mul3A_2] : memref<4096xf32, #tpu.memory_space<hbm>> -> memref<128xf32, #tpu.memory_space<hbm>>
      %dma_start3A_246 = tpu.memref_slice %arg9[%mul3A_2] : memref<4096xf32, #tpu.memory_space<hbm>> -> memref<128xf32, #tpu.memory_space<hbm>>
      tpu.enqueue_dma source(%dma_start3A_246 : memref<128xf32, #tpu.memory_space<hbm>>) target(%arg19 : memref<128xf32, #tpu.memory_space<vmem>>) target_semaphore(%run_scoped3A : memref<!tpu.dma_semaphore, #tpu.memory_space<semaphore_mem>>)
      %dma_wait3A_247 = tpu.memref_slice %arg9[%mul3A_2] : memref<4096xf32, #tpu.memory_space<hbm>> -> memref<128xf32, #tpu.memory_space<hbm>>
      %dma_wait3A_248 = tpu.memref_slice %arg9[%mul3A_2] : memref<4096xf32, #tpu.memory_space<hbm>> -> memref<128xf32, #tpu.memory_space<hbm>>
      tpu.wait_dma2 semaphore(%run_scoped3A : memref<!tpu.dma_semaphore, #tpu.memory_space<semaphore_mem>>) src(%dma_wait3A_248 : memref<128xf32, #tpu.memory_space<hbm>>) dst(%arg19 : memref<128xf32, #tpu.memory_space<vmem>>)
      tpu.yield
    }) : () -> ()
    "tpu.region"() ({
      %run_scoped3A = tpu.sem_alloc : memref<!tpu.dma_semaphore, #tpu.memory_space<semaphore_mem>>
      %dma_start3A_245 = arith.constant 0 : i32
      %dma_start3A_246 = tpu.memref_slice %arg13[%mul3A_2, %dma_start3A_245] : memref<4096x128xi32, #tpu.memory_space<hbm>> -> memref<128x128xi32, #tpu.memory_space<hbm>>
      %dma_start3A_247 = arith.constant 0 : i32
      %dma_start3A_248 = tpu.memref_slice %arg13[%mul3A_2, %dma_start3A_247] : memref<4096x128xi32, #tpu.memory_space<hbm>> -> memref<128x128xi32, #tpu.memory_space<hbm>>
      tpu.enqueue_dma source(%dma_start3A_248 : memref<128x128xi32, #tpu.memory_space<hbm>>) target(%arg18 : memref<128x128xi32, #tpu.memory_space<vmem>>) target_semaphore(%run_scoped3A : memref<!tpu.dma_semaphore, #tpu.memory_space<semaphore_mem>>)
      %dma_wait3A_249 = arith.constant 0 : i32
      %dma_wait3A_250 = tpu.memref_slice %arg13[%mul3A_2, %dma_wait3A_249] : memref<4096x128xi32, #tpu.memory_space<hbm>> -> memref<128x128xi32, #tpu.memory_space<hbm>>
      %dma_wait3A_251 = arith.constant 0 : i32
      %dma_wait3A_252 = tpu.memref_slice %arg13[%mul3A_2, %dma_wait3A_251] : memref<4096x128xi32, #tpu.memory_space<hbm>> -> memref<128x128xi32, #tpu.memory_space<hbm>>
      tpu.wait_dma2 semaphore(%run_scoped3A : memref<!tpu.dma_semaphore, #tpu.memory_space<semaphore_mem>>) src(%dma_wait3A_252 : memref<128x128xi32, #tpu.memory_space<hbm>>) dst(%arg18 : memref<128x128xi32, #tpu.memory_space<vmem>>)
      tpu.yield
    }) : () -> ()
    %dma_start3A = arith.constant 0 : i32
    %dma_start3A_3 = arith.constant 0 : i32
    %dma_start3A_4 = tpu.memref_slice %arg2[%dma_start3A, %dma_start3A_3] : memref<1000000x64xf32, #tpu.memory_space<hbm>> -> memref<1000000x64xf32, #tpu.memory_space<hbm>>
    tpu.enqueue_indirect_dma source(%dma_start3A_4 : memref<1000000x64xf32, #tpu.memory_space<hbm>>) target(%arg20 : memref<128x64xf32, #tpu.memory_space<vmem>>) offsets(%arg15 : memref<128xi32, #tpu.memory_space<vmem>>) semaphore(%arg32 : memref<!tpu.dma_semaphore, #tpu.memory_space<semaphore_mem>>)
    %dma_start3A_5 = arith.constant 0 : i32
    %dma_start3A_6 = arith.constant 0 : i32
    %dma_start3A_7 = tpu.memref_slice %arg3[%dma_start3A_5, %dma_start3A_6] : memref<1000000x64xf32, #tpu.memory_space<hbm>> -> memref<1000000x64xf32, #tpu.memory_space<hbm>>
    tpu.enqueue_indirect_dma source(%dma_start3A_7 : memref<1000000x64xf32, #tpu.memory_space<hbm>>) target(%arg21 : memref<128x64xf32, #tpu.memory_space<vmem>>) offsets(%arg15 : memref<128xi32, #tpu.memory_space<vmem>>) semaphore(%arg32 : memref<!tpu.dma_semaphore, #tpu.memory_space<semaphore_mem>>)
    %dma_start3A_8 = arith.constant 0 : i32
    %dma_start3A_9 = arith.constant 0 : i32
    %dma_start3A_10 = tpu.memref_slice %arg5[%dma_start3A_8, %dma_start3A_9] : memref<1000x64xf32, #tpu.memory_space<hbm>> -> memref<1000x64xf32, #tpu.memory_space<hbm>>
    tpu.enqueue_indirect_dma source(%dma_start3A_10 : memref<1000x64xf32, #tpu.memory_space<hbm>>) target(%arg22 : memref<128x64xf32, #tpu.memory_space<vmem>>) offsets(%arg16 : memref<128xi32, #tpu.memory_space<vmem>>) semaphore(%arg32 : memref<!tpu.dma_semaphore, #tpu.memory_space<semaphore_mem>>)
    %dma_start3A_11 = arith.constant 0 : i32
    %dma_start3A_12 = arith.constant 0 : i32
    %dma_start3A_13 = tpu.memref_slice %arg6[%dma_start3A_11, %dma_start3A_12] : memref<1000x64xf32, #tpu.memory_space<hbm>> -> memref<1000x64xf32, #tpu.memory_space<hbm>>
    tpu.enqueue_indirect_dma source(%dma_start3A_13 : memref<1000x64xf32, #tpu.memory_space<hbm>>) target(%arg23 : memref<128x64xf32, #tpu.memory_space<vmem>>) offsets(%arg16 : memref<128xi32, #tpu.memory_space<vmem>>) semaphore(%arg32 : memref<!tpu.dma_semaphore, #tpu.memory_space<semaphore_mem>>)
    %dma_start3A_14 = arith.constant 0 : i32
    %dma_start3A_15 = arith.constant 0 : i32
    %dma_start3A_16 = tpu.memref_slice %arg7[%dma_start3A_14, %dma_start3A_15] : memref<1000x64xf32, #tpu.memory_space<hbm>> -> memref<1000x64xf32, #tpu.memory_space<hbm>>
    tpu.enqueue_indirect_dma source(%dma_start3A_16 : memref<1000x64xf32, #tpu.memory_space<hbm>>) target(%arg24 : memref<128x64xf32, #tpu.memory_space<vmem>>) offsets(%arg16 : memref<128xi32, #tpu.memory_space<vmem>>) semaphore(%arg32 : memref<!tpu.dma_semaphore, #tpu.memory_space<semaphore_mem>>)
    %dma_start3A_17 = arith.constant 0 : i32
    %dma_start3A_18 = arith.constant 0 : i32
    %dma_start3A_19 = tpu.memref_slice %arg8[%dma_start3A_17, %dma_start3A_18] : memref<1000x64xf32, #tpu.memory_space<hbm>> -> memref<1000x64xf32, #tpu.memory_space<hbm>>
    tpu.enqueue_indirect_dma source(%dma_start3A_19 : memref<1000x64xf32, #tpu.memory_space<hbm>>) target(%arg25 : memref<128x64xf32, #tpu.memory_space<vmem>>) offsets(%arg16 : memref<128xi32, #tpu.memory_space<vmem>>) semaphore(%arg32 : memref<!tpu.dma_semaphore, #tpu.memory_space<semaphore_mem>>)
    %dma_start3A_20 = arith.constant 0 : i32
    %dma_start3A_21 = arith.constant 0 : i32
    %dma_start3A_22 = tpu.memref_slice %arg4[%dma_start3A_20, %dma_start3A_21] : memref<1000000x64xf32, #tpu.memory_space<hbm>> -> memref<1000000x64xf32, #tpu.memory_space<hbm>>
    tpu.enqueue_indirect_dma source(%dma_start3A_22 : memref<1000000x64xf32, #tpu.memory_space<hbm>>) target(%arg26 : memref<128x64xf32, #tpu.memory_space<vmem>>) offsets(%arg17 : memref<128xi32, #tpu.memory_space<vmem>>) semaphore(%arg32 : memref<!tpu.dma_semaphore, #tpu.memory_space<semaphore_mem>>)
    %dma_wait3A = arith.constant 0 : i32
    %dma_wait3A_23 = arith.constant 0 : i32
    %dma_wait3A_24 = tpu.memref_slice %arg2[%dma_wait3A, %dma_wait3A_23] : memref<1000000x64xf32, #tpu.memory_space<hbm>> -> memref<1000000x64xf32, #tpu.memory_space<hbm>>
    tpu.wait_indirect_dma semaphore(%arg32 : memref<!tpu.dma_semaphore, #tpu.memory_space<semaphore_mem>>) src(%dma_wait3A_24 : memref<1000000x64xf32, #tpu.memory_space<hbm>>) dst(%arg20 : memref<128x64xf32, #tpu.memory_space<vmem>>)
    %dma_wait3A_25 = arith.constant 0 : i32
    %dma_wait3A_26 = arith.constant 0 : i32
    %dma_wait3A_27 = tpu.memref_slice %arg3[%dma_wait3A_25, %dma_wait3A_26] : memref<1000000x64xf32, #tpu.memory_space<hbm>> -> memref<1000000x64xf32, #tpu.memory_space<hbm>>
    tpu.wait_indirect_dma semaphore(%arg32 : memref<!tpu.dma_semaphore, #tpu.memory_space<semaphore_mem>>) src(%dma_wait3A_27 : memref<1000000x64xf32, #tpu.memory_space<hbm>>) dst(%arg21 : memref<128x64xf32, #tpu.memory_space<vmem>>)
    %dma_wait3A_28 = arith.constant 0 : i32
    %dma_wait3A_29 = arith.constant 0 : i32
    %dma_wait3A_30 = tpu.memref_slice %arg5[%dma_wait3A_28, %dma_wait3A_29] : memref<1000x64xf32, #tpu.memory_space<hbm>> -> memref<1000x64xf32, #tpu.memory_space<hbm>>
    tpu.wait_indirect_dma semaphore(%arg32 : memref<!tpu.dma_semaphore, #tpu.memory_space<semaphore_mem>>) src(%dma_wait3A_30 : memref<1000x64xf32, #tpu.memory_space<hbm>>) dst(%arg22 : memref<128x64xf32, #tpu.memory_space<vmem>>)
    %dma_wait3A_31 = arith.constant 0 : i32
    %dma_wait3A_32 = arith.constant 0 : i32
    %dma_wait3A_33 = tpu.memref_slice %arg6[%dma_wait3A_31, %dma_wait3A_32] : memref<1000x64xf32, #tpu.memory_space<hbm>> -> memref<1000x64xf32, #tpu.memory_space<hbm>>
    tpu.wait_indirect_dma semaphore(%arg32 : memref<!tpu.dma_semaphore, #tpu.memory_space<semaphore_mem>>) src(%dma_wait3A_33 : memref<1000x64xf32, #tpu.memory_space<hbm>>) dst(%arg23 : memref<128x64xf32, #tpu.memory_space<vmem>>)
    %dma_wait3A_34 = arith.constant 0 : i32
    %dma_wait3A_35 = arith.constant 0 : i32
    %dma_wait3A_36 = tpu.memref_slice %arg7[%dma_wait3A_34, %dma_wait3A_35] : memref<1000x64xf32, #tpu.memory_space<hbm>> -> memref<1000x64xf32, #tpu.memory_space<hbm>>
    tpu.wait_indirect_dma semaphore(%arg32 : memref<!tpu.dma_semaphore, #tpu.memory_space<semaphore_mem>>) src(%dma_wait3A_36 : memref<1000x64xf32, #tpu.memory_space<hbm>>) dst(%arg24 : memref<128x64xf32, #tpu.memory_space<vmem>>)
    %dma_wait3A_37 = arith.constant 0 : i32
    %dma_wait3A_38 = arith.constant 0 : i32
    %dma_wait3A_39 = tpu.memref_slice %arg8[%dma_wait3A_37, %dma_wait3A_38] : memref<1000x64xf32, #tpu.memory_space<hbm>> -> memref<1000x64xf32, #tpu.memory_space<hbm>>
    tpu.wait_indirect_dma semaphore(%arg32 : memref<!tpu.dma_semaphore, #tpu.memory_space<semaphore_mem>>) src(%dma_wait3A_39 : memref<1000x64xf32, #tpu.memory_space<hbm>>) dst(%arg25 : memref<128x64xf32, #tpu.memory_space<vmem>>)
    %dma_wait3A_40 = arith.constant 0 : i32
    %dma_wait3A_41 = arith.constant 0 : i32
    %dma_wait3A_42 = tpu.memref_slice %arg4[%dma_wait3A_40, %dma_wait3A_41] : memref<1000000x64xf32, #tpu.memory_space<hbm>> -> memref<1000000x64xf32, #tpu.memory_space<hbm>>
    tpu.wait_indirect_dma semaphore(%arg32 : memref<!tpu.dma_semaphore, #tpu.memory_space<semaphore_mem>>) src(%dma_wait3A_42 : memref<1000000x64xf32, #tpu.memory_space<hbm>>) dst(%arg26 : memref<128x64xf32, #tpu.memory_space<vmem>>)
    %scan3A = arith.constant 0 : i32
    %scan3A_43 = arith.constant 0 : i32
    %scan3A_44 = arith.constant 128 : i32
    %scan3A_45 = arith.addi %scan3A_43, %scan3A_44 : i32
    %scan3A_46 = arith.constant 1 : i32
    %scan3A_47 = scf.for %scan3A_245 = %scan3A_43 to %scan3A_45 step %scan3A_46 iter_args(%scan3A_246 = %scan3A) -> (i32)  : i32 {
      %get3A_247 = arith.index_cast %scan3A_245 : i32 to index
      %get3A_248 = arith.constant 0 : index
      %get3A_249 = tpu.vector_load %arg20[%get3A_247, %get3A_248] {strides = array<i32>} : memref<128x64xf32, #tpu.memory_space<vmem>>, vector<16xf32>,
      %get3A_250 = arith.index_cast %scan3A_245 : i32 to index
      %get3A_251 = arith.constant 0 : index
      %get3A_252 = tpu.vector_load %arg22[%get3A_250, %get3A_251] {strides = array<i32>} : memref<128x64xf32, #tpu.memory_space<vmem>>, vector<16xf32>,
      %mul3A_253 = arith.mulf %get3A_249, %get3A_252 : vector<16xf32>
      %get3A_254 = arith.index_cast %scan3A_245 : i32 to index
      %get3A_255 = arith.constant 0 : index
      %get3A_256 = tpu.vector_load %arg23[%get3A_254, %get3A_255] {strides = array<i32>} : memref<128x64xf32, #tpu.memory_space<vmem>>, vector<16xf32>,
      %add3A_257 = arith.addf %mul3A_253, %get3A_256 : vector<16xf32>
      %swap3A = arith.index_cast %scan3A_245 : i32 to index
      %swap3A_258 = arith.constant 0 : index
      %swap3A_259 = tpu.vector_load %arg20[%swap3A, %swap3A_258] {strides = array<i32>} : memref<128x64xf32, #tpu.memory_space<vmem>>, vector<16xf32>,
      tpu.vector_store %arg20[%swap3A, %swap3A_258], %add3A_257 {strides = array<i32>} : memref<128x64xf32, #tpu.memory_space<vmem>>, vector<16xf32>,
      %get3A_260 = arith.index_cast %scan3A_245 : i32 to index
      %get3A_261 = arith.constant 0 : index
      %get3A_262 = tpu.vector_load %arg21[%get3A_260, %get3A_261] {strides = array<i32>} : memref<128x64xf32, #tpu.memory_space<vmem>>, vector<16xf32>,
      %get3A_263 = arith.index_cast %scan3A_245 : i32 to index
      %get3A_264 = arith.constant 0 : index
      %get3A_265 = tpu.vector_load %arg24[%get3A_263, %get3A_264] {strides = array<i32>} : memref<128x64xf32, #tpu.memory_space<vmem>>, vector<16xf32>,
      %mul3A_266 = arith.mulf %get3A_262, %get3A_265 : vector<16xf32>
      %get3A_267 = arith.index_cast %scan3A_245 : i32 to index
      %get3A_268 = arith.constant 0 : index
      %get3A_269 = tpu.vector_load %arg25[%get3A_267, %get3A_268] {strides = array<i32>} : memref<128x64xf32, #tpu.memory_space<vmem>>, vector<16xf32>,
      %add3A_270 = arith.addf %mul3A_266, %get3A_269 : vector<16xf32>
      %abs3A = math.absf %add3A_270 : vector<16xf32>
      %swap3A_271 = arith.index_cast %scan3A_245 : i32 to index
      %swap3A_272 = arith.constant 0 : index
      %swap3A_273 = tpu.vector_load %arg21[%swap3A_271, %swap3A_272] {strides = array<i32>} : memref<128x64xf32, #tpu.memory_space<vmem>>, vector<16xf32>,
      tpu.vector_store %arg21[%swap3A_271, %swap3A_272], %abs3A {strides = array<i32>} : memref<128x64xf32, #tpu.memory_space<vmem>>, vector<16xf32>,
      %get3A_274 = arith.index_cast %scan3A_245 : i32 to index
      %get3A_275 = arith.constant 16 : index
      %get3A_276 = tpu.vector_load %arg20[%get3A_274, %get3A_275] {strides = array<i32>} : memref<128x64xf32, #tpu.memory_space<vmem>>, vector<16xf32>,
      %get3A_277 = arith.index_cast %scan3A_245 : i32 to index
      %get3A_278 = arith.constant 16 : index
      %get3A_279 = tpu.vector_load %arg22[%get3A_277, %get3A_278] {strides = array<i32>} : memref<128x64xf32, #tpu.memory_space<vmem>>, vector<16xf32>,
      %mul3A_280 = arith.mulf %get3A_276, %get3A_279 : vector<16xf32>
      %get3A_281 = arith.index_cast %scan3A_245 : i32 to index
      %get3A_282 = arith.constant 16 : index
      %get3A_283 = tpu.vector_load %arg23[%get3A_281, %get3A_282] {strides = array<i32>} : memref<128x64xf32, #tpu.memory_space<vmem>>, vector<16xf32>,
      %add3A_284 = arith.addf %mul3A_280, %get3A_283 : vector<16xf32>
      %swap3A_285 = arith.index_cast %scan3A_245 : i32 to index
      %swap3A_286 = arith.constant 16 : index
      %swap3A_287 = tpu.vector_load %arg20[%swap3A_285, %swap3A_286] {strides = array<i32>} : memref<128x64xf32, #tpu.memory_space<vmem>>, vector<16xf32>,
      tpu.vector_store %arg20[%swap3A_285, %swap3A_286], %add3A_284 {strides = array<i32>} : memref<128x64xf32, #tpu.memory_space<vmem>>, vector<16xf32>,
      %get3A_288 = arith.index_cast %scan3A_245 : i32 to index
      %get3A_289 = arith.constant 16 : index
      %get3A_290 = tpu.vector_load %arg21[%get3A_288, %get3A_289] {strides = array<i32>} : memref<128x64xf32, #tpu.memory_space<vmem>>, vector<16xf32>,
      %get3A_291 = arith.index_cast %scan3A_245 : i32 to index
      %get3A_292 = arith.constant 16 : index
      %get3A_293 = tpu.vector_load %arg24[%get3A_291, %get3A_292] {strides = array<i32>} : memref<128x64xf32, #tpu.memory_space<vmem>>, vector<16xf32>,
      %mul3A_294 = arith.mulf %get3A_290, %get3A_293 : vector<16xf32>
      %get3A_295 = arith.index_cast %scan3A_245 : i32 to index
      %get3A_296 = arith.constant 16 : index
      %get3A_297 = tpu.vector_load %arg25[%get3A_295, %get3A_296] {strides = array<i32>} : memref<128x64xf32, #tpu.memory_space<vmem>>, vector<16xf32>,
      %add3A_298 = arith.addf %mul3A_294, %get3A_297 : vector<16xf32>
      %abs3A_299 = math.absf %add3A_298 : vector<16xf32>
      %swap3A_300 = arith.index_cast %scan3A_245 : i32 to index
      %swap3A_301 = arith.constant 16 : index
      %swap3A_302 = tpu.vector_load %arg21[%swap3A_300, %swap3A_301] {strides = array<i32>} : memref<128x64xf32, #tpu.memory_space<vmem>>, vector<16xf32>,
      tpu.vector_store %arg21[%swap3A_300, %swap3A_301], %abs3A_299 {strides = array<i32>} : memref<128x64xf32, #tpu.memory_space<vmem>>, vector<16xf32>,
      %get3A_303 = arith.index_cast %scan3A_245 : i32 to index
      %get3A_304 = arith.constant 32 : index
      %get3A_305 = tpu.vector_load %arg20[%get3A_303, %get3A_304] {strides = array<i32>} : memref<128x64xf32, #tpu.memory_space<vmem>>, vector<16xf32>,
      %get3A_306 = arith.index_cast %scan3A_245 : i32 to index
      %get3A_307 = arith.constant 32 : index
      %get3A_308 = tpu.vector_load %arg22[%get3A_306, %get3A_307] {strides = array<i32>} : memref<128x64xf32, #tpu.memory_space<vmem>>, vector<16xf32>,
      %mul3A_309 = arith.mulf %get3A_305, %get3A_308 : vector<16xf32>
      %get3A_310 = arith.index_cast %scan3A_245 : i32 to index
      %get3A_311 = arith.constant 32 : index
      %get3A_312 = tpu.vector_load %arg23[%get3A_310, %get3A_311] {strides = array<i32>} : memref<128x64xf32, #tpu.memory_space<vmem>>, vector<16xf32>,
      %add3A_313 = arith.addf %mul3A_309, %get3A_312 : vector<16xf32>
      %swap3A_314 = arith.index_cast %scan3A_245 : i32 to index
      %swap3A_315 = arith.constant 32 : index
      %swap3A_316 = tpu.vector_load %arg20[%swap3A_314, %swap3A_315] {strides = array<i32>} : memref<128x64xf32, #tpu.memory_space<vmem>>, vector<16xf32>,
      tpu.vector_store %arg20[%swap3A_314, %swap3A_315], %add3A_313 {strides = array<i32>} : memref<128x64xf32, #tpu.memory_space<vmem>>, vector<16xf32>,
      %get3A_317 = arith.index_cast %scan3A_245 : i32 to index
      %get3A_318 = arith.constant 32 : index
      %get3A_319 = tpu.vector_load %arg21[%get3A_317, %get3A_318] {strides = array<i32>} : memref<128x64xf32, #tpu.memory_space<vmem>>, vector<16xf32>,
      %get3A_320 = arith.index_cast %scan3A_245 : i32 to index
      %get3A_321 = arith.constant 32 : index
      %get3A_322 = tpu.vector_load %arg24[%get3A_320, %get3A_321] {strides = array<i32>} : memref<128x64xf32, #tpu.memory_space<vmem>>, vector<16xf32>,
      %mul3A_323 = arith.mulf %get3A_319, %get3A_322 : vector<16xf32>
      %get3A_324 = arith.index_cast %scan3A_245 : i32 to index
      %get3A_325 = arith.constant 32 : index
      %get3A_326 = tpu.vector_load %arg25[%get3A_324, %get3A_325] {strides = array<i32>} : memref<128x64xf32, #tpu.memory_space<vmem>>, vector<16xf32>,
      %add3A_327 = arith.addf %mul3A_323, %get3A_326 : vector<16xf32>
      %abs3A_328 = math.absf %add3A_327 : vector<16xf32>
      %swap3A_329 = arith.index_cast %scan3A_245 : i32 to index
      %swap3A_330 = arith.constant 32 : index
      %swap3A_331 = tpu.vector_load %arg21[%swap3A_329, %swap3A_330] {strides = array<i32>} : memref<128x64xf32, #tpu.memory_space<vmem>>, vector<16xf32>,
      tpu.vector_store %arg21[%swap3A_329, %swap3A_330], %abs3A_328 {strides = array<i32>} : memref<128x64xf32, #tpu.memory_space<vmem>>, vector<16xf32>,
      %get3A_332 = arith.index_cast %scan3A_245 : i32 to index
      %get3A_333 = arith.constant 48 : index
      %get3A_334 = tpu.vector_load %arg20[%get3A_332, %get3A_333] {strides = array<i32>} : memref<128x64xf32, #tpu.memory_space<vmem>>, vector<16xf32>,
      %get3A_335 = arith.index_cast %scan3A_245 : i32 to index
      %get3A_336 = arith.constant 48 : index
      %get3A_337 = tpu.vector_load %arg22[%get3A_335, %get3A_336] {strides = array<i32>} : memref<128x64xf32, #tpu.memory_space<vmem>>, vector<16xf32>,
      %mul3A_338 = arith.mulf %get3A_334, %get3A_337 : vector<16xf32>
      %get3A_339 = arith.index_cast %scan3A_245 : i32 to index
      %get3A_340 = arith.constant 48 : index
      %get3A_341 = tpu.vector_load %arg23[%get3A_339, %get3A_340] {strides = array<i32>} : memref<128x64xf32, #tpu.memory_space<vmem>>, vector<16xf32>,
      %add3A_342 = arith.addf %mul3A_338, %get3A_341 : vector<16xf32>
      %swap3A_343 = arith.index_cast %scan3A_245 : i32 to index
      %swap3A_344 = arith.constant 48 : index
      %swap3A_345 = tpu.vector_load %arg20[%swap3A_343, %swap3A_344] {strides = array<i32>} : memref<128x64xf32, #tpu.memory_space<vmem>>, vector<16xf32>,
      tpu.vector_store %arg20[%swap3A_343, %swap3A_344], %add3A_342 {strides = array<i32>} : memref<128x64xf32, #tpu.memory_space<vmem>>, vector<16xf32>,
      %get3A_346 = arith.index_cast %scan3A_245 : i32 to index
      %get3A_347 = arith.constant 48 : index
      %get3A_348 = tpu.vector_load %arg21[%get3A_346, %get3A_347] {strides = array<i32>} : memref<128x64xf32, #tpu.memory_space<vmem>>, vector<16xf32>,
      %get3A_349 = arith.index_cast %scan3A_245 : i32 to index
      %get3A_350 = arith.constant 48 : index
      %get3A_351 = tpu.vector_load %arg24[%get3A_349, %get3A_350] {strides = array<i32>} : memref<128x64xf32, #tpu.memory_space<vmem>>, vector<16xf32>,
      %mul3A_352 = arith.mulf %get3A_348, %get3A_351 : vector<16xf32>
      %get3A_353 = arith.index_cast %scan3A_245 : i32 to index
      %get3A_354 = arith.constant 48 : index
      %get3A_355 = tpu.vector_load %arg25[%get3A_353, %get3A_354] {strides = array<i32>} : memref<128x64xf32, #tpu.memory_space<vmem>>, vector<16xf32>,
      %add3A_356 = arith.addf %mul3A_352, %get3A_355 : vector<16xf32>
      %abs3A_357 = math.absf %add3A_356 : vector<16xf32>
      %swap3A_358 = arith.index_cast %scan3A_245 : i32 to index
      %swap3A_359 = arith.constant 48 : index
      %swap3A_360 = tpu.vector_load %arg21[%swap3A_358, %swap3A_359] {strides = array<i32>} : memref<128x64xf32, #tpu.memory_space<vmem>>, vector<16xf32>,
      tpu.vector_store %arg21[%swap3A_358, %swap3A_359], %abs3A_357 {strides = array<i32>} : memref<128x64xf32, #tpu.memory_space<vmem>>, vector<16xf32>,
      %scan3A_361 = arith.constant 0 : i32
      scf.yield %scan3A_361 : i32
    }
    %scan3A_48 = arith.constant 128 : i32
    %iota3A = tpu.iota {dimensions = array<i32: 0>} : vector<16xi32>
    %broadcast_in_dim3A = arith.constant 0.000000e+00 : f32
    %broadcast_in_dim3A_49 = vector.broadcast %broadcast_in_dim3A : f32 to vector<16xf32>
    %add3A_50 = arith.constant 0 : i32
    %add3A_51 = vector.broadcast %add3A_50 : i32 to vector<16xi32>
    %add3A_52 = arith.addi %iota3A, %add3A_51 : vector<16xi32>
    %get3A = arith.constant 0 : index
    %get3A_53 = tpu.vector_load %arg19[%get3A] {strides = array<i32>} : memref<128xf32, #tpu.memory_space<vmem>>, vector<16xf32>,
    %scan3A_54 = arith.constant 0 : i32
    %scan3A_55 = arith.constant 64 : i32
    %scan3A_56 = arith.addi %scan3A_54, %scan3A_55 : i32
    %scan3A_57 = arith.constant 1 : i32
    %scan3A_58:2 = scf.for %scan3A_245 = %scan3A_54 to %scan3A_56 step %scan3A_57 iter_args(%scan3A_246 = %broadcast_in_dim3A_49, %scan3A_247 = %broadcast_in_dim3A_49) -> (vector<16xf32>, vector<16xf32>)  : i32 {
      %add3A_248 = vector.broadcast %scan3A_245 : i32 to vector<16xi32>
      %add3A_249 = arith.addi %add3A_248, %iota3A : vector<16xi32>
      %and3A = arith.constant 63 : i32
      %and3A_250 = vector.broadcast %and3A : i32 to vector<16xi32>
      %and3A_251 = arith.andi %add3A_249, %and3A_250 : vector<16xi32>
      %gather3A = tpu.vector_load_idx %arg26[%add3A_52, %and3A_251] : memref<128x64xf32, #tpu.memory_space<vmem>>[vector<16xi32>, vector<16xi32>], vector<16xf32>,
      %gather3A_252 = tpu.vector_load_idx %arg20[%add3A_52, %and3A_251] : memref<128x64xf32, #tpu.memory_space<vmem>>[vector<16xi32>, vector<16xi32>], vector<16xf32>,
      %gather3A_253 = tpu.vector_load_idx %arg21[%add3A_52, %and3A_251] : memref<128x64xf32, #tpu.memory_space<vmem>>[vector<16xi32>, vector<16xi32>], vector<16xf32>,
      %sub3A_254 = arith.subf %gather3A, %gather3A_252 : vector<16xf32>
      %abs3A = math.absf %sub3A_254 : vector<16xf32>
      %add3A_255 = arith.addf %scan3A_246, %abs3A : vector<16xf32>
      %min3A = arith.minimumf %abs3A, %gather3A_253 : vector<16xf32>
      %add3A_256 = arith.addf %scan3A_247, %min3A : vector<16xf32>
      scf.yield %add3A_255, %add3A_256 : vector<16xf32>, vector<16xf32>
    }
    %scan3A_59 = arith.constant 64 : i32
    %sub3A = arith.constant 2.400000e+01 : f32
    %sub3A_60 = vector.broadcast %sub3A : f32 to vector<16xf32>
    %sub3A_61 = arith.subf %sub3A_60, %scan3A_58#0 : vector<16xf32>
    %mul3A_62 = arith.constant 9.800000e-01 : f32
    %mul3A_63 = vector.broadcast %mul3A_62 : f32 to vector<16xf32>
    %mul3A_64 = arith.mulf %mul3A_63, %scan3A_58#1 : vector<16xf32>
    %add3A_65 = arith.addf %sub3A_61, %mul3A_64 : vector<16xf32>
    %mul3A_66 = arith.mulf %add3A_65, %get3A_53 : vector<16xf32>
    %broadcast_in_dim3A_67 = arith.constant 0 : i32
    %broadcast_in_dim3A_68 = vector.broadcast %broadcast_in_dim3A_67 : i32 to vector<16xi32>
    tpu.vector_store_idx %arg31[%add3A_52, %broadcast_in_dim3A_68], %mul3A_66 : memref<128x129xf32, #tpu.memory_space<vmem>>[vector<16xi32>, vector<16xi32>], vector<16xf32>,
    %add3A_69 = arith.constant 16 : i32
    %add3A_70 = vector.broadcast %add3A_69 : i32 to vector<16xi32>
    %add3A_71 = arith.addi %iota3A, %add3A_70 : vector<16xi32>
    %get3A_72 = arith.constant 16 : index
    %get3A_73 = tpu.vector_load %arg19[%get3A_72] {strides = array<i32>} : memref<128xf32, #tpu.memory_space<vmem>>, vector<16xf32>,
    %scan3A_74 = arith.constant 0 : i32
    %scan3A_75 = arith.constant 64 : i32
    %scan3A_76 = arith.addi %scan3A_74, %scan3A_75 : i32
    %scan3A_77 = arith.constant 1 : i32
    %scan3A_78:2 = scf.for %scan3A_245 = %scan3A_74 to %scan3A_76 step %scan3A_77 iter_args(%scan3A_246 = %broadcast_in_dim3A_49, %scan3A_247 = %broadcast_in_dim3A_49) -> (vector<16xf32>, vector<16xf32>)  : i32 {
      %add3A_248 = vector.broadcast %scan3A_245 : i32 to vector<16xi32>
      %add3A_249 = arith.addi %add3A_248, %iota3A : vector<16xi32>
      %and3A = arith.constant 63 : i32
      %and3A_250 = vector.broadcast %and3A : i32 to vector<16xi32>
      %and3A_251 = arith.andi %add3A_249, %and3A_250 : vector<16xi32>
      %gather3A = tpu.vector_load_idx %arg26[%add3A_71, %and3A_251] : memref<128x64xf32, #tpu.memory_space<vmem>>[vector<16xi32>, vector<16xi32>], vector<16xf32>,
      %gather3A_252 = tpu.vector_load_idx %arg20[%add3A_71, %and3A_251] : memref<128x64xf32, #tpu.memory_space<vmem>>[vector<16xi32>, vector<16xi32>], vector<16xf32>,
      %gather3A_253 = tpu.vector_load_idx %arg21[%add3A_71, %and3A_251] : memref<128x64xf32, #tpu.memory_space<vmem>>[vector<16xi32>, vector<16xi32>], vector<16xf32>,
      %sub3A_254 = arith.subf %gather3A, %gather3A_252 : vector<16xf32>
      %abs3A = math.absf %sub3A_254 : vector<16xf32>
      %add3A_255 = arith.addf %scan3A_246, %abs3A : vector<16xf32>
      %min3A = arith.minimumf %abs3A, %gather3A_253 : vector<16xf32>
      %add3A_256 = arith.addf %scan3A_247, %min3A : vector<16xf32>
      scf.yield %add3A_255, %add3A_256 : vector<16xf32>, vector<16xf32>
    }
    %scan3A_79 = arith.constant 64 : i32
    %sub3A_80 = arith.constant 2.400000e+01 : f32
    %sub3A_81 = vector.broadcast %sub3A_80 : f32 to vector<16xf32>
    %sub3A_82 = arith.subf %sub3A_81, %scan3A_78#0 : vector<16xf32>
    %mul3A_83 = arith.constant 9.800000e-01 : f32
    %mul3A_84 = vector.broadcast %mul3A_83 : f32 to vector<16xf32>
    %mul3A_85 = arith.mulf %mul3A_84, %scan3A_78#1 : vector<16xf32>
    %add3A_86 = arith.addf %sub3A_82, %mul3A_85 : vector<16xf32>
    %mul3A_87 = arith.mulf %add3A_86, %get3A_73 : vector<16xf32>
    %broadcast_in_dim3A_88 = arith.constant 0 : i32
    %broadcast_in_dim3A_89 = vector.broadcast %broadcast_in_dim3A_88 : i32 to vector<16xi32>
    tpu.vector_store_idx %arg31[%add3A_71, %broadcast_in_dim3A_89], %mul3A_87 : memref<128x129xf32, #tpu.memory_space<vmem>>[vector<16xi32>, vector<16xi32>], vector<16xf32>,
    %add3A_90 = arith.constant 32 : i32
    %add3A_91 = vector.broadcast %add3A_90 : i32 to vector<16xi32>
    %add3A_92 = arith.addi %iota3A, %add3A_91 : vector<16xi32>
    %get3A_93 = arith.constant 32 : index
    %get3A_94 = tpu.vector_load %arg19[%get3A_93] {strides = array<i32>} : memref<128xf32, #tpu.memory_space<vmem>>, vector<16xf32>,
    %scan3A_95 = arith.constant 0 : i32
    %scan3A_96 = arith.constant 64 : i32
    %scan3A_97 = arith.addi %scan3A_95, %scan3A_96 : i32
    %scan3A_98 = arith.constant 1 : i32
    %scan3A_99:2 = scf.for %scan3A_245 = %scan3A_95 to %scan3A_97 step %scan3A_98 iter_args(%scan3A_246 = %broadcast_in_dim3A_49, %scan3A_247 = %broadcast_in_dim3A_49) -> (vector<16xf32>, vector<16xf32>)  : i32 {
      %add3A_248 = vector.broadcast %scan3A_245 : i32 to vector<16xi32>
      %add3A_249 = arith.addi %add3A_248, %iota3A : vector<16xi32>
      %and3A = arith.constant 63 : i32
      %and3A_250 = vector.broadcast %and3A : i32 to vector<16xi32>
      %and3A_251 = arith.andi %add3A_249, %and3A_250 : vector<16xi32>
      %gather3A = tpu.vector_load_idx %arg26[%add3A_92, %and3A_251] : memref<128x64xf32, #tpu.memory_space<vmem>>[vector<16xi32>, vector<16xi32>], vector<16xf32>,
      %gather3A_252 = tpu.vector_load_idx %arg20[%add3A_92, %and3A_251] : memref<128x64xf32, #tpu.memory_space<vmem>>[vector<16xi32>, vector<16xi32>], vector<16xf32>,
      %gather3A_253 = tpu.vector_load_idx %arg21[%add3A_92, %and3A_251] : memref<128x64xf32, #tpu.memory_space<vmem>>[vector<16xi32>, vector<16xi32>], vector<16xf32>,
      %sub3A_254 = arith.subf %gather3A, %gather3A_252 : vector<16xf32>
      %abs3A = math.absf %sub3A_254 : vector<16xf32>
      %add3A_255 = arith.addf %scan3A_246, %abs3A : vector<16xf32>
      %min3A = arith.minimumf %abs3A, %gather3A_253 : vector<16xf32>
      %add3A_256 = arith.addf %scan3A_247, %min3A : vector<16xf32>
      scf.yield %add3A_255, %add3A_256 : vector<16xf32>, vector<16xf32>
    }
    %scan3A_100 = arith.constant 64 : i32
    %sub3A_101 = arith.constant 2.400000e+01 : f32
    %sub3A_102 = vector.broadcast %sub3A_101 : f32 to vector<16xf32>
    %sub3A_103 = arith.subf %sub3A_102, %scan3A_99#0 : vector<16xf32>
    %mul3A_104 = arith.constant 9.800000e-01 : f32
    %mul3A_105 = vector.broadcast %mul3A_104 : f32 to vector<16xf32>
    %mul3A_106 = arith.mulf %mul3A_105, %scan3A_99#1 : vector<16xf32>
    %add3A_107 = arith.addf %sub3A_103, %mul3A_106 : vector<16xf32>
    %mul3A_108 = arith.mulf %add3A_107, %get3A_94 : vector<16xf32>
    %broadcast_in_dim3A_109 = arith.constant 0 : i32
    %broadcast_in_dim3A_110 = vector.broadcast %broadcast_in_dim3A_109 : i32 to vector<16xi32>
    tpu.vector_store_idx %arg31[%add3A_92, %broadcast_in_dim3A_110], %mul3A_108 : memref<128x129xf32, #tpu.memory_space<vmem>>[vector<16xi32>, vector<16xi32>], vector<16xf32>,
    %add3A_111 = arith.constant 48 : i32
    %add3A_112 = vector.broadcast %add3A_111 : i32 to vector<16xi32>
    %add3A_113 = arith.addi %iota3A, %add3A_112 : vector<16xi32>
    %get3A_114 = arith.constant 48 : index
    %get3A_115 = tpu.vector_load %arg19[%get3A_114] {strides = array<i32>} : memref<128xf32, #tpu.memory_space<vmem>>, vector<16xf32>,
    %scan3A_116 = arith.constant 0 : i32
    %scan3A_117 = arith.constant 64 : i32
    %scan3A_118 = arith.addi %scan3A_116, %scan3A_117 : i32
    %scan3A_119 = arith.constant 1 : i32
    %scan3A_120:2 = scf.for %scan3A_245 = %scan3A_116 to %scan3A_118 step %scan3A_119 iter_args(%scan3A_246 = %broadcast_in_dim3A_49, %scan3A_247 = %broadcast_in_dim3A_49) -> (vector<16xf32>, vector<16xf32>)  : i32 {
      %add3A_248 = vector.broadcast %scan3A_245 : i32 to vector<16xi32>
      %add3A_249 = arith.addi %add3A_248, %iota3A : vector<16xi32>
      %and3A = arith.constant 63 : i32
      %and3A_250 = vector.broadcast %and3A : i32 to vector<16xi32>
      %and3A_251 = arith.andi %add3A_249, %and3A_250 : vector<16xi32>
      %gather3A = tpu.vector_load_idx %arg26[%add3A_113, %and3A_251] : memref<128x64xf32, #tpu.memory_space<vmem>>[vector<16xi32>, vector<16xi32>], vector<16xf32>,
      %gather3A_252 = tpu.vector_load_idx %arg20[%add3A_113, %and3A_251] : memref<128x64xf32, #tpu.memory_space<vmem>>[vector<16xi32>, vector<16xi32>], vector<16xf32>,
      %gather3A_253 = tpu.vector_load_idx %arg21[%add3A_113, %and3A_251] : memref<128x64xf32, #tpu.memory_space<vmem>>[vector<16xi32>, vector<16xi32>], vector<16xf32>,
      %sub3A_254 = arith.subf %gather3A, %gather3A_252 : vector<16xf32>
      %abs3A = math.absf %sub3A_254 : vector<16xf32>
      %add3A_255 = arith.addf %scan3A_246, %abs3A : vector<16xf32>
      %min3A = arith.minimumf %abs3A, %gather3A_253 : vector<16xf32>
      %add3A_256 = arith.addf %scan3A_247, %min3A : vector<16xf32>
      scf.yield %add3A_255, %add3A_256 : vector<16xf32>, vector<16xf32>
    }
    %scan3A_121 = arith.constant 64 : i32
    %sub3A_122 = arith.constant 2.400000e+01 : f32
    %sub3A_123 = vector.broadcast %sub3A_122 : f32 to vector<16xf32>
    %sub3A_124 = arith.subf %sub3A_123, %scan3A_120#0 : vector<16xf32>
    %mul3A_125 = arith.constant 9.800000e-01 : f32
    %mul3A_126 = vector.broadcast %mul3A_125 : f32 to vector<16xf32>
    %mul3A_127 = arith.mulf %mul3A_126, %scan3A_120#1 : vector<16xf32>
    %add3A_128 = arith.addf %sub3A_124, %mul3A_127 : vector<16xf32>
    %mul3A_129 = arith.mulf %add3A_128, %get3A_115 : vector<16xf32>
    %broadcast_in_dim3A_130 = arith.constant 0 : i32
    %broadcast_in_dim3A_131 = vector.broadcast %broadcast_in_dim3A_130 : i32 to vector<16xi32>
    tpu.vector_store_idx %arg31[%add3A_113, %broadcast_in_dim3A_131], %mul3A_129 : memref<128x129xf32, #tpu.memory_space<vmem>>[vector<16xi32>, vector<16xi32>], vector<16xf32>,
    %add3A_132 = arith.constant 64 : i32
    %add3A_133 = vector.broadcast %add3A_132 : i32 to vector<16xi32>
    %add3A_134 = arith.addi %iota3A, %add3A_133 : vector<16xi32>
    %get3A_135 = arith.constant 64 : index
    %get3A_136 = tpu.vector_load %arg19[%get3A_135] {strides = array<i32>} : memref<128xf32, #tpu.memory_space<vmem>>, vector<16xf32>,
    %scan3A_137 = arith.constant 0 : i32
    %scan3A_138 = arith.constant 64 : i32
    %scan3A_139 = arith.addi %scan3A_137, %scan3A_138 : i32
    %scan3A_140 = arith.constant 1 : i32
    %scan3A_141:2 = scf.for %scan3A_245 = %scan3A_137 to %scan3A_139 step %scan3A_140 iter_args(%scan3A_246 = %broadcast_in_dim3A_49, %scan3A_247 = %broadcast_in_dim3A_49) -> (vector<16xf32>, vector<16xf32>)  : i32 {
      %add3A_248 = vector.broadcast %scan3A_245 : i32 to vector<16xi32>
      %add3A_249 = arith.addi %add3A_248, %iota3A : vector<16xi32>
      %and3A = arith.constant 63 : i32
      %and3A_250 = vector.broadcast %and3A : i32 to vector<16xi32>
      %and3A_251 = arith.andi %add3A_249, %and3A_250 : vector<16xi32>
      %gather3A = tpu.vector_load_idx %arg26[%add3A_134, %and3A_251] : memref<128x64xf32, #tpu.memory_space<vmem>>[vector<16xi32>, vector<16xi32>], vector<16xf32>,
      %gather3A_252 = tpu.vector_load_idx %arg20[%add3A_134, %and3A_251] : memref<128x64xf32, #tpu.memory_space<vmem>>[vector<16xi32>, vector<16xi32>], vector<16xf32>,
      %gather3A_253 = tpu.vector_load_idx %arg21[%add3A_134, %and3A_251] : memref<128x64xf32, #tpu.memory_space<vmem>>[vector<16xi32>, vector<16xi32>], vector<16xf32>,
      %sub3A_254 = arith.subf %gather3A, %gather3A_252 : vector<16xf32>
      %abs3A = math.absf %sub3A_254 : vector<16xf32>
      %add3A_255 = arith.addf %scan3A_246, %abs3A : vector<16xf32>
      %min3A = arith.minimumf %abs3A, %gather3A_253 : vector<16xf32>
      %add3A_256 = arith.addf %scan3A_247, %min3A : vector<16xf32>
      scf.yield %add3A_255, %add3A_256 : vector<16xf32>, vector<16xf32>
    }
    %scan3A_142 = arith.constant 64 : i32
    %sub3A_143 = arith.constant 2.400000e+01 : f32
    %sub3A_144 = vector.broadcast %sub3A_143 : f32 to vector<16xf32>
    %sub3A_145 = arith.subf %sub3A_144, %scan3A_141#0 : vector<16xf32>
    %mul3A_146 = arith.constant 9.800000e-01 : f32
    %mul3A_147 = vector.broadcast %mul3A_146 : f32 to vector<16xf32>
    %mul3A_148 = arith.mulf %mul3A_147, %scan3A_141#1 : vector<16xf32>
    %add3A_149 = arith.addf %sub3A_145, %mul3A_148 : vector<16xf32>
    %mul3A_150 = arith.mulf %add3A_149, %get3A_136 : vector<16xf32>
    %broadcast_in_dim3A_151 = arith.constant 0 : i32
    %broadcast_in_dim3A_152 = vector.broadcast %broadcast_in_dim3A_151 : i32 to vector<16xi32>
    tpu.vector_store_idx %arg31[%add3A_134, %broadcast_in_dim3A_152], %mul3A_150 : memref<128x129xf32, #tpu.memory_space<vmem>>[vector<16xi32>, vector<16xi32>], vector<16xf32>,
    %add3A_153 = arith.constant 80 : i32
    %add3A_154 = vector.broadcast %add3A_153 : i32 to vector<16xi32>
    %add3A_155 = arith.addi %iota3A, %add3A_154 : vector<16xi32>
    %get3A_156 = arith.constant 80 : index
    %get3A_157 = tpu.vector_load %arg19[%get3A_156] {strides = array<i32>} : memref<128xf32, #tpu.memory_space<vmem>>, vector<16xf32>,
    %scan3A_158 = arith.constant 0 : i32
    %scan3A_159 = arith.constant 64 : i32
    %scan3A_160 = arith.addi %scan3A_158, %scan3A_159 : i32
    %scan3A_161 = arith.constant 1 : i32
    %scan3A_162:2 = scf.for %scan3A_245 = %scan3A_158 to %scan3A_160 step %scan3A_161 iter_args(%scan3A_246 = %broadcast_in_dim3A_49, %scan3A_247 = %broadcast_in_dim3A_49) -> (vector<16xf32>, vector<16xf32>)  : i32 {
      %add3A_248 = vector.broadcast %scan3A_245 : i32 to vector<16xi32>
      %add3A_249 = arith.addi %add3A_248, %iota3A : vector<16xi32>
      %and3A = arith.constant 63 : i32
      %and3A_250 = vector.broadcast %and3A : i32 to vector<16xi32>
      %and3A_251 = arith.andi %add3A_249, %and3A_250 : vector<16xi32>
      %gather3A = tpu.vector_load_idx %arg26[%add3A_155, %and3A_251] : memref<128x64xf32, #tpu.memory_space<vmem>>[vector<16xi32>, vector<16xi32>], vector<16xf32>,
      %gather3A_252 = tpu.vector_load_idx %arg20[%add3A_155, %and3A_251] : memref<128x64xf32, #tpu.memory_space<vmem>>[vector<16xi32>, vector<16xi32>], vector<16xf32>,
      %gather3A_253 = tpu.vector_load_idx %arg21[%add3A_155, %and3A_251] : memref<128x64xf32, #tpu.memory_space<vmem>>[vector<16xi32>, vector<16xi32>], vector<16xf32>,
      %sub3A_254 = arith.subf %gather3A, %gather3A_252 : vector<16xf32>
      %abs3A = math.absf %sub3A_254 : vector<16xf32>
      %add3A_255 = arith.addf %scan3A_246, %abs3A : vector<16xf32>
      %min3A = arith.minimumf %abs3A, %gather3A_253 : vector<16xf32>
      %add3A_256 = arith.addf %scan3A_247, %min3A : vector<16xf32>
      scf.yield %add3A_255, %add3A_256 : vector<16xf32>, vector<16xf32>
    }
    %scan3A_163 = arith.constant 64 : i32
    %sub3A_164 = arith.constant 2.400000e+01 : f32
    %sub3A_165 = vector.broadcast %sub3A_164 : f32 to vector<16xf32>
    %sub3A_166 = arith.subf %sub3A_165, %scan3A_162#0 : vector<16xf32>
    %mul3A_167 = arith.constant 9.800000e-01 : f32
    %mul3A_168 = vector.broadcast %mul3A_167 : f32 to vector<16xf32>
    %mul3A_169 = arith.mulf %mul3A_168, %scan3A_162#1 : vector<16xf32>
    %add3A_170 = arith.addf %sub3A_166, %mul3A_169 : vector<16xf32>
    %mul3A_171 = arith.mulf %add3A_170, %get3A_157 : vector<16xf32>
    %broadcast_in_dim3A_172 = arith.constant 0 : i32
    %broadcast_in_dim3A_173 = vector.broadcast %broadcast_in_dim3A_172 : i32 to vector<16xi32>
    tpu.vector_store_idx %arg31[%add3A_155, %broadcast_in_dim3A_173], %mul3A_171 : memref<128x129xf32, #tpu.memory_space<vmem>>[vector<16xi32>, vector<16xi32>], vector<16xf32>,
    %add3A_174 = arith.constant 96 : i32
    %add3A_175 = vector.broadcast %add3A_174 : i32 to vector<16xi32>
    %add3A_176 = arith.addi %iota3A, %add3A_175 : vector<16xi32>
    %get3A_177 = arith.constant 96 : index
    %get3A_178 = tpu.vector_load %arg19[%get3A_177] {strides = array<i32>} : memref<128xf32, #tpu.memory_space<vmem>>, vector<16xf32>,
    %scan3A_179 = arith.constant 0 : i32
    %scan3A_180 = arith.constant 64 : i32
    %scan3A_181 = arith.addi %scan3A_179, %scan3A_180 : i32
    %scan3A_182 = arith.constant 1 : i32
    %scan3A_183:2 = scf.for %scan3A_245 = %scan3A_179 to %scan3A_181 step %scan3A_182 iter_args(%scan3A_246 = %broadcast_in_dim3A_49, %scan3A_247 = %broadcast_in_dim3A_49) -> (vector<16xf32>, vector<16xf32>)  : i32 {
      %add3A_248 = vector.broadcast %scan3A_245 : i32 to vector<16xi32>
      %add3A_249 = arith.addi %add3A_248, %iota3A : vector<16xi32>
      %and3A = arith.constant 63 : i32
      %and3A_250 = vector.broadcast %and3A : i32 to vector<16xi32>
      %and3A_251 = arith.andi %add3A_249, %and3A_250 : vector<16xi32>
      %gather3A = tpu.vector_load_idx %arg26[%add3A_176, %and3A_251] : memref<128x64xf32, #tpu.memory_space<vmem>>[vector<16xi32>, vector<16xi32>], vector<16xf32>,
      %gather3A_252 = tpu.vector_load_idx %arg20[%add3A_176, %and3A_251] : memref<128x64xf32, #tpu.memory_space<vmem>>[vector<16xi32>, vector<16xi32>], vector<16xf32>,
      %gather3A_253 = tpu.vector_load_idx %arg21[%add3A_176, %and3A_251] : memref<128x64xf32, #tpu.memory_space<vmem>>[vector<16xi32>, vector<16xi32>], vector<16xf32>,
      %sub3A_254 = arith.subf %gather3A, %gather3A_252 : vector<16xf32>
      %abs3A = math.absf %sub3A_254 : vector<16xf32>
      %add3A_255 = arith.addf %scan3A_246, %abs3A : vector<16xf32>
      %min3A = arith.minimumf %abs3A, %gather3A_253 : vector<16xf32>
      %add3A_256 = arith.addf %scan3A_247, %min3A : vector<16xf32>
      scf.yield %add3A_255, %add3A_256 : vector<16xf32>, vector<16xf32>
    }
    %scan3A_184 = arith.constant 64 : i32
    %sub3A_185 = arith.constant 2.400000e+01 : f32
    %sub3A_186 = vector.broadcast %sub3A_185 : f32 to vector<16xf32>
    %sub3A_187 = arith.subf %sub3A_186, %scan3A_183#0 : vector<16xf32>
    %mul3A_188 = arith.constant 9.800000e-01 : f32
    %mul3A_189 = vector.broadcast %mul3A_188 : f32 to vector<16xf32>
    %mul3A_190 = arith.mulf %mul3A_189, %scan3A_183#1 : vector<16xf32>
    %add3A_191 = arith.addf %sub3A_187, %mul3A_190 : vector<16xf32>
    %mul3A_192 = arith.mulf %add3A_191, %get3A_178 : vector<16xf32>
    %broadcast_in_dim3A_193 = arith.constant 0 : i32
    %broadcast_in_dim3A_194 = vector.broadcast %broadcast_in_dim3A_193 : i32 to vector<16xi32>
    tpu.vector_store_idx %arg31[%add3A_176, %broadcast_in_dim3A_194], %mul3A_192 : memref<128x129xf32, #tpu.memory_space<vmem>>[vector<16xi32>, vector<16xi32>], vector<16xf32>,
    %add3A_195 = arith.constant 112 : i32
    %add3A_196 = vector.broadcast %add3A_195 : i32 to vector<16xi32>
    %add3A_197 = arith.addi %iota3A, %add3A_196 : vector<16xi32>
    %get3A_198 = arith.constant 112 : index
    %get3A_199 = tpu.vector_load %arg19[%get3A_198] {strides = array<i32>} : memref<128xf32, #tpu.memory_space<vmem>>, vector<16xf32>,
    %scan3A_200 = arith.constant 0 : i32
    %scan3A_201 = arith.constant 64 : i32
    %scan3A_202 = arith.addi %scan3A_200, %scan3A_201 : i32
    %scan3A_203 = arith.constant 1 : i32
    %scan3A_204:2 = scf.for %scan3A_245 = %scan3A_200 to %scan3A_202 step %scan3A_203 iter_args(%scan3A_246 = %broadcast_in_dim3A_49, %scan3A_247 = %broadcast_in_dim3A_49) -> (vector<16xf32>, vector<16xf32>)  : i32 {
      %add3A_248 = vector.broadcast %scan3A_245 : i32 to vector<16xi32>
      %add3A_249 = arith.addi %add3A_248, %iota3A : vector<16xi32>
      %and3A = arith.constant 63 : i32
      %and3A_250 = vector.broadcast %and3A : i32 to vector<16xi32>
      %and3A_251 = arith.andi %add3A_249, %and3A_250 : vector<16xi32>
      %gather3A = tpu.vector_load_idx %arg26[%add3A_197, %and3A_251] : memref<128x64xf32, #tpu.memory_space<vmem>>[vector<16xi32>, vector<16xi32>], vector<16xf32>,
      %gather3A_252 = tpu.vector_load_idx %arg20[%add3A_197, %and3A_251] : memref<128x64xf32, #tpu.memory_space<vmem>>[vector<16xi32>, vector<16xi32>], vector<16xf32>,
      %gather3A_253 = tpu.vector_load_idx %arg21[%add3A_197, %and3A_251] : memref<128x64xf32, #tpu.memory_space<vmem>>[vector<16xi32>, vector<16xi32>], vector<16xf32>,
      %sub3A_254 = arith.subf %gather3A, %gather3A_252 : vector<16xf32>
      %abs3A = math.absf %sub3A_254 : vector<16xf32>
      %add3A_255 = arith.addf %scan3A_246, %abs3A : vector<16xf32>
      %min3A = arith.minimumf %abs3A, %gather3A_253 : vector<16xf32>
      %add3A_256 = arith.addf %scan3A_247, %min3A : vector<16xf32>
      scf.yield %add3A_255, %add3A_256 : vector<16xf32>, vector<16xf32>
    }
    %scan3A_205 = arith.constant 64 : i32
    %sub3A_206 = arith.constant 2.400000e+01 : f32
    %sub3A_207 = vector.broadcast %sub3A_206 : f32 to vector<16xf32>
    %sub3A_208 = arith.subf %sub3A_207, %scan3A_204#0 : vector<16xf32>
    %mul3A_209 = arith.constant 9.800000e-01 : f32
    %mul3A_210 = vector.broadcast %mul3A_209 : f32 to vector<16xf32>
    %mul3A_211 = arith.mulf %mul3A_210, %scan3A_204#1 : vector<16xf32>
    %add3A_212 = arith.addf %sub3A_208, %mul3A_211 : vector<16xf32>
    %mul3A_213 = arith.mulf %add3A_212, %get3A_199 : vector<16xf32>
    %broadcast_in_dim3A_214 = arith.constant 0 : i32
    %broadcast_in_dim3A_215 = vector.broadcast %broadcast_in_dim3A_214 : i32 to vector<16xi32>
    tpu.vector_store_idx %arg31[%add3A_197, %broadcast_in_dim3A_215], %mul3A_213 : memref<128x129xf32, #tpu.memory_space<vmem>>[vector<16xi32>, vector<16xi32>], vector<16xf32>,
    %dma_start3A_216 = arith.constant 0 : i32
    %dma_start3A_217 = arith.constant 0 : i32
    %dma_start3A_218 = tpu.memref_slice %arg18[%dma_start3A_216, %dma_start3A_217] : memref<128x128xi32, #tpu.memory_space<vmem>> -> memref<1x128xi32, #tpu.memory_space<vmem>>
    %dma_start3A_219 = tpu.memref_squeeze %dma_start3A_218 : memref<1x128xi32, #tpu.memory_space<vmem>> -> memref<128xi32, #tpu.memory_space<vmem>>
    %dma_start3A_220 = arith.constant 0 : i32
    %dma_start3A_221 = arith.constant 0 : i32
    %dma_start3A_222 = tpu.memref_slice %arg4[%dma_start3A_220, %dma_start3A_221] : memref<1000000x64xf32, #tpu.memory_space<hbm>> -> memref<1000000x64xf32, #tpu.memory_space<hbm>>
    tpu.enqueue_indirect_dma source(%dma_start3A_222 : memref<1000000x64xf32, #tpu.memory_space<hbm>>) target(%arg27 : memref<128x64xf32, #tpu.memory_space<vmem>>) offsets(%dma_start3A_219 : memref<128xi32, #tpu.memory_space<vmem>>) semaphore(%arg32 : memref<!tpu.dma_semaphore, #tpu.memory_space<semaphore_mem>>)
    %dma_start3A_223 = arith.constant 1 : i32
    %dma_start3A_224 = arith.constant 0 : i32
    %dma_start3A_225 = tpu.memref_slice %arg18[%dma_start3A_223, %dma_start3A_224] : memref<128x128xi32, #tpu.memory_space<vmem>> -> memref<1x128xi32, #tpu.memory_space<vmem>>
    %dma_start3A_226 = tpu.memref_squeeze %dma_start3A_225 : memref<1x128xi32, #tpu.memory_space<vmem>> -> memref<128xi32, #tpu.memory_space<vmem>>
    %dma_start3A_227 = arith.constant 0 : i32
    %dma_start3A_228 = arith.constant 0 : i32
    %dma_start3A_229 = tpu.memref_slice %arg4[%dma_start3A_227, %dma_start3A_228] : memref<1000000x64xf32, #tpu.memory_space<hbm>> -> memref<1000000x64xf32, #tpu.memory_space<hbm>>
    tpu.enqueue_indirect_dma source(%dma_start3A_229 : memref<1000000x64xf32, #tpu.memory_space<hbm>>) target(%arg28 : memref<128x64xf32, #tpu.memory_space<vmem>>) offsets(%dma_start3A_226 : memref<128xi32, #tpu.memory_space<vmem>>) semaphore(%arg33 : memref<!tpu.dma_semaphore, #tpu.memory_space<semaphore_mem>>)
    %dma_start3A_230 = arith.constant 2 : i32
    %dma_start3A_231 = arith.constant 0 : i32
    %dma_start3A_232 = tpu.memref_slice %arg18[%dma_start3A_230, %dma_start3A_231] : memref<128x128xi32, #tpu.memory_space<vmem>> -> memref<1x128xi32, #tpu.memory_space<vmem>>
    %dma_start3A_233 = tpu.memref_squeeze %dma_start3A_232 : memref<1x128xi32, #tpu.memory_space<vmem>> -> memref<128xi32, #tpu.memory_space<vmem>>
    %dma_start3A_234 = arith.constant 0 : i32
    %dma_start3A_235 = arith.constant 0 : i32
    %dma_start3A_236 = tpu.memref_slice %arg4[%dma_start3A_234, %dma_start3A_235] : memref<1000000x64xf32, #tpu.memory_space<hbm>> -> memref<1000000x64xf32, #tpu.memory_space<hbm>>
    tpu.enqueue_indirect_dma source(%dma_start3A_236 : memref<1000000x64xf32, #tpu.memory_space<hbm>>) target(%arg29 : memref<128x64xf32, #tpu.memory_space<vmem>>) offsets(%dma_start3A_233 : memref<128xi32, #tpu.memory_space<vmem>>) semaphore(%arg34 : memref<!tpu.dma_semaphore, #tpu.memory_space<semaphore_mem>>)
    %scan3A_237 = arith.constant 9.800000e-01 : f32
    %scan3A_238 = arith.constant 0 : i32
    %scan3A_239 = arith.constant 0 : i32
    %scan3A_240 = arith.constant 32 : i32
    %scan3A_241 = arith.addi %scan3A_239, %scan3A_240 : i32
    %scan3A_242 = arith.constant 1 : i32
    %scan3A_243 = scf.for %scan3A_245 = %scan3A_239 to %scan3A_241 step %scan3A_242 iter_args(%scan3A_246 = %scan3A_238) -> (i32)  : i32 {
      %mul3A_247 = arith.constant 4 : i32
      %mul3A_248 = arith.muli %mul3A_247, %scan3A_245 : i32
      %add3A_249 = arith.constant 0 : i32
      %add3A_250 = arith.addi %mul3A_248, %add3A_249 : i32
      %dma_wait3A_251 = arith.constant 0 : i32
      %dma_wait3A_252 = tpu.memref_slice %arg18[%add3A_250, %dma_wait3A_251] : memref<128x128xi32, #tpu.memory_space<vmem>> -> memref<1x128xi32, #tpu.memory_space<vmem>>
      %dma_wait3A_253 = tpu.memref_squeeze %dma_wait3A_252 : memref<1x128xi32, #tpu.memory_space<vmem>> -> memref<128xi32, #tpu.memory_space<vmem>>
      %dma_wait3A_254 = arith.constant 0 : i32
      %dma_wait3A_255 = arith.constant 0 : i32
      %dma_wait3A_256 = tpu.memref_slice %arg4[%dma_wait3A_254, %dma_wait3A_255] : memref<1000000x64xf32, #tpu.memory_space<hbm>> -> memref<1000000x64xf32, #tpu.memory_space<hbm>>
      tpu.wait_indirect_dma semaphore(%arg32 : memref<!tpu.dma_semaphore, #tpu.memory_space<semaphore_mem>>) src(%dma_wait3A_256 : memref<1000000x64xf32, #tpu.memory_space<hbm>>) dst(%arg27 : memref<128x64xf32, #tpu.memory_space<vmem>>)
      %add3A_257 = arith.constant 3 : i32
      %add3A_258 = arith.addi %add3A_250, %add3A_257 : i32
      %lt3A = arith.constant 128 : i32
      %lt3A_259 = arith.cmpi slt, %add3A_258, %lt3A : i32
      %convert_element_type3A = arith.extui %lt3A_259 : i1 to i32
      %cond3A = arith.constant 0 : i32
      %cond3A_260 = arith.cmpi ne, %convert_element_type3A, %cond3A : i32
      scf.if %cond3A_260 {
        %add3A_658 = arith.constant 3 : i32
        %add3A_659 = arith.addi %add3A_250, %add3A_658 : i32
        %dma_start3A_660 = arith.constant 0 : i32
        %dma_start3A_661 = tpu.memref_slice %arg18[%add3A_659, %dma_start3A_660] : memref<128x128xi32, #tpu.memory_space<vmem>> -> memref<1x128xi32, #tpu.memory_space<vmem>>
        %dma_start3A_662 = tpu.memref_squeeze %dma_start3A_661 : memref<1x128xi32, #tpu.memory_space<vmem>> -> memref<128xi32, #tpu.memory_space<vmem>>
        %dma_start3A_663 = arith.constant 0 : i32
        %dma_start3A_664 = arith.constant 0 : i32
        %dma_start3A_665 = tpu.memref_slice %arg4[%dma_start3A_663, %dma_start3A_664] : memref<1000000x64xf32, #tpu.memory_space<hbm>> -> memref<1000000x64xf32, #tpu.memory_space<hbm>>
        tpu.enqueue_indirect_dma source(%dma_start3A_665 : memref<1000000x64xf32, #tpu.memory_space<hbm>>) target(%arg30 : memref<128x64xf32, #tpu.memory_space<vmem>>) offsets(%dma_start3A_662 : memref<128xi32, #tpu.memory_space<vmem>>) semaphore(%arg35 : memref<!tpu.dma_semaphore, #tpu.memory_space<semaphore_mem>>)
      } else {
      }
      %broadcast_in_dim3A_261 = vector.broadcast %add3A_250 : i32 to vector<16xi32>
      %gather3A = tpu.vector_load_idx %arg19[%broadcast_in_dim3A_261] : memref<128xf32, #tpu.memory_space<vmem>>[vector<16xi32>], vector<16xf32>,
      %scan3A_262 = arith.constant 0 : i32
      %scan3A_263 = arith.constant 64 : i32
      %scan3A_264 = arith.addi %scan3A_262, %scan3A_263 : i32
      %scan3A_265 = arith.constant 1 : i32
      %scan3A_266:16 = scf.for %scan3A_658 = %scan3A_262 to %scan3A_264 step %scan3A_265 iter_args(%scan3A_659 = %broadcast_in_dim3A_49, %scan3A_660 = %broadcast_in_dim3A_49, %scan3A_661 = %broadcast_in_dim3A_49, %scan3A_662 = %broadcast_in_dim3A_49, %scan3A_663 = %broadcast_in_dim3A_49, %scan3A_664 = %broadcast_in_dim3A_49, %scan3A_665 = %broadcast_in_dim3A_49, %scan3A_666 = %broadcast_in_dim3A_49, %scan3A_667 = %broadcast_in_dim3A_49, %scan3A_668 = %broadcast_in_dim3A_49, %scan3A_669 = %broadcast_in_dim3A_49, %scan3A_670 = %broadcast_in_dim3A_49, %scan3A_671 = %broadcast_in_dim3A_49, %scan3A_672 = %broadcast_in_dim3A_49, %scan3A_673 = %broadcast_in_dim3A_49, %scan3A_674 = %broadcast_in_dim3A_49) -> (vector<16xf32>, vector<16xf32>, vector<16xf32>, vector<16xf32>, vector<16xf32>, vector<16xf32>, vector<16xf32>, vector<16xf32>, vector<16xf32>, vector<16xf32>, vector<16xf32>, vector<16xf32>, vector<16xf32>, vector<16xf32>, vector<16xf32>, vector<16xf32>)  : i32 {
        %add3A_675 = vector.broadcast %scan3A_658 : i32 to vector<16xi32>
        %add3A_676 = arith.addi %add3A_675, %iota3A : vector<16xi32>
        %and3A = arith.constant 63 : i32
        %and3A_677 = vector.broadcast %and3A : i32 to vector<16xi32>
        %and3A_678 = arith.andi %add3A_676, %and3A_677 : vector<16xi32>
        %gather3A_679 = tpu.vector_load_idx %arg20[%broadcast_in_dim3A_261, %and3A_678] : memref<128x64xf32, #tpu.memory_space<vmem>>[vector<16xi32>, vector<16xi32>], vector<16xf32>,
        %gather3A_680 = tpu.vector_load_idx %arg21[%broadcast_in_dim3A_261, %and3A_678] : memref<128x64xf32, #tpu.memory_space<vmem>>[vector<16xi32>, vector<16xi32>], vector<16xf32>,
        %add3A_681 = arith.constant 0 : i32
        %add3A_682 = vector.broadcast %add3A_681 : i32 to vector<16xi32>
        %add3A_683 = arith.addi %iota3A, %add3A_682 : vector<16xi32>
        %gather3A_684 = tpu.vector_load_idx %arg27[%add3A_683, %and3A_678] : memref<128x64xf32, #tpu.memory_space<vmem>>[vector<16xi32>, vector<16xi32>], vector<16xf32>,
        %sub3A_685 = arith.subf %gather3A_684, %gather3A_679 : vector<16xf32>
        %abs3A = math.absf %sub3A_685 : vector<16xf32>
        %add3A_686 = arith.addf %scan3A_659, %abs3A : vector<16xf32>
        %min3A = arith.minimumf %abs3A, %gather3A_680 : vector<16xf32>
        %add3A_687 = arith.addf %scan3A_660, %min3A : vector<16xf32>
        %add3A_688 = arith.constant 16 : i32
        %add3A_689 = vector.broadcast %add3A_688 : i32 to vector<16xi32>
        %add3A_690 = arith.addi %iota3A, %add3A_689 : vector<16xi32>
        %gather3A_691 = tpu.vector_load_idx %arg27[%add3A_690, %and3A_678] : memref<128x64xf32, #tpu.memory_space<vmem>>[vector<16xi32>, vector<16xi32>], vector<16xf32>,
        %sub3A_692 = arith.subf %gather3A_691, %gather3A_679 : vector<16xf32>
        %abs3A_693 = math.absf %sub3A_692 : vector<16xf32>
        %add3A_694 = arith.addf %scan3A_661, %abs3A_693 : vector<16xf32>
        %min3A_695 = arith.minimumf %abs3A_693, %gather3A_680 : vector<16xf32>
        %add3A_696 = arith.addf %scan3A_662, %min3A_695 : vector<16xf32>
        %add3A_697 = arith.constant 32 : i32
        %add3A_698 = vector.broadcast %add3A_697 : i32 to vector<16xi32>
        %add3A_699 = arith.addi %iota3A, %add3A_698 : vector<16xi32>
        %gather3A_700 = tpu.vector_load_idx %arg27[%add3A_699, %and3A_678] : memref<128x64xf32, #tpu.memory_space<vmem>>[vector<16xi32>, vector<16xi32>], vector<16xf32>,
        %sub3A_701 = arith.subf %gather3A_700, %gather3A_679 : vector<16xf32>
        %abs3A_702 = math.absf %sub3A_701 : vector<16xf32>
        %add3A_703 = arith.addf %scan3A_663, %abs3A_702 : vector<16xf32>
        %min3A_704 = arith.minimumf %abs3A_702, %gather3A_680 : vector<16xf32>
        %add3A_705 = arith.addf %scan3A_664, %min3A_704 : vector<16xf32>
        %add3A_706 = arith.constant 48 : i32
        %add3A_707 = vector.broadcast %add3A_706 : i32 to vector<16xi32>
        %add3A_708 = arith.addi %iota3A, %add3A_707 : vector<16xi32>
        %gather3A_709 = tpu.vector_load_idx %arg27[%add3A_708, %and3A_678] : memref<128x64xf32, #tpu.memory_space<vmem>>[vector<16xi32>, vector<16xi32>], vector<16xf32>,
        %sub3A_710 = arith.subf %gather3A_709, %gather3A_679 : vector<16xf32>
        %abs3A_711 = math.absf %sub3A_710 : vector<16xf32>
        %add3A_712 = arith.addf %scan3A_665, %abs3A_711 : vector<16xf32>
        %min3A_713 = arith.minimumf %abs3A_711, %gather3A_680 : vector<16xf32>
        %add3A_714 = arith.addf %scan3A_666, %min3A_713 : vector<16xf32>
        %add3A_715 = arith.constant 64 : i32
        %add3A_716 = vector.broadcast %add3A_715 : i32 to vector<16xi32>
        %add3A_717 = arith.addi %iota3A, %add3A_716 : vector<16xi32>
        %gather3A_718 = tpu.vector_load_idx %arg27[%add3A_717, %and3A_678] : memref<128x64xf32, #tpu.memory_space<vmem>>[vector<16xi32>, vector<16xi32>], vector<16xf32>,
        %sub3A_719 = arith.subf %gather3A_718, %gather3A_679 : vector<16xf32>
        %abs3A_720 = math.absf %sub3A_719 : vector<16xf32>
        %add3A_721 = arith.addf %scan3A_667, %abs3A_720 : vector<16xf32>
        %min3A_722 = arith.minimumf %abs3A_720, %gather3A_680 : vector<16xf32>
        %add3A_723 = arith.addf %scan3A_668, %min3A_722 : vector<16xf32>
        %add3A_724 = arith.constant 80 : i32
        %add3A_725 = vector.broadcast %add3A_724 : i32 to vector<16xi32>
        %add3A_726 = arith.addi %iota3A, %add3A_725 : vector<16xi32>
        %gather3A_727 = tpu.vector_load_idx %arg27[%add3A_726, %and3A_678] : memref<128x64xf32, #tpu.memory_space<vmem>>[vector<16xi32>, vector<16xi32>], vector<16xf32>,
        %sub3A_728 = arith.subf %gather3A_727, %gather3A_679 : vector<16xf32>
        %abs3A_729 = math.absf %sub3A_728 : vector<16xf32>
        %add3A_730 = arith.addf %scan3A_669, %abs3A_729 : vector<16xf32>
        %min3A_731 = arith.minimumf %abs3A_729, %gather3A_680 : vector<16xf32>
        %add3A_732 = arith.addf %scan3A_670, %min3A_731 : vector<16xf32>
        %add3A_733 = arith.constant 96 : i32
        %add3A_734 = vector.broadcast %add3A_733 : i32 to vector<16xi32>
        %add3A_735 = arith.addi %iota3A, %add3A_734 : vector<16xi32>
        %gather3A_736 = tpu.vector_load_idx %arg27[%add3A_735, %and3A_678] : memref<128x64xf32, #tpu.memory_space<vmem>>[vector<16xi32>, vector<16xi32>], vector<16xf32>,
        %sub3A_737 = arith.subf %gather3A_736, %gather3A_679 : vector<16xf32>
        %abs3A_738 = math.absf %sub3A_737 : vector<16xf32>
        %add3A_739 = arith.addf %scan3A_671, %abs3A_738 : vector<16xf32>
        %min3A_740 = arith.minimumf %abs3A_738, %gather3A_680 : vector<16xf32>
        %add3A_741 = arith.addf %scan3A_672, %min3A_740 : vector<16xf32>
        %add3A_742 = arith.constant 112 : i32
        %add3A_743 = vector.broadcast %add3A_742 : i32 to vector<16xi32>
        %add3A_744 = arith.addi %iota3A, %add3A_743 : vector<16xi32>
        %gather3A_745 = tpu.vector_load_idx %arg27[%add3A_744, %and3A_678] : memref<128x64xf32, #tpu.memory_space<vmem>>[vector<16xi32>, vector<16xi32>], vector<16xf32>,
        %sub3A_746 = arith.subf %gather3A_745, %gather3A_679 : vector<16xf32>
        %abs3A_747 = math.absf %sub3A_746 : vector<16xf32>
        %add3A_748 = arith.addf %scan3A_673, %abs3A_747 : vector<16xf32>
        %min3A_749 = arith.minimumf %abs3A_747, %gather3A_680 : vector<16xf32>
        %add3A_750 = arith.addf %scan3A_674, %min3A_749 : vector<16xf32>
        scf.yield %add3A_686, %add3A_687, %add3A_694, %add3A_696, %add3A_703, %add3A_705, %add3A_712, %add3A_714, %add3A_721, %add3A_723, %add3A_730, %add3A_732, %add3A_739, %add3A_741, %add3A_748, %add3A_750 : vector<16xf32>, vector<16xf32>, vector<16xf32>, vector<16xf32>, vector<16xf32>, vector<16xf32>, vector<16xf32>, vector<16xf32>, vector<16xf32>, vector<16xf32>, vector<16xf32>, vector<16xf32>, vector<16xf32>, vector<16xf32>, vector<16xf32>, vector<16xf32>
      }
      %scan3A_267 = arith.constant 64 : i32
      %sub3A_268 = arith.constant 2.400000e+01 : f32
      %sub3A_269 = vector.broadcast %sub3A_268 : f32 to vector<16xf32>
      %sub3A_270 = arith.subf %sub3A_269, %scan3A_266#0 : vector<16xf32>
      %mul3A_271 = vector.broadcast %scan3A_237 : f32 to vector<16xf32>
      %mul3A_272 = arith.mulf %mul3A_271, %scan3A_266#1 : vector<16xf32>
      %add3A_273 = arith.addf %sub3A_270, %mul3A_272 : vector<16xf32>
      %mul3A_274 = arith.mulf %add3A_273, %gather3A : vector<16xf32>
      %broadcast_in_dim3A_275 = arith.constant 1 : i32
      %broadcast_in_dim3A_276 = vector.broadcast %broadcast_in_dim3A_275 : i32 to vector<16xi32>
      %add3A_277 = arith.addi %broadcast_in_dim3A_276, %iota3A : vector<16xi32>
      tpu.vector_store_idx %arg31[%broadcast_in_dim3A_261, %add3A_277], %mul3A_274 : memref<128x129xf32, #tpu.memory_space<vmem>>[vector<16xi32>, vector<16xi32>], vector<16xf32>,
      %sub3A_278 = arith.constant 2.400000e+01 : f32
      %sub3A_279 = vector.broadcast %sub3A_278 : f32 to vector<16xf32>
      %sub3A_280 = arith.subf %sub3A_279, %scan3A_266#2 : vector<16xf32>
      %mul3A_281 = vector.broadcast %scan3A_237 : f32 to vector<16xf32>
      %mul3A_282 = arith.mulf %mul3A_281, %scan3A_266#3 : vector<16xf32>
      %add3A_283 = arith.addf %sub3A_280, %mul3A_282 : vector<16xf32>
      %mul3A_284 = arith.mulf %add3A_283, %gather3A : vector<16xf32>
      %broadcast_in_dim3A_285 = arith.constant 17 : i32
      %broadcast_in_dim3A_286 = vector.broadcast %broadcast_in_dim3A_285 : i32 to vector<16xi32>
      %add3A_287 = arith.addi %broadcast_in_dim3A_286, %iota3A : vector<16xi32>
      tpu.vector_store_idx %arg31[%broadcast_in_dim3A_261, %add3A_287], %mul3A_284 : memref<128x129xf32, #tpu.memory_space<vmem>>[vector<16xi32>, vector<16xi32>], vector<16xf32>,
      %sub3A_288 = arith.constant 2.400000e+01 : f32
      %sub3A_289 = vector.broadcast %sub3A_288 : f32 to vector<16xf32>
      %sub3A_290 = arith.subf %sub3A_289, %scan3A_266#4 : vector<16xf32>
      %mul3A_291 = vector.broadcast %scan3A_237 : f32 to vector<16xf32>
      %mul3A_292 = arith.mulf %mul3A_291, %scan3A_266#5 : vector<16xf32>
      %add3A_293 = arith.addf %sub3A_290, %mul3A_292 : vector<16xf32>
      %mul3A_294 = arith.mulf %add3A_293, %gather3A : vector<16xf32>
      %broadcast_in_dim3A_295 = arith.constant 33 : i32
      %broadcast_in_dim3A_296 = vector.broadcast %broadcast_in_dim3A_295 : i32 to vector<16xi32>
      %add3A_297 = arith.addi %broadcast_in_dim3A_296, %iota3A : vector<16xi32>
      tpu.vector_store_idx %arg31[%broadcast_in_dim3A_261, %add3A_297], %mul3A_294 : memref<128x129xf32, #tpu.memory_space<vmem>>[vector<16xi32>, vector<16xi32>], vector<16xf32>,
      %sub3A_298 = arith.constant 2.400000e+01 : f32
      %sub3A_299 = vector.broadcast %sub3A_298 : f32 to vector<16xf32>
      %sub3A_300 = arith.subf %sub3A_299, %scan3A_266#6 : vector<16xf32>
      %mul3A_301 = vector.broadcast %scan3A_237 : f32 to vector<16xf32>
      %mul3A_302 = arith.mulf %mul3A_301, %scan3A_266#7 : vector<16xf32>
      %add3A_303 = arith.addf %sub3A_300, %mul3A_302 : vector<16xf32>
      %mul3A_304 = arith.mulf %add3A_303, %gather3A : vector<16xf32>
      %broadcast_in_dim3A_305 = arith.constant 49 : i32
      %broadcast_in_dim3A_306 = vector.broadcast %broadcast_in_dim3A_305 : i32 to vector<16xi32>
      %add3A_307 = arith.addi %broadcast_in_dim3A_306, %iota3A : vector<16xi32>
      tpu.vector_store_idx %arg31[%broadcast_in_dim3A_261, %add3A_307], %mul3A_304 : memref<128x129xf32, #tpu.memory_space<vmem>>[vector<16xi32>, vector<16xi32>], vector<16xf32>,
      %sub3A_308 = arith.constant 2.400000e+01 : f32
      %sub3A_309 = vector.broadcast %sub3A_308 : f32 to vector<16xf32>
      %sub3A_310 = arith.subf %sub3A_309, %scan3A_266#8 : vector<16xf32>
      %mul3A_311 = vector.broadcast %scan3A_237 : f32 to vector<16xf32>
      %mul3A_312 = arith.mulf %mul3A_311, %scan3A_266#9 : vector<16xf32>
      %add3A_313 = arith.addf %sub3A_310, %mul3A_312 : vector<16xf32>
      %mul3A_314 = arith.mulf %add3A_313, %gather3A : vector<16xf32>
      %broadcast_in_dim3A_315 = arith.constant 65 : i32
      %broadcast_in_dim3A_316 = vector.broadcast %broadcast_in_dim3A_315 : i32 to vector<16xi32>
      %add3A_317 = arith.addi %broadcast_in_dim3A_316, %iota3A : vector<16xi32>
      tpu.vector_store_idx %arg31[%broadcast_in_dim3A_261, %add3A_317], %mul3A_314 : memref<128x129xf32, #tpu.memory_space<vmem>>[vector<16xi32>, vector<16xi32>], vector<16xf32>,
      %sub3A_318 = arith.constant 2.400000e+01 : f32
      %sub3A_319 = vector.broadcast %sub3A_318 : f32 to vector<16xf32>
      %sub3A_320 = arith.subf %sub3A_319, %scan3A_266#10 : vector<16xf32>
      %mul3A_321 = vector.broadcast %scan3A_237 : f32 to vector<16xf32>
      %mul3A_322 = arith.mulf %mul3A_321, %scan3A_266#11 : vector<16xf32>
      %add3A_323 = arith.addf %sub3A_320, %mul3A_322 : vector<16xf32>
      %mul3A_324 = arith.mulf %add3A_323, %gather3A : vector<16xf32>
      %broadcast_in_dim3A_325 = arith.constant 81 : i32
      %broadcast_in_dim3A_326 = vector.broadcast %broadcast_in_dim3A_325 : i32 to vector<16xi32>
      %add3A_327 = arith.addi %broadcast_in_dim3A_326, %iota3A : vector<16xi32>
      tpu.vector_store_idx %arg31[%broadcast_in_dim3A_261, %add3A_327], %mul3A_324 : memref<128x129xf32, #tpu.memory_space<vmem>>[vector<16xi32>, vector<16xi32>], vector<16xf32>,
      %sub3A_328 = arith.constant 2.400000e+01 : f32
      %sub3A_329 = vector.broadcast %sub3A_328 : f32 to vector<16xf32>
      %sub3A_330 = arith.subf %sub3A_329, %scan3A_266#12 : vector<16xf32>
      %mul3A_331 = vector.broadcast %scan3A_237 : f32 to vector<16xf32>
      %mul3A_332 = arith.mulf %mul3A_331, %scan3A_266#13 : vector<16xf32>
      %add3A_333 = arith.addf %sub3A_330, %mul3A_332 : vector<16xf32>
      %mul3A_334 = arith.mulf %add3A_333, %gather3A : vector<16xf32>
      %broadcast_in_dim3A_335 = arith.constant 97 : i32
      %broadcast_in_dim3A_336 = vector.broadcast %broadcast_in_dim3A_335 : i32 to vector<16xi32>
      %add3A_337 = arith.addi %broadcast_in_dim3A_336, %iota3A : vector<16xi32>
      tpu.vector_store_idx %arg31[%broadcast_in_dim3A_261, %add3A_337], %mul3A_334 : memref<128x129xf32, #tpu.memory_space<vmem>>[vector<16xi32>, vector<16xi32>], vector<16xf32>,
      %sub3A_338 = arith.constant 2.400000e+01 : f32
      %sub3A_339 = vector.broadcast %sub3A_338 : f32 to vector<16xf32>
      %sub3A_340 = arith.subf %sub3A_339, %scan3A_266#14 : vector<16xf32>
      %mul3A_341 = vector.broadcast %scan3A_237 : f32 to vector<16xf32>
      %mul3A_342 = arith.mulf %mul3A_341, %scan3A_266#15 : vector<16xf32>
      %add3A_343 = arith.addf %sub3A_340, %mul3A_342 : vector<16xf32>
      %mul3A_344 = arith.mulf %add3A_343, %gather3A : vector<16xf32>
      %broadcast_in_dim3A_345 = arith.constant 113 : i32
      %broadcast_in_dim3A_346 = vector.broadcast %broadcast_in_dim3A_345 : i32 to vector<16xi32>
      %add3A_347 = arith.addi %broadcast_in_dim3A_346, %iota3A : vector<16xi32>
      tpu.vector_store_idx %arg31[%broadcast_in_dim3A_261, %add3A_347], %mul3A_344 : memref<128x129xf32, #tpu.memory_space<vmem>>[vector<16xi32>, vector<16xi32>], vector<16xf32>,
      %add3A_348 = arith.constant 1 : i32
      %add3A_349 = arith.addi %mul3A_248, %add3A_348 : i32
      %dma_wait3A_350 = arith.constant 0 : i32
      %dma_wait3A_351 = tpu.memref_slice %arg18[%add3A_349, %dma_wait3A_350] : memref<128x128xi32, #tpu.memory_space<vmem>> -> memref<1x128xi32, #tpu.memory_space<vmem>>
      %dma_wait3A_352 = tpu.memref_squeeze %dma_wait3A_351 : memref<1x128xi32, #tpu.memory_space<vmem>> -> memref<128xi32, #tpu.memory_space<vmem>>
      %dma_wait3A_353 = arith.constant 0 : i32
      %dma_wait3A_354 = arith.constant 0 : i32
      %dma_wait3A_355 = tpu.memref_slice %arg4[%dma_wait3A_353, %dma_wait3A_354] : memref<1000000x64xf32, #tpu.memory_space<hbm>> -> memref<1000000x64xf32, #tpu.memory_space<hbm>>
      tpu.wait_indirect_dma semaphore(%arg33 : memref<!tpu.dma_semaphore, #tpu.memory_space<semaphore_mem>>) src(%dma_wait3A_355 : memref<1000000x64xf32, #tpu.memory_space<hbm>>) dst(%arg28 : memref<128x64xf32, #tpu.memory_space<vmem>>)
      %add3A_356 = arith.constant 3 : i32
      %add3A_357 = arith.addi %add3A_349, %add3A_356 : i32
      %lt3A_358 = arith.constant 128 : i32
      %lt3A_359 = arith.cmpi slt, %add3A_357, %lt3A_358 : i32
      %convert_element_type3A_360 = arith.extui %lt3A_359 : i1 to i32
      %cond3A_361 = arith.constant 0 : i32
      %cond3A_362 = arith.cmpi ne, %convert_element_type3A_360, %cond3A_361 : i32
      scf.if %cond3A_362 {
        %add3A_658 = arith.constant 3 : i32
        %add3A_659 = arith.addi %add3A_349, %add3A_658 : i32
        %dma_start3A_660 = arith.constant 0 : i32
        %dma_start3A_661 = tpu.memref_slice %arg18[%add3A_659, %dma_start3A_660] : memref<128x128xi32, #tpu.memory_space<vmem>> -> memref<1x128xi32, #tpu.memory_space<vmem>>
        %dma_start3A_662 = tpu.memref_squeeze %dma_start3A_661 : memref<1x128xi32, #tpu.memory_space<vmem>> -> memref<128xi32, #tpu.memory_space<vmem>>
        %dma_start3A_663 = arith.constant 0 : i32
        %dma_start3A_664 = arith.constant 0 : i32
        %dma_start3A_665 = tpu.memref_slice %arg4[%dma_start3A_663, %dma_start3A_664] : memref<1000000x64xf32, #tpu.memory_space<hbm>> -> memref<1000000x64xf32, #tpu.memory_space<hbm>>
        tpu.enqueue_indirect_dma source(%dma_start3A_665 : memref<1000000x64xf32, #tpu.memory_space<hbm>>) target(%arg27 : memref<128x64xf32, #tpu.memory_space<vmem>>) offsets(%dma_start3A_662 : memref<128xi32, #tpu.memory_space<vmem>>) semaphore(%arg32 : memref<!tpu.dma_semaphore, #tpu.memory_space<semaphore_mem>>)
      } else {
      }
      %broadcast_in_dim3A_363 = vector.broadcast %add3A_349 : i32 to vector<16xi32>
      %gather3A_364 = tpu.vector_load_idx %arg19[%broadcast_in_dim3A_363] : memref<128xf32, #tpu.memory_space<vmem>>[vector<16xi32>], vector<16xf32>,
      %scan3A_365 = arith.constant 0 : i32
      %scan3A_366 = arith.constant 64 : i32
      %scan3A_367 = arith.addi %scan3A_365, %scan3A_366 : i32
      %scan3A_368 = arith.constant 1 : i32
      %scan3A_369:16 = scf.for %scan3A_658 = %scan3A_365 to %scan3A_367 step %scan3A_368 iter_args(%scan3A_659 = %broadcast_in_dim3A_49, %scan3A_660 = %broadcast_in_dim3A_49, %scan3A_661 = %broadcast_in_dim3A_49, %scan3A_662 = %broadcast_in_dim3A_49, %scan3A_663 = %broadcast_in_dim3A_49, %scan3A_664 = %broadcast_in_dim3A_49, %scan3A_665 = %broadcast_in_dim3A_49, %scan3A_666 = %broadcast_in_dim3A_49, %scan3A_667 = %broadcast_in_dim3A_49, %scan3A_668 = %broadcast_in_dim3A_49, %scan3A_669 = %broadcast_in_dim3A_49, %scan3A_670 = %broadcast_in_dim3A_49, %scan3A_671 = %broadcast_in_dim3A_49, %scan3A_672 = %broadcast_in_dim3A_49, %scan3A_673 = %broadcast_in_dim3A_49, %scan3A_674 = %broadcast_in_dim3A_49) -> (vector<16xf32>, vector<16xf32>, vector<16xf32>, vector<16xf32>, vector<16xf32>, vector<16xf32>, vector<16xf32>, vector<16xf32>, vector<16xf32>, vector<16xf32>, vector<16xf32>, vector<16xf32>, vector<16xf32>, vector<16xf32>, vector<16xf32>, vector<16xf32>)  : i32 {
        %add3A_675 = vector.broadcast %scan3A_658 : i32 to vector<16xi32>
        %add3A_676 = arith.addi %add3A_675, %iota3A : vector<16xi32>
        %and3A = arith.constant 63 : i32
        %and3A_677 = vector.broadcast %and3A : i32 to vector<16xi32>
        %and3A_678 = arith.andi %add3A_676, %and3A_677 : vector<16xi32>
        %gather3A_679 = tpu.vector_load_idx %arg20[%broadcast_in_dim3A_363, %and3A_678] : memref<128x64xf32, #tpu.memory_space<vmem>>[vector<16xi32>, vector<16xi32>], vector<16xf32>,
        %gather3A_680 = tpu.vector_load_idx %arg21[%broadcast_in_dim3A_363, %and3A_678] : memref<128x64xf32, #tpu.memory_space<vmem>>[vector<16xi32>, vector<16xi32>], vector<16xf32>,
        %add3A_681 = arith.constant 0 : i32
        %add3A_682 = vector.broadcast %add3A_681 : i32 to vector<16xi32>
        %add3A_683 = arith.addi %iota3A, %add3A_682 : vector<16xi32>
        %gather3A_684 = tpu.vector_load_idx %arg28[%add3A_683, %and3A_678] : memref<128x64xf32, #tpu.memory_space<vmem>>[vector<16xi32>, vector<16xi32>], vector<16xf32>,
        %sub3A_685 = arith.subf %gather3A_684, %gather3A_679 : vector<16xf32>
        %abs3A = math.absf %sub3A_685 : vector<16xf32>
        %add3A_686 = arith.addf %scan3A_659, %abs3A : vector<16xf32>
        %min3A = arith.minimumf %abs3A, %gather3A_680 : vector<16xf32>
        %add3A_687 = arith.addf %scan3A_660, %min3A : vector<16xf32>
        %add3A_688 = arith.constant 16 : i32
        %add3A_689 = vector.broadcast %add3A_688 : i32 to vector<16xi32>
        %add3A_690 = arith.addi %iota3A, %add3A_689 : vector<16xi32>
        %gather3A_691 = tpu.vector_load_idx %arg28[%add3A_690, %and3A_678] : memref<128x64xf32, #tpu.memory_space<vmem>>[vector<16xi32>, vector<16xi32>], vector<16xf32>,
        %sub3A_692 = arith.subf %gather3A_691, %gather3A_679 : vector<16xf32>
        %abs3A_693 = math.absf %sub3A_692 : vector<16xf32>
        %add3A_694 = arith.addf %scan3A_661, %abs3A_693 : vector<16xf32>
        %min3A_695 = arith.minimumf %abs3A_693, %gather3A_680 : vector<16xf32>
        %add3A_696 = arith.addf %scan3A_662, %min3A_695 : vector<16xf32>
        %add3A_697 = arith.constant 32 : i32
        %add3A_698 = vector.broadcast %add3A_697 : i32 to vector<16xi32>
        %add3A_699 = arith.addi %iota3A, %add3A_698 : vector<16xi32>
        %gather3A_700 = tpu.vector_load_idx %arg28[%add3A_699, %and3A_678] : memref<128x64xf32, #tpu.memory_space<vmem>>[vector<16xi32>, vector<16xi32>], vector<16xf32>,
        %sub3A_701 = arith.subf %gather3A_700, %gather3A_679 : vector<16xf32>
        %abs3A_702 = math.absf %sub3A_701 : vector<16xf32>
        %add3A_703 = arith.addf %scan3A_663, %abs3A_702 : vector<16xf32>
        %min3A_704 = arith.minimumf %abs3A_702, %gather3A_680 : vector<16xf32>
        %add3A_705 = arith.addf %scan3A_664, %min3A_704 : vector<16xf32>
        %add3A_706 = arith.constant 48 : i32
        %add3A_707 = vector.broadcast %add3A_706 : i32 to vector<16xi32>
        %add3A_708 = arith.addi %iota3A, %add3A_707 : vector<16xi32>
        %gather3A_709 = tpu.vector_load_idx %arg28[%add3A_708, %and3A_678] : memref<128x64xf32, #tpu.memory_space<vmem>>[vector<16xi32>, vector<16xi32>], vector<16xf32>,
        %sub3A_710 = arith.subf %gather3A_709, %gather3A_679 : vector<16xf32>
        %abs3A_711 = math.absf %sub3A_710 : vector<16xf32>
        %add3A_712 = arith.addf %scan3A_665, %abs3A_711 : vector<16xf32>
        %min3A_713 = arith.minimumf %abs3A_711, %gather3A_680 : vector<16xf32>
        %add3A_714 = arith.addf %scan3A_666, %min3A_713 : vector<16xf32>
        %add3A_715 = arith.constant 64 : i32
        %add3A_716 = vector.broadcast %add3A_715 : i32 to vector<16xi32>
        %add3A_717 = arith.addi %iota3A, %add3A_716 : vector<16xi32>
        %gather3A_718 = tpu.vector_load_idx %arg28[%add3A_717, %and3A_678] : memref<128x64xf32, #tpu.memory_space<vmem>>[vector<16xi32>, vector<16xi32>], vector<16xf32>,
        %sub3A_719 = arith.subf %gather3A_718, %gather3A_679 : vector<16xf32>
        %abs3A_720 = math.absf %sub3A_719 : vector<16xf32>
        %add3A_721 = arith.addf %scan3A_667, %abs3A_720 : vector<16xf32>
        %min3A_722 = arith.minimumf %abs3A_720, %gather3A_680 : vector<16xf32>
        %add3A_723 = arith.addf %scan3A_668, %min3A_722 : vector<16xf32>
        %add3A_724 = arith.constant 80 : i32
        %add3A_725 = vector.broadcast %add3A_724 : i32 to vector<16xi32>
        %add3A_726 = arith.addi %iota3A, %add3A_725 : vector<16xi32>
        %gather3A_727 = tpu.vector_load_idx %arg28[%add3A_726, %and3A_678] : memref<128x64xf32, #tpu.memory_space<vmem>>[vector<16xi32>, vector<16xi32>], vector<16xf32>,
        %sub3A_728 = arith.subf %gather3A_727, %gather3A_679 : vector<16xf32>
        %abs3A_729 = math.absf %sub3A_728 : vector<16xf32>
        %add3A_730 = arith.addf %scan3A_669, %abs3A_729 : vector<16xf32>
        %min3A_731 = arith.minimumf %abs3A_729, %gather3A_680 : vector<16xf32>
        %add3A_732 = arith.addf %scan3A_670, %min3A_731 : vector<16xf32>
        %add3A_733 = arith.constant 96 : i32
        %add3A_734 = vector.broadcast %add3A_733 : i32 to vector<16xi32>
        %add3A_735 = arith.addi %iota3A, %add3A_734 : vector<16xi32>
        %gather3A_736 = tpu.vector_load_idx %arg28[%add3A_735, %and3A_678] : memref<128x64xf32, #tpu.memory_space<vmem>>[vector<16xi32>, vector<16xi32>], vector<16xf32>,
        %sub3A_737 = arith.subf %gather3A_736, %gather3A_679 : vector<16xf32>
        %abs3A_738 = math.absf %sub3A_737 : vector<16xf32>
        %add3A_739 = arith.addf %scan3A_671, %abs3A_738 : vector<16xf32>
        %min3A_740 = arith.minimumf %abs3A_738, %gather3A_680 : vector<16xf32>
        %add3A_741 = arith.addf %scan3A_672, %min3A_740 : vector<16xf32>
        %add3A_742 = arith.constant 112 : i32
        %add3A_743 = vector.broadcast %add3A_742 : i32 to vector<16xi32>
        %add3A_744 = arith.addi %iota3A, %add3A_743 : vector<16xi32>
        %gather3A_745 = tpu.vector_load_idx %arg28[%add3A_744, %and3A_678] : memref<128x64xf32, #tpu.memory_space<vmem>>[vector<16xi32>, vector<16xi32>], vector<16xf32>,
        %sub3A_746 = arith.subf %gather3A_745, %gather3A_679 : vector<16xf32>
        %abs3A_747 = math.absf %sub3A_746 : vector<16xf32>
        %add3A_748 = arith.addf %scan3A_673, %abs3A_747 : vector<16xf32>
        %min3A_749 = arith.minimumf %abs3A_747, %gather3A_680 : vector<16xf32>
        %add3A_750 = arith.addf %scan3A_674, %min3A_749 : vector<16xf32>
        scf.yield %add3A_686, %add3A_687, %add3A_694, %add3A_696, %add3A_703, %add3A_705, %add3A_712, %add3A_714, %add3A_721, %add3A_723, %add3A_730, %add3A_732, %add3A_739, %add3A_741, %add3A_748, %add3A_750 : vector<16xf32>, vector<16xf32>, vector<16xf32>, vector<16xf32>, vector<16xf32>, vector<16xf32>, vector<16xf32>, vector<16xf32>, vector<16xf32>, vector<16xf32>, vector<16xf32>, vector<16xf32>, vector<16xf32>, vector<16xf32>, vector<16xf32>, vector<16xf32>
      }
      %scan3A_370 = arith.constant 64 : i32
      %sub3A_371 = arith.constant 2.400000e+01 : f32
      %sub3A_372 = vector.broadcast %sub3A_371 : f32 to vector<16xf32>
      %sub3A_373 = arith.subf %sub3A_372, %scan3A_369#0 : vector<16xf32>
      %mul3A_374 = vector.broadcast %scan3A_237 : f32 to vector<16xf32>
      %mul3A_375 = arith.mulf %mul3A_374, %scan3A_369#1 : vector<16xf32>
      %add3A_376 = arith.addf %sub3A_373, %mul3A_375 : vector<16xf32>
      %mul3A_377 = arith.mulf %add3A_376, %gather3A_364 : vector<16xf32>
      %broadcast_in_dim3A_378 = arith.constant 1 : i32
      %broadcast_in_dim3A_379 = vector.broadcast %broadcast_in_dim3A_378 : i32 to vector<16xi32>
      %add3A_380 = arith.addi %broadcast_in_dim3A_379, %iota3A : vector<16xi32>
      tpu.vector_store_idx %arg31[%broadcast_in_dim3A_363, %add3A_380], %mul3A_377 : memref<128x129xf32, #tpu.memory_space<vmem>>[vector<16xi32>, vector<16xi32>], vector<16xf32>,
      %sub3A_381 = arith.constant 2.400000e+01 : f32
      %sub3A_382 = vector.broadcast %sub3A_381 : f32 to vector<16xf32>
      %sub3A_383 = arith.subf %sub3A_382, %scan3A_369#2 : vector<16xf32>
      %mul3A_384 = vector.broadcast %scan3A_237 : f32 to vector<16xf32>
      %mul3A_385 = arith.mulf %mul3A_384, %scan3A_369#3 : vector<16xf32>
      %add3A_386 = arith.addf %sub3A_383, %mul3A_385 : vector<16xf32>
      %mul3A_387 = arith.mulf %add3A_386, %gather3A_364 : vector<16xf32>
      %broadcast_in_dim3A_388 = arith.constant 17 : i32
      %broadcast_in_dim3A_389 = vector.broadcast %broadcast_in_dim3A_388 : i32 to vector<16xi32>
      %add3A_390 = arith.addi %broadcast_in_dim3A_389, %iota3A : vector<16xi32>
      tpu.vector_store_idx %arg31[%broadcast_in_dim3A_363, %add3A_390], %mul3A_387 : memref<128x129xf32, #tpu.memory_space<vmem>>[vector<16xi32>, vector<16xi32>], vector<16xf32>,
      %sub3A_391 = arith.constant 2.400000e+01 : f32
      %sub3A_392 = vector.broadcast %sub3A_391 : f32 to vector<16xf32>
      %sub3A_393 = arith.subf %sub3A_392, %scan3A_369#4 : vector<16xf32>
      %mul3A_394 = vector.broadcast %scan3A_237 : f32 to vector<16xf32>
      %mul3A_395 = arith.mulf %mul3A_394, %scan3A_369#5 : vector<16xf32>
      %add3A_396 = arith.addf %sub3A_393, %mul3A_395 : vector<16xf32>
      %mul3A_397 = arith.mulf %add3A_396, %gather3A_364 : vector<16xf32>
      %broadcast_in_dim3A_398 = arith.constant 33 : i32
      %broadcast_in_dim3A_399 = vector.broadcast %broadcast_in_dim3A_398 : i32 to vector<16xi32>
      %add3A_400 = arith.addi %broadcast_in_dim3A_399, %iota3A : vector<16xi32>
      tpu.vector_store_idx %arg31[%broadcast_in_dim3A_363, %add3A_400], %mul3A_397 : memref<128x129xf32, #tpu.memory_space<vmem>>[vector<16xi32>, vector<16xi32>], vector<16xf32>,
      %sub3A_401 = arith.constant 2.400000e+01 : f32
      %sub3A_402 = vector.broadcast %sub3A_401 : f32 to vector<16xf32>
      %sub3A_403 = arith.subf %sub3A_402, %scan3A_369#6 : vector<16xf32>
      %mul3A_404 = vector.broadcast %scan3A_237 : f32 to vector<16xf32>
      %mul3A_405 = arith.mulf %mul3A_404, %scan3A_369#7 : vector<16xf32>
      %add3A_406 = arith.addf %sub3A_403, %mul3A_405 : vector<16xf32>
      %mul3A_407 = arith.mulf %add3A_406, %gather3A_364 : vector<16xf32>
      %broadcast_in_dim3A_408 = arith.constant 49 : i32
      %broadcast_in_dim3A_409 = vector.broadcast %broadcast_in_dim3A_408 : i32 to vector<16xi32>
      %add3A_410 = arith.addi %broadcast_in_dim3A_409, %iota3A : vector<16xi32>
      tpu.vector_store_idx %arg31[%broadcast_in_dim3A_363, %add3A_410], %mul3A_407 : memref<128x129xf32, #tpu.memory_space<vmem>>[vector<16xi32>, vector<16xi32>], vector<16xf32>,
      %sub3A_411 = arith.constant 2.400000e+01 : f32
      %sub3A_412 = vector.broadcast %sub3A_411 : f32 to vector<16xf32>
      %sub3A_413 = arith.subf %sub3A_412, %scan3A_369#8 : vector<16xf32>
      %mul3A_414 = vector.broadcast %scan3A_237 : f32 to vector<16xf32>
      %mul3A_415 = arith.mulf %mul3A_414, %scan3A_369#9 : vector<16xf32>
      %add3A_416 = arith.addf %sub3A_413, %mul3A_415 : vector<16xf32>
      %mul3A_417 = arith.mulf %add3A_416, %gather3A_364 : vector<16xf32>
      %broadcast_in_dim3A_418 = arith.constant 65 : i32
      %broadcast_in_dim3A_419 = vector.broadcast %broadcast_in_dim3A_418 : i32 to vector<16xi32>
      %add3A_420 = arith.addi %broadcast_in_dim3A_419, %iota3A : vector<16xi32>
      tpu.vector_store_idx %arg31[%broadcast_in_dim3A_363, %add3A_420], %mul3A_417 : memref<128x129xf32, #tpu.memory_space<vmem>>[vector<16xi32>, vector<16xi32>], vector<16xf32>,
      %sub3A_421 = arith.constant 2.400000e+01 : f32
      %sub3A_422 = vector.broadcast %sub3A_421 : f32 to vector<16xf32>
      %sub3A_423 = arith.subf %sub3A_422, %scan3A_369#10 : vector<16xf32>
      %mul3A_424 = vector.broadcast %scan3A_237 : f32 to vector<16xf32>
      %mul3A_425 = arith.mulf %mul3A_424, %scan3A_369#11 : vector<16xf32>
      %add3A_426 = arith.addf %sub3A_423, %mul3A_425 : vector<16xf32>
      %mul3A_427 = arith.mulf %add3A_426, %gather3A_364 : vector<16xf32>
      %broadcast_in_dim3A_428 = arith.constant 81 : i32
      %broadcast_in_dim3A_429 = vector.broadcast %broadcast_in_dim3A_428 : i32 to vector<16xi32>
      %add3A_430 = arith.addi %broadcast_in_dim3A_429, %iota3A : vector<16xi32>
      tpu.vector_store_idx %arg31[%broadcast_in_dim3A_363, %add3A_430], %mul3A_427 : memref<128x129xf32, #tpu.memory_space<vmem>>[vector<16xi32>, vector<16xi32>], vector<16xf32>,
      %sub3A_431 = arith.constant 2.400000e+01 : f32
      %sub3A_432 = vector.broadcast %sub3A_431 : f32 to vector<16xf32>
      %sub3A_433 = arith.subf %sub3A_432, %scan3A_369#12 : vector<16xf32>
      %mul3A_434 = vector.broadcast %scan3A_237 : f32 to vector<16xf32>
      %mul3A_435 = arith.mulf %mul3A_434, %scan3A_369#13 : vector<16xf32>
      %add3A_436 = arith.addf %sub3A_433, %mul3A_435 : vector<16xf32>
      %mul3A_437 = arith.mulf %add3A_436, %gather3A_364 : vector<16xf32>
      %broadcast_in_dim3A_438 = arith.constant 97 : i32
      %broadcast_in_dim3A_439 = vector.broadcast %broadcast_in_dim3A_438 : i32 to vector<16xi32>
      %add3A_440 = arith.addi %broadcast_in_dim3A_439, %iota3A : vector<16xi32>
      tpu.vector_store_idx %arg31[%broadcast_in_dim3A_363, %add3A_440], %mul3A_437 : memref<128x129xf32, #tpu.memory_space<vmem>>[vector<16xi32>, vector<16xi32>], vector<16xf32>,
      %sub3A_441 = arith.constant 2.400000e+01 : f32
      %sub3A_442 = vector.broadcast %sub3A_441 : f32 to vector<16xf32>
      %sub3A_443 = arith.subf %sub3A_442, %scan3A_369#14 : vector<16xf32>
      %mul3A_444 = vector.broadcast %scan3A_237 : f32 to vector<16xf32>
      %mul3A_445 = arith.mulf %mul3A_444, %scan3A_369#15 : vector<16xf32>
      %add3A_446 = arith.addf %sub3A_443, %mul3A_445 : vector<16xf32>
      %mul3A_447 = arith.mulf %add3A_446, %gather3A_364 : vector<16xf32>
      %broadcast_in_dim3A_448 = arith.constant 113 : i32
      %broadcast_in_dim3A_449 = vector.broadcast %broadcast_in_dim3A_448 : i32 to vector<16xi32>
      %add3A_450 = arith.addi %broadcast_in_dim3A_449, %iota3A : vector<16xi32>
      tpu.vector_store_idx %arg31[%broadcast_in_dim3A_363, %add3A_450], %mul3A_447 : memref<128x129xf32, #tpu.memory_space<vmem>>[vector<16xi32>, vector<16xi32>], vector<16xf32>,
      %add3A_451 = arith.constant 2 : i32
      %add3A_452 = arith.addi %mul3A_248, %add3A_451 : i32
      %dma_wait3A_453 = arith.constant 0 : i32
      %dma_wait3A_454 = tpu.memref_slice %arg18[%add3A_452, %dma_wait3A_453] : memref<128x128xi32, #tpu.memory_space<vmem>> -> memref<1x128xi32, #tpu.memory_space<vmem>>
      %dma_wait3A_455 = tpu.memref_squeeze %dma_wait3A_454 : memref<1x128xi32, #tpu.memory_space<vmem>> -> memref<128xi32, #tpu.memory_space<vmem>>
      %dma_wait3A_456 = arith.constant 0 : i32
      %dma_wait3A_457 = arith.constant 0 : i32
      %dma_wait3A_458 = tpu.memref_slice %arg4[%dma_wait3A_456, %dma_wait3A_457] : memref<1000000x64xf32, #tpu.memory_space<hbm>> -> memref<1000000x64xf32, #tpu.memory_space<hbm>>
      tpu.wait_indirect_dma semaphore(%arg34 : memref<!tpu.dma_semaphore, #tpu.memory_space<semaphore_mem>>) src(%dma_wait3A_458 : memref<1000000x64xf32, #tpu.memory_space<hbm>>) dst(%arg29 : memref<128x64xf32, #tpu.memory_space<vmem>>)
      %add3A_459 = arith.constant 3 : i32
      %add3A_460 = arith.addi %add3A_452, %add3A_459 : i32
      %lt3A_461 = arith.constant 128 : i32
      %lt3A_462 = arith.cmpi slt, %add3A_460, %lt3A_461 : i32
      %convert_element_type3A_463 = arith.extui %lt3A_462 : i1 to i32
      %cond3A_464 = arith.constant 0 : i32
      %cond3A_465 = arith.cmpi ne, %convert_element_type3A_463, %cond3A_464 : i32
      scf.if %cond3A_465 {
        %add3A_658 = arith.constant 3 : i32
        %add3A_659 = arith.addi %add3A_452, %add3A_658 : i32
        %dma_start3A_660 = arith.constant 0 : i32
        %dma_start3A_661 = tpu.memref_slice %arg18[%add3A_659, %dma_start3A_660] : memref<128x128xi32, #tpu.memory_space<vmem>> -> memref<1x128xi32, #tpu.memory_space<vmem>>
        %dma_start3A_662 = tpu.memref_squeeze %dma_start3A_661 : memref<1x128xi32, #tpu.memory_space<vmem>> -> memref<128xi32, #tpu.memory_space<vmem>>
        %dma_start3A_663 = arith.constant 0 : i32
        %dma_start3A_664 = arith.constant 0 : i32
        %dma_start3A_665 = tpu.memref_slice %arg4[%dma_start3A_663, %dma_start3A_664] : memref<1000000x64xf32, #tpu.memory_space<hbm>> -> memref<1000000x64xf32, #tpu.memory_space<hbm>>
        tpu.enqueue_indirect_dma source(%dma_start3A_665 : memref<1000000x64xf32, #tpu.memory_space<hbm>>) target(%arg28 : memref<128x64xf32, #tpu.memory_space<vmem>>) offsets(%dma_start3A_662 : memref<128xi32, #tpu.memory_space<vmem>>) semaphore(%arg33 : memref<!tpu.dma_semaphore, #tpu.memory_space<semaphore_mem>>)
      } else {
      }
      %broadcast_in_dim3A_466 = vector.broadcast %add3A_452 : i32 to vector<16xi32>
      %gather3A_467 = tpu.vector_load_idx %arg19[%broadcast_in_dim3A_466] : memref<128xf32, #tpu.memory_space<vmem>>[vector<16xi32>], vector<16xf32>,
      %scan3A_468 = arith.constant 0 : i32
      %scan3A_469 = arith.constant 64 : i32
      %scan3A_470 = arith.addi %scan3A_468, %scan3A_469 : i32
      %scan3A_471 = arith.constant 1 : i32
      %scan3A_472:16 = scf.for %scan3A_658 = %scan3A_468 to %scan3A_470 step %scan3A_471 iter_args(%scan3A_659 = %broadcast_in_dim3A_49, %scan3A_660 = %broadcast_in_dim3A_49, %scan3A_661 = %broadcast_in_dim3A_49, %scan3A_662 = %broadcast_in_dim3A_49, %scan3A_663 = %broadcast_in_dim3A_49, %scan3A_664 = %broadcast_in_dim3A_49, %scan3A_665 = %broadcast_in_dim3A_49, %scan3A_666 = %broadcast_in_dim3A_49, %scan3A_667 = %broadcast_in_dim3A_49, %scan3A_668 = %broadcast_in_dim3A_49, %scan3A_669 = %broadcast_in_dim3A_49, %scan3A_670 = %broadcast_in_dim3A_49, %scan3A_671 = %broadcast_in_dim3A_49, %scan3A_672 = %broadcast_in_dim3A_49, %scan3A_673 = %broadcast_in_dim3A_49, %scan3A_674 = %broadcast_in_dim3A_49) -> (vector<16xf32>, vector<16xf32>, vector<16xf32>, vector<16xf32>, vector<16xf32>, vector<16xf32>, vector<16xf32>, vector<16xf32>, vector<16xf32>, vector<16xf32>, vector<16xf32>, vector<16xf32>, vector<16xf32>, vector<16xf32>, vector<16xf32>, vector<16xf32>)  : i32 {
        %add3A_675 = vector.broadcast %scan3A_658 : i32 to vector<16xi32>
        %add3A_676 = arith.addi %add3A_675, %iota3A : vector<16xi32>
        %and3A = arith.constant 63 : i32
        %and3A_677 = vector.broadcast %and3A : i32 to vector<16xi32>
        %and3A_678 = arith.andi %add3A_676, %and3A_677 : vector<16xi32>
        %gather3A_679 = tpu.vector_load_idx %arg20[%broadcast_in_dim3A_466, %and3A_678] : memref<128x64xf32, #tpu.memory_space<vmem>>[vector<16xi32>, vector<16xi32>], vector<16xf32>,
        %gather3A_680 = tpu.vector_load_idx %arg21[%broadcast_in_dim3A_466, %and3A_678] : memref<128x64xf32, #tpu.memory_space<vmem>>[vector<16xi32>, vector<16xi32>], vector<16xf32>,
        %add3A_681 = arith.constant 0 : i32
        %add3A_682 = vector.broadcast %add3A_681 : i32 to vector<16xi32>
        %add3A_683 = arith.addi %iota3A, %add3A_682 : vector<16xi32>
        %gather3A_684 = tpu.vector_load_idx %arg29[%add3A_683, %and3A_678] : memref<128x64xf32, #tpu.memory_space<vmem>>[vector<16xi32>, vector<16xi32>], vector<16xf32>,
        %sub3A_685 = arith.subf %gather3A_684, %gather3A_679 : vector<16xf32>
        %abs3A = math.absf %sub3A_685 : vector<16xf32>
        %add3A_686 = arith.addf %scan3A_659, %abs3A : vector<16xf32>
        %min3A = arith.minimumf %abs3A, %gather3A_680 : vector<16xf32>
        %add3A_687 = arith.addf %scan3A_660, %min3A : vector<16xf32>
        %add3A_688 = arith.constant 16 : i32
        %add3A_689 = vector.broadcast %add3A_688 : i32 to vector<16xi32>
        %add3A_690 = arith.addi %iota3A, %add3A_689 : vector<16xi32>
        %gather3A_691 = tpu.vector_load_idx %arg29[%add3A_690, %and3A_678] : memref<128x64xf32, #tpu.memory_space<vmem>>[vector<16xi32>, vector<16xi32>], vector<16xf32>,
        %sub3A_692 = arith.subf %gather3A_691, %gather3A_679 : vector<16xf32>
        %abs3A_693 = math.absf %sub3A_692 : vector<16xf32>
        %add3A_694 = arith.addf %scan3A_661, %abs3A_693 : vector<16xf32>
        %min3A_695 = arith.minimumf %abs3A_693, %gather3A_680 : vector<16xf32>
        %add3A_696 = arith.addf %scan3A_662, %min3A_695 : vector<16xf32>
        %add3A_697 = arith.constant 32 : i32
        %add3A_698 = vector.broadcast %add3A_697 : i32 to vector<16xi32>
        %add3A_699 = arith.addi %iota3A, %add3A_698 : vector<16xi32>
        %gather3A_700 = tpu.vector_load_idx %arg29[%add3A_699, %and3A_678] : memref<128x64xf32, #tpu.memory_space<vmem>>[vector<16xi32>, vector<16xi32>], vector<16xf32>,
        %sub3A_701 = arith.subf %gather3A_700, %gather3A_679 : vector<16xf32>
        %abs3A_702 = math.absf %sub3A_701 : vector<16xf32>
        %add3A_703 = arith.addf %scan3A_663, %abs3A_702 : vector<16xf32>
        %min3A_704 = arith.minimumf %abs3A_702, %gather3A_680 : vector<16xf32>
        %add3A_705 = arith.addf %scan3A_664, %min3A_704 : vector<16xf32>
        %add3A_706 = arith.constant 48 : i32
        %add3A_707 = vector.broadcast %add3A_706 : i32 to vector<16xi32>
        %add3A_708 = arith.addi %iota3A, %add3A_707 : vector<16xi32>
        %gather3A_709 = tpu.vector_load_idx %arg29[%add3A_708, %and3A_678] : memref<128x64xf32, #tpu.memory_space<vmem>>[vector<16xi32>, vector<16xi32>], vector<16xf32>,
        %sub3A_710 = arith.subf %gather3A_709, %gather3A_679 : vector<16xf32>
        %abs3A_711 = math.absf %sub3A_710 : vector<16xf32>
        %add3A_712 = arith.addf %scan3A_665, %abs3A_711 : vector<16xf32>
        %min3A_713 = arith.minimumf %abs3A_711, %gather3A_680 : vector<16xf32>
        %add3A_714 = arith.addf %scan3A_666, %min3A_713 : vector<16xf32>
        %add3A_715 = arith.constant 64 : i32
        %add3A_716 = vector.broadcast %add3A_715 : i32 to vector<16xi32>
        %add3A_717 = arith.addi %iota3A, %add3A_716 : vector<16xi32>
        %gather3A_718 = tpu.vector_load_idx %arg29[%add3A_717, %and3A_678] : memref<128x64xf32, #tpu.memory_space<vmem>>[vector<16xi32>, vector<16xi32>], vector<16xf32>,
        %sub3A_719 = arith.subf %gather3A_718, %gather3A_679 : vector<16xf32>
        %abs3A_720 = math.absf %sub3A_719 : vector<16xf32>
        %add3A_721 = arith.addf %scan3A_667, %abs3A_720 : vector<16xf32>
        %min3A_722 = arith.minimumf %abs3A_720, %gather3A_680 : vector<16xf32>
        %add3A_723 = arith.addf %scan3A_668, %min3A_722 : vector<16xf32>
        %add3A_724 = arith.constant 80 : i32
        %add3A_725 = vector.broadcast %add3A_724 : i32 to vector<16xi32>
        %add3A_726 = arith.addi %iota3A, %add3A_725 : vector<16xi32>
        %gather3A_727 = tpu.vector_load_idx %arg29[%add3A_726, %and3A_678] : memref<128x64xf32, #tpu.memory_space<vmem>>[vector<16xi32>, vector<16xi32>], vector<16xf32>,
        %sub3A_728 = arith.subf %gather3A_727, %gather3A_679 : vector<16xf32>
        %abs3A_729 = math.absf %sub3A_728 : vector<16xf32>
        %add3A_730 = arith.addf %scan3A_669, %abs3A_729 : vector<16xf32>
        %min3A_731 = arith.minimumf %abs3A_729, %gather3A_680 : vector<16xf32>
        %add3A_732 = arith.addf %scan3A_670, %min3A_731 : vector<16xf32>
        %add3A_733 = arith.constant 96 : i32
        %add3A_734 = vector.broadcast %add3A_733 : i32 to vector<16xi32>
        %add3A_735 = arith.addi %iota3A, %add3A_734 : vector<16xi32>
        %gather3A_736 = tpu.vector_load_idx %arg29[%add3A_735, %and3A_678] : memref<128x64xf32, #tpu.memory_space<vmem>>[vector<16xi32>, vector<16xi32>], vector<16xf32>,
        %sub3A_737 = arith.subf %gather3A_736, %gather3A_679 : vector<16xf32>
        %abs3A_738 = math.absf %sub3A_737 : vector<16xf32>
        %add3A_739 = arith.addf %scan3A_671, %abs3A_738 : vector<16xf32>
        %min3A_740 = arith.minimumf %abs3A_738, %gather3A_680 : vector<16xf32>
        %add3A_741 = arith.addf %scan3A_672, %min3A_740 : vector<16xf32>
        %add3A_742 = arith.constant 112 : i32
        %add3A_743 = vector.broadcast %add3A_742 : i32 to vector<16xi32>
        %add3A_744 = arith.addi %iota3A, %add3A_743 : vector<16xi32>
        %gather3A_745 = tpu.vector_load_idx %arg29[%add3A_744, %and3A_678] : memref<128x64xf32, #tpu.memory_space<vmem>>[vector<16xi32>, vector<16xi32>], vector<16xf32>,
        %sub3A_746 = arith.subf %gather3A_745, %gather3A_679 : vector<16xf32>
        %abs3A_747 = math.absf %sub3A_746 : vector<16xf32>
        %add3A_748 = arith.addf %scan3A_673, %abs3A_747 : vector<16xf32>
        %min3A_749 = arith.minimumf %abs3A_747, %gather3A_680 : vector<16xf32>
        %add3A_750 = arith.addf %scan3A_674, %min3A_749 : vector<16xf32>
        scf.yield %add3A_686, %add3A_687, %add3A_694, %add3A_696, %add3A_703, %add3A_705, %add3A_712, %add3A_714, %add3A_721, %add3A_723, %add3A_730, %add3A_732, %add3A_739, %add3A_741, %add3A_748, %add3A_750 : vector<16xf32>, vector<16xf32>, vector<16xf32>, vector<16xf32>, vector<16xf32>, vector<16xf32>, vector<16xf32>, vector<16xf32>, vector<16xf32>, vector<16xf32>, vector<16xf32>, vector<16xf32>, vector<16xf32>, vector<16xf32>, vector<16xf32>, vector<16xf32>
      }
      %scan3A_473 = arith.constant 64 : i32
      %sub3A_474 = arith.constant 2.400000e+01 : f32
      %sub3A_475 = vector.broadcast %sub3A_474 : f32 to vector<16xf32>
      %sub3A_476 = arith.subf %sub3A_475, %scan3A_472#0 : vector<16xf32>
      %mul3A_477 = vector.broadcast %scan3A_237 : f32 to vector<16xf32>
      %mul3A_478 = arith.mulf %mul3A_477, %scan3A_472#1 : vector<16xf32>
      %add3A_479 = arith.addf %sub3A_476, %mul3A_478 : vector<16xf32>
      %mul3A_480 = arith.mulf %add3A_479, %gather3A_467 : vector<16xf32>
      %broadcast_in_dim3A_481 = arith.constant 1 : i32
      %broadcast_in_dim3A_482 = vector.broadcast %broadcast_in_dim3A_481 : i32 to vector<16xi32>
      %add3A_483 = arith.addi %broadcast_in_dim3A_482, %iota3A : vector<16xi32>
      tpu.vector_store_idx %arg31[%broadcast_in_dim3A_466, %add3A_483], %mul3A_480 : memref<128x129xf32, #tpu.memory_space<vmem>>[vector<16xi32>, vector<16xi32>], vector<16xf32>,
      %sub3A_484 = arith.constant 2.400000e+01 : f32
      %sub3A_485 = vector.broadcast %sub3A_484 : f32 to vector<16xf32>
      %sub3A_486 = arith.subf %sub3A_485, %scan3A_472#2 : vector<16xf32>
      %mul3A_487 = vector.broadcast %scan3A_237 : f32 to vector<16xf32>
      %mul3A_488 = arith.mulf %mul3A_487, %scan3A_472#3 : vector<16xf32>
      %add3A_489 = arith.addf %sub3A_486, %mul3A_488 : vector<16xf32>
      %mul3A_490 = arith.mulf %add3A_489, %gather3A_467 : vector<16xf32>
      %broadcast_in_dim3A_491 = arith.constant 17 : i32
      %broadcast_in_dim3A_492 = vector.broadcast %broadcast_in_dim3A_491 : i32 to vector<16xi32>
      %add3A_493 = arith.addi %broadcast_in_dim3A_492, %iota3A : vector<16xi32>
      tpu.vector_store_idx %arg31[%broadcast_in_dim3A_466, %add3A_493], %mul3A_490 : memref<128x129xf32, #tpu.memory_space<vmem>>[vector<16xi32>, vector<16xi32>], vector<16xf32>,
      %sub3A_494 = arith.constant 2.400000e+01 : f32
      %sub3A_495 = vector.broadcast %sub3A_494 : f32 to vector<16xf32>
      %sub3A_496 = arith.subf %sub3A_495, %scan3A_472#4 : vector<16xf32>
      %mul3A_497 = vector.broadcast %scan3A_237 : f32 to vector<16xf32>
      %mul3A_498 = arith.mulf %mul3A_497, %scan3A_472#5 : vector<16xf32>
      %add3A_499 = arith.addf %sub3A_496, %mul3A_498 : vector<16xf32>
      %mul3A_500 = arith.mulf %add3A_499, %gather3A_467 : vector<16xf32>
      %broadcast_in_dim3A_501 = arith.constant 33 : i32
      %broadcast_in_dim3A_502 = vector.broadcast %broadcast_in_dim3A_501 : i32 to vector<16xi32>
      %add3A_503 = arith.addi %broadcast_in_dim3A_502, %iota3A : vector<16xi32>
      tpu.vector_store_idx %arg31[%broadcast_in_dim3A_466, %add3A_503], %mul3A_500 : memref<128x129xf32, #tpu.memory_space<vmem>>[vector<16xi32>, vector<16xi32>], vector<16xf32>,
      %sub3A_504 = arith.constant 2.400000e+01 : f32
      %sub3A_505 = vector.broadcast %sub3A_504 : f32 to vector<16xf32>
      %sub3A_506 = arith.subf %sub3A_505, %scan3A_472#6 : vector<16xf32>
      %mul3A_507 = vector.broadcast %scan3A_237 : f32 to vector<16xf32>
      %mul3A_508 = arith.mulf %mul3A_507, %scan3A_472#7 : vector<16xf32>
      %add3A_509 = arith.addf %sub3A_506, %mul3A_508 : vector<16xf32>
      %mul3A_510 = arith.mulf %add3A_509, %gather3A_467 : vector<16xf32>
      %broadcast_in_dim3A_511 = arith.constant 49 : i32
      %broadcast_in_dim3A_512 = vector.broadcast %broadcast_in_dim3A_511 : i32 to vector<16xi32>
      %add3A_513 = arith.addi %broadcast_in_dim3A_512, %iota3A : vector<16xi32>
      tpu.vector_store_idx %arg31[%broadcast_in_dim3A_466, %add3A_513], %mul3A_510 : memref<128x129xf32, #tpu.memory_space<vmem>>[vector<16xi32>, vector<16xi32>], vector<16xf32>,
      %sub3A_514 = arith.constant 2.400000e+01 : f32
      %sub3A_515 = vector.broadcast %sub3A_514 : f32 to vector<16xf32>
      %sub3A_516 = arith.subf %sub3A_515, %scan3A_472#8 : vector<16xf32>
      %mul3A_517 = vector.broadcast %scan3A_237 : f32 to vector<16xf32>
      %mul3A_518 = arith.mulf %mul3A_517, %scan3A_472#9 : vector<16xf32>
      %add3A_519 = arith.addf %sub3A_516, %mul3A_518 : vector<16xf32>
      %mul3A_520 = arith.mulf %add3A_519, %gather3A_467 : vector<16xf32>
      %broadcast_in_dim3A_521 = arith.constant 65 : i32
      %broadcast_in_dim3A_522 = vector.broadcast %broadcast_in_dim3A_521 : i32 to vector<16xi32>
      %add3A_523 = arith.addi %broadcast_in_dim3A_522, %iota3A : vector<16xi32>
      tpu.vector_store_idx %arg31[%broadcast_in_dim3A_466, %add3A_523], %mul3A_520 : memref<128x129xf32, #tpu.memory_space<vmem>>[vector<16xi32>, vector<16xi32>], vector<16xf32>,
      %sub3A_524 = arith.constant 2.400000e+01 : f32
      %sub3A_525 = vector.broadcast %sub3A_524 : f32 to vector<16xf32>
      %sub3A_526 = arith.subf %sub3A_525, %scan3A_472#10 : vector<16xf32>
      %mul3A_527 = vector.broadcast %scan3A_237 : f32 to vector<16xf32>
      %mul3A_528 = arith.mulf %mul3A_527, %scan3A_472#11 : vector<16xf32>
      %add3A_529 = arith.addf %sub3A_526, %mul3A_528 : vector<16xf32>
      %mul3A_530 = arith.mulf %add3A_529, %gather3A_467 : vector<16xf32>
      %broadcast_in_dim3A_531 = arith.constant 81 : i32
      %broadcast_in_dim3A_532 = vector.broadcast %broadcast_in_dim3A_531 : i32 to vector<16xi32>
      %add3A_533 = arith.addi %broadcast_in_dim3A_532, %iota3A : vector<16xi32>
      tpu.vector_store_idx %arg31[%broadcast_in_dim3A_466, %add3A_533], %mul3A_530 : memref<128x129xf32, #tpu.memory_space<vmem>>[vector<16xi32>, vector<16xi32>], vector<16xf32>,
      %sub3A_534 = arith.constant 2.400000e+01 : f32
      %sub3A_535 = vector.broadcast %sub3A_534 : f32 to vector<16xf32>
      %sub3A_536 = arith.subf %sub3A_535, %scan3A_472#12 : vector<16xf32>
      %mul3A_537 = vector.broadcast %scan3A_237 : f32 to vector<16xf32>
      %mul3A_538 = arith.mulf %mul3A_537, %scan3A_472#13 : vector<16xf32>
      %add3A_539 = arith.addf %sub3A_536, %mul3A_538 : vector<16xf32>
      %mul3A_540 = arith.mulf %add3A_539, %gather3A_467 : vector<16xf32>
      %broadcast_in_dim3A_541 = arith.constant 97 : i32
      %broadcast_in_dim3A_542 = vector.broadcast %broadcast_in_dim3A_541 : i32 to vector<16xi32>
      %add3A_543 = arith.addi %broadcast_in_dim3A_542, %iota3A : vector<16xi32>
      tpu.vector_store_idx %arg31[%broadcast_in_dim3A_466, %add3A_543], %mul3A_540 : memref<128x129xf32, #tpu.memory_space<vmem>>[vector<16xi32>, vector<16xi32>], vector<16xf32>,
      %sub3A_544 = arith.constant 2.400000e+01 : f32
      %sub3A_545 = vector.broadcast %sub3A_544 : f32 to vector<16xf32>
      %sub3A_546 = arith.subf %sub3A_545, %scan3A_472#14 : vector<16xf32>
      %mul3A_547 = vector.broadcast %scan3A_237 : f32 to vector<16xf32>
      %mul3A_548 = arith.mulf %mul3A_547, %scan3A_472#15 : vector<16xf32>
      %add3A_549 = arith.addf %sub3A_546, %mul3A_548 : vector<16xf32>
      %mul3A_550 = arith.mulf %add3A_549, %gather3A_467 : vector<16xf32>
      %broadcast_in_dim3A_551 = arith.constant 113 : i32
      %broadcast_in_dim3A_552 = vector.broadcast %broadcast_in_dim3A_551 : i32 to vector<16xi32>
      %add3A_553 = arith.addi %broadcast_in_dim3A_552, %iota3A : vector<16xi32>
      tpu.vector_store_idx %arg31[%broadcast_in_dim3A_466, %add3A_553], %mul3A_550 : memref<128x129xf32, #tpu.memory_space<vmem>>[vector<16xi32>, vector<16xi32>], vector<16xf32>,
      %add3A_554 = arith.constant 3 : i32
      %add3A_555 = arith.addi %mul3A_248, %add3A_554 : i32
      %dma_wait3A_556 = arith.constant 0 : i32
      %dma_wait3A_557 = tpu.memref_slice %arg18[%add3A_555, %dma_wait3A_556] : memref<128x128xi32, #tpu.memory_space<vmem>> -> memref<1x128xi32, #tpu.memory_space<vmem>>
      %dma_wait3A_558 = tpu.memref_squeeze %dma_wait3A_557 : memref<1x128xi32, #tpu.memory_space<vmem>> -> memref<128xi32, #tpu.memory_space<vmem>>
      %dma_wait3A_559 = arith.constant 0 : i32
      %dma_wait3A_560 = arith.constant 0 : i32
      %dma_wait3A_561 = tpu.memref_slice %arg4[%dma_wait3A_559, %dma_wait3A_560] : memref<1000000x64xf32, #tpu.memory_space<hbm>> -> memref<1000000x64xf32, #tpu.memory_space<hbm>>
      tpu.wait_indirect_dma semaphore(%arg35 : memref<!tpu.dma_semaphore, #tpu.memory_space<semaphore_mem>>) src(%dma_wait3A_561 : memref<1000000x64xf32, #tpu.memory_space<hbm>>) dst(%arg30 : memref<128x64xf32, #tpu.memory_space<vmem>>)
      %add3A_562 = arith.constant 3 : i32
      %add3A_563 = arith.addi %add3A_555, %add3A_562 : i32
      %lt3A_564 = arith.constant 128 : i32
      %lt3A_565 = arith.cmpi slt, %add3A_563, %lt3A_564 : i32
      %convert_element_type3A_566 = arith.extui %lt3A_565 : i1 to i32
      %cond3A_567 = arith.constant 0 : i32
      %cond3A_568 = arith.cmpi ne, %convert_element_type3A_566, %cond3A_567 : i32
      scf.if %cond3A_568 {
        %add3A_658 = arith.constant 3 : i32
        %add3A_659 = arith.addi %add3A_555, %add3A_658 : i32
        %dma_start3A_660 = arith.constant 0 : i32
        %dma_start3A_661 = tpu.memref_slice %arg18[%add3A_659, %dma_start3A_660] : memref<128x128xi32, #tpu.memory_space<vmem>> -> memref<1x128xi32, #tpu.memory_space<vmem>>
        %dma_start3A_662 = tpu.memref_squeeze %dma_start3A_661 : memref<1x128xi32, #tpu.memory_space<vmem>> -> memref<128xi32, #tpu.memory_space<vmem>>
        %dma_start3A_663 = arith.constant 0 : i32
        %dma_start3A_664 = arith.constant 0 : i32
        %dma_start3A_665 = tpu.memref_slice %arg4[%dma_start3A_663, %dma_start3A_664] : memref<1000000x64xf32, #tpu.memory_space<hbm>> -> memref<1000000x64xf32, #tpu.memory_space<hbm>>
        tpu.enqueue_indirect_dma source(%dma_start3A_665 : memref<1000000x64xf32, #tpu.memory_space<hbm>>) target(%arg29 : memref<128x64xf32, #tpu.memory_space<vmem>>) offsets(%dma_start3A_662 : memref<128xi32, #tpu.memory_space<vmem>>) semaphore(%arg34 : memref<!tpu.dma_semaphore, #tpu.memory_space<semaphore_mem>>)
      } else {
      }
      %broadcast_in_dim3A_569 = vector.broadcast %add3A_555 : i32 to vector<16xi32>
      %gather3A_570 = tpu.vector_load_idx %arg19[%broadcast_in_dim3A_569] : memref<128xf32, #tpu.memory_space<vmem>>[vector<16xi32>], vector<16xf32>,
      %scan3A_571 = arith.constant 0 : i32
      %scan3A_572 = arith.constant 64 : i32
      %scan3A_573 = arith.addi %scan3A_571, %scan3A_572 : i32
      %scan3A_574 = arith.constant 1 : i32
      %scan3A_575:16 = scf.for %scan3A_658 = %scan3A_571 to %scan3A_573 step %scan3A_574 iter_args(%scan3A_659 = %broadcast_in_dim3A_49, %scan3A_660 = %broadcast_in_dim3A_49, %scan3A_661 = %broadcast_in_dim3A_49, %scan3A_662 = %broadcast_in_dim3A_49, %scan3A_663 = %broadcast_in_dim3A_49, %scan3A_664 = %broadcast_in_dim3A_49, %scan3A_665 = %broadcast_in_dim3A_49, %scan3A_666 = %broadcast_in_dim3A_49, %scan3A_667 = %broadcast_in_dim3A_49, %scan3A_668 = %broadcast_in_dim3A_49, %scan3A_669 = %broadcast_in_dim3A_49, %scan3A_670 = %broadcast_in_dim3A_49, %scan3A_671 = %broadcast_in_dim3A_49, %scan3A_672 = %broadcast_in_dim3A_49, %scan3A_673 = %broadcast_in_dim3A_49, %scan3A_674 = %broadcast_in_dim3A_49) -> (vector<16xf32>, vector<16xf32>, vector<16xf32>, vector<16xf32>, vector<16xf32>, vector<16xf32>, vector<16xf32>, vector<16xf32>, vector<16xf32>, vector<16xf32>, vector<16xf32>, vector<16xf32>, vector<16xf32>, vector<16xf32>, vector<16xf32>, vector<16xf32>)  : i32 {
        %add3A_675 = vector.broadcast %scan3A_658 : i32 to vector<16xi32>
        %add3A_676 = arith.addi %add3A_675, %iota3A : vector<16xi32>
        %and3A = arith.constant 63 : i32
        %and3A_677 = vector.broadcast %and3A : i32 to vector<16xi32>
        %and3A_678 = arith.andi %add3A_676, %and3A_677 : vector<16xi32>
        %gather3A_679 = tpu.vector_load_idx %arg20[%broadcast_in_dim3A_569, %and3A_678] : memref<128x64xf32, #tpu.memory_space<vmem>>[vector<16xi32>, vector<16xi32>], vector<16xf32>,
        %gather3A_680 = tpu.vector_load_idx %arg21[%broadcast_in_dim3A_569, %and3A_678] : memref<128x64xf32, #tpu.memory_space<vmem>>[vector<16xi32>, vector<16xi32>], vector<16xf32>,
        %add3A_681 = arith.constant 0 : i32
        %add3A_682 = vector.broadcast %add3A_681 : i32 to vector<16xi32>
        %add3A_683 = arith.addi %iota3A, %add3A_682 : vector<16xi32>
        %gather3A_684 = tpu.vector_load_idx %arg30[%add3A_683, %and3A_678] : memref<128x64xf32, #tpu.memory_space<vmem>>[vector<16xi32>, vector<16xi32>], vector<16xf32>,
        %sub3A_685 = arith.subf %gather3A_684, %gather3A_679 : vector<16xf32>
        %abs3A = math.absf %sub3A_685 : vector<16xf32>
        %add3A_686 = arith.addf %scan3A_659, %abs3A : vector<16xf32>
        %min3A = arith.minimumf %abs3A, %gather3A_680 : vector<16xf32>
        %add3A_687 = arith.addf %scan3A_660, %min3A : vector<16xf32>
        %add3A_688 = arith.constant 16 : i32
        %add3A_689 = vector.broadcast %add3A_688 : i32 to vector<16xi32>
        %add3A_690 = arith.addi %iota3A, %add3A_689 : vector<16xi32>
        %gather3A_691 = tpu.vector_load_idx %arg30[%add3A_690, %and3A_678] : memref<128x64xf32, #tpu.memory_space<vmem>>[vector<16xi32>, vector<16xi32>], vector<16xf32>,
        %sub3A_692 = arith.subf %gather3A_691, %gather3A_679 : vector<16xf32>
        %abs3A_693 = math.absf %sub3A_692 : vector<16xf32>
        %add3A_694 = arith.addf %scan3A_661, %abs3A_693 : vector<16xf32>
        %min3A_695 = arith.minimumf %abs3A_693, %gather3A_680 : vector<16xf32>
        %add3A_696 = arith.addf %scan3A_662, %min3A_695 : vector<16xf32>
        %add3A_697 = arith.constant 32 : i32
        %add3A_698 = vector.broadcast %add3A_697 : i32 to vector<16xi32>
        %add3A_699 = arith.addi %iota3A, %add3A_698 : vector<16xi32>
        %gather3A_700 = tpu.vector_load_idx %arg30[%add3A_699, %and3A_678] : memref<128x64xf32, #tpu.memory_space<vmem>>[vector<16xi32>, vector<16xi32>], vector<16xf32>,
        %sub3A_701 = arith.subf %gather3A_700, %gather3A_679 : vector<16xf32>
        %abs3A_702 = math.absf %sub3A_701 : vector<16xf32>
        %add3A_703 = arith.addf %scan3A_663, %abs3A_702 : vector<16xf32>
        %min3A_704 = arith.minimumf %abs3A_702, %gather3A_680 : vector<16xf32>
        %add3A_705 = arith.addf %scan3A_664, %min3A_704 : vector<16xf32>
        %add3A_706 = arith.constant 48 : i32
        %add3A_707 = vector.broadcast %add3A_706 : i32 to vector<16xi32>
        %add3A_708 = arith.addi %iota3A, %add3A_707 : vector<16xi32>
        %gather3A_709 = tpu.vector_load_idx %arg30[%add3A_708, %and3A_678] : memref<128x64xf32, #tpu.memory_space<vmem>>[vector<16xi32>, vector<16xi32>], vector<16xf32>,
        %sub3A_710 = arith.subf %gather3A_709, %gather3A_679 : vector<16xf32>
        %abs3A_711 = math.absf %sub3A_710 : vector<16xf32>
        %add3A_712 = arith.addf %scan3A_665, %abs3A_711 : vector<16xf32>
        %min3A_713 = arith.minimumf %abs3A_711, %gather3A_680 : vector<16xf32>
        %add3A_714 = arith.addf %scan3A_666, %min3A_713 : vector<16xf32>
        %add3A_715 = arith.constant 64 : i32
        %add3A_716 = vector.broadcast %add3A_715 : i32 to vector<16xi32>
        %add3A_717 = arith.addi %iota3A, %add3A_716 : vector<16xi32>
        %gather3A_718 = tpu.vector_load_idx %arg30[%add3A_717, %and3A_678] : memref<128x64xf32, #tpu.memory_space<vmem>>[vector<16xi32>, vector<16xi32>], vector<16xf32>,
        %sub3A_719 = arith.subf %gather3A_718, %gather3A_679 : vector<16xf32>
        %abs3A_720 = math.absf %sub3A_719 : vector<16xf32>
        %add3A_721 = arith.addf %scan3A_667, %abs3A_720 : vector<16xf32>
        %min3A_722 = arith.minimumf %abs3A_720, %gather3A_680 : vector<16xf32>
        %add3A_723 = arith.addf %scan3A_668, %min3A_722 : vector<16xf32>
        %add3A_724 = arith.constant 80 : i32
        %add3A_725 = vector.broadcast %add3A_724 : i32 to vector<16xi32>
        %add3A_726 = arith.addi %iota3A, %add3A_725 : vector<16xi32>
        %gather3A_727 = tpu.vector_load_idx %arg30[%add3A_726, %and3A_678] : memref<128x64xf32, #tpu.memory_space<vmem>>[vector<16xi32>, vector<16xi32>], vector<16xf32>,
        %sub3A_728 = arith.subf %gather3A_727, %gather3A_679 : vector<16xf32>
        %abs3A_729 = math.absf %sub3A_728 : vector<16xf32>
        %add3A_730 = arith.addf %scan3A_669, %abs3A_729 : vector<16xf32>
        %min3A_731 = arith.minimumf %abs3A_729, %gather3A_680 : vector<16xf32>
        %add3A_732 = arith.addf %scan3A_670, %min3A_731 : vector<16xf32>
        %add3A_733 = arith.constant 96 : i32
        %add3A_734 = vector.broadcast %add3A_733 : i32 to vector<16xi32>
        %add3A_735 = arith.addi %iota3A, %add3A_734 : vector<16xi32>
        %gather3A_736 = tpu.vector_load_idx %arg30[%add3A_735, %and3A_678] : memref<128x64xf32, #tpu.memory_space<vmem>>[vector<16xi32>, vector<16xi32>], vector<16xf32>,
        %sub3A_737 = arith.subf %gather3A_736, %gather3A_679 : vector<16xf32>
        %abs3A_738 = math.absf %sub3A_737 : vector<16xf32>
        %add3A_739 = arith.addf %scan3A_671, %abs3A_738 : vector<16xf32>
        %min3A_740 = arith.minimumf %abs3A_738, %gather3A_680 : vector<16xf32>
        %add3A_741 = arith.addf %scan3A_672, %min3A_740 : vector<16xf32>
        %add3A_742 = arith.constant 112 : i32
        %add3A_743 = vector.broadcast %add3A_742 : i32 to vector<16xi32>
        %add3A_744 = arith.addi %iota3A, %add3A_743 : vector<16xi32>
        %gather3A_745 = tpu.vector_load_idx %arg30[%add3A_744, %and3A_678] : memref<128x64xf32, #tpu.memory_space<vmem>>[vector<16xi32>, vector<16xi32>], vector<16xf32>,
        %sub3A_746 = arith.subf %gather3A_745, %gather3A_679 : vector<16xf32>
        %abs3A_747 = math.absf %sub3A_746 : vector<16xf32>
        %add3A_748 = arith.addf %scan3A_673, %abs3A_747 : vector<16xf32>
        %min3A_749 = arith.minimumf %abs3A_747, %gather3A_680 : vector<16xf32>
        %add3A_750 = arith.addf %scan3A_674, %min3A_749 : vector<16xf32>
        scf.yield %add3A_686, %add3A_687, %add3A_694, %add3A_696, %add3A_703, %add3A_705, %add3A_712, %add3A_714, %add3A_721, %add3A_723, %add3A_730, %add3A_732, %add3A_739, %add3A_741, %add3A_748, %add3A_750 : vector<16xf32>, vector<16xf32>, vector<16xf32>, vector<16xf32>, vector<16xf32>, vector<16xf32>, vector<16xf32>, vector<16xf32>, vector<16xf32>, vector<16xf32>, vector<16xf32>, vector<16xf32>, vector<16xf32>, vector<16xf32>, vector<16xf32>, vector<16xf32>
      }
      %scan3A_576 = arith.constant 64 : i32
      %sub3A_577 = arith.constant 2.400000e+01 : f32
      %sub3A_578 = vector.broadcast %sub3A_577 : f32 to vector<16xf32>
      %sub3A_579 = arith.subf %sub3A_578, %scan3A_575#0 : vector<16xf32>
      %mul3A_580 = vector.broadcast %scan3A_237 : f32 to vector<16xf32>
      %mul3A_581 = arith.mulf %mul3A_580, %scan3A_575#1 : vector<16xf32>
      %add3A_582 = arith.addf %sub3A_579, %mul3A_581 : vector<16xf32>
      %mul3A_583 = arith.mulf %add3A_582, %gather3A_570 : vector<16xf32>
      %broadcast_in_dim3A_584 = arith.constant 1 : i32
      %broadcast_in_dim3A_585 = vector.broadcast %broadcast_in_dim3A_584 : i32 to vector<16xi32>
      %add3A_586 = arith.addi %broadcast_in_dim3A_585, %iota3A : vector<16xi32>
      tpu.vector_store_idx %arg31[%broadcast_in_dim3A_569, %add3A_586], %mul3A_583 : memref<128x129xf32, #tpu.memory_space<vmem>>[vector<16xi32>, vector<16xi32>], vector<16xf32>,
      %sub3A_587 = arith.constant 2.400000e+01 : f32
      %sub3A_588 = vector.broadcast %sub3A_587 : f32 to vector<16xf32>
      %sub3A_589 = arith.subf %sub3A_588, %scan3A_575#2 : vector<16xf32>
      %mul3A_590 = vector.broadcast %scan3A_237 : f32 to vector<16xf32>
      %mul3A_591 = arith.mulf %mul3A_590, %scan3A_575#3 : vector<16xf32>
      %add3A_592 = arith.addf %sub3A_589, %mul3A_591 : vector<16xf32>
      %mul3A_593 = arith.mulf %add3A_592, %gather3A_570 : vector<16xf32>
      %broadcast_in_dim3A_594 = arith.constant 17 : i32
      %broadcast_in_dim3A_595 = vector.broadcast %broadcast_in_dim3A_594 : i32 to vector<16xi32>
      %add3A_596 = arith.addi %broadcast_in_dim3A_595, %iota3A : vector<16xi32>
      tpu.vector_store_idx %arg31[%broadcast_in_dim3A_569, %add3A_596], %mul3A_593 : memref<128x129xf32, #tpu.memory_space<vmem>>[vector<16xi32>, vector<16xi32>], vector<16xf32>,
      %sub3A_597 = arith.constant 2.400000e+01 : f32
      %sub3A_598 = vector.broadcast %sub3A_597 : f32 to vector<16xf32>
      %sub3A_599 = arith.subf %sub3A_598, %scan3A_575#4 : vector<16xf32>
      %mul3A_600 = vector.broadcast %scan3A_237 : f32 to vector<16xf32>
      %mul3A_601 = arith.mulf %mul3A_600, %scan3A_575#5 : vector<16xf32>
      %add3A_602 = arith.addf %sub3A_599, %mul3A_601 : vector<16xf32>
      %mul3A_603 = arith.mulf %add3A_602, %gather3A_570 : vector<16xf32>
      %broadcast_in_dim3A_604 = arith.constant 33 : i32
      %broadcast_in_dim3A_605 = vector.broadcast %broadcast_in_dim3A_604 : i32 to vector<16xi32>
      %add3A_606 = arith.addi %broadcast_in_dim3A_605, %iota3A : vector<16xi32>
      tpu.vector_store_idx %arg31[%broadcast_in_dim3A_569, %add3A_606], %mul3A_603 : memref<128x129xf32, #tpu.memory_space<vmem>>[vector<16xi32>, vector<16xi32>], vector<16xf32>,
      %sub3A_607 = arith.constant 2.400000e+01 : f32
      %sub3A_608 = vector.broadcast %sub3A_607 : f32 to vector<16xf32>
      %sub3A_609 = arith.subf %sub3A_608, %scan3A_575#6 : vector<16xf32>
      %mul3A_610 = vector.broadcast %scan3A_237 : f32 to vector<16xf32>
      %mul3A_611 = arith.mulf %mul3A_610, %scan3A_575#7 : vector<16xf32>
      %add3A_612 = arith.addf %sub3A_609, %mul3A_611 : vector<16xf32>
      %mul3A_613 = arith.mulf %add3A_612, %gather3A_570 : vector<16xf32>
      %broadcast_in_dim3A_614 = arith.constant 49 : i32
      %broadcast_in_dim3A_615 = vector.broadcast %broadcast_in_dim3A_614 : i32 to vector<16xi32>
      %add3A_616 = arith.addi %broadcast_in_dim3A_615, %iota3A : vector<16xi32>
      tpu.vector_store_idx %arg31[%broadcast_in_dim3A_569, %add3A_616], %mul3A_613 : memref<128x129xf32, #tpu.memory_space<vmem>>[vector<16xi32>, vector<16xi32>], vector<16xf32>,
      %sub3A_617 = arith.constant 2.400000e+01 : f32
      %sub3A_618 = vector.broadcast %sub3A_617 : f32 to vector<16xf32>
      %sub3A_619 = arith.subf %sub3A_618, %scan3A_575#8 : vector<16xf32>
      %mul3A_620 = vector.broadcast %scan3A_237 : f32 to vector<16xf32>
      %mul3A_621 = arith.mulf %mul3A_620, %scan3A_575#9 : vector<16xf32>
      %add3A_622 = arith.addf %sub3A_619, %mul3A_621 : vector<16xf32>
      %mul3A_623 = arith.mulf %add3A_622, %gather3A_570 : vector<16xf32>
      %broadcast_in_dim3A_624 = arith.constant 65 : i32
      %broadcast_in_dim3A_625 = vector.broadcast %broadcast_in_dim3A_624 : i32 to vector<16xi32>
      %add3A_626 = arith.addi %broadcast_in_dim3A_625, %iota3A : vector<16xi32>
      tpu.vector_store_idx %arg31[%broadcast_in_dim3A_569, %add3A_626], %mul3A_623 : memref<128x129xf32, #tpu.memory_space<vmem>>[vector<16xi32>, vector<16xi32>], vector<16xf32>,
      %sub3A_627 = arith.constant 2.400000e+01 : f32
      %sub3A_628 = vector.broadcast %sub3A_627 : f32 to vector<16xf32>
      %sub3A_629 = arith.subf %sub3A_628, %scan3A_575#10 : vector<16xf32>
      %mul3A_630 = vector.broadcast %scan3A_237 : f32 to vector<16xf32>
      %mul3A_631 = arith.mulf %mul3A_630, %scan3A_575#11 : vector<16xf32>
      %add3A_632 = arith.addf %sub3A_629, %mul3A_631 : vector<16xf32>
      %mul3A_633 = arith.mulf %add3A_632, %gather3A_570 : vector<16xf32>
      %broadcast_in_dim3A_634 = arith.constant 81 : i32
      %broadcast_in_dim3A_635 = vector.broadcast %broadcast_in_dim3A_634 : i32 to vector<16xi32>
      %add3A_636 = arith.addi %broadcast_in_dim3A_635, %iota3A : vector<16xi32>
      tpu.vector_store_idx %arg31[%broadcast_in_dim3A_569, %add3A_636], %mul3A_633 : memref<128x129xf32, #tpu.memory_space<vmem>>[vector<16xi32>, vector<16xi32>], vector<16xf32>,
      %sub3A_637 = arith.constant 2.400000e+01 : f32
      %sub3A_638 = vector.broadcast %sub3A_637 : f32 to vector<16xf32>
      %sub3A_639 = arith.subf %sub3A_638, %scan3A_575#12 : vector<16xf32>
      %mul3A_640 = vector.broadcast %scan3A_237 : f32 to vector<16xf32>
      %mul3A_641 = arith.mulf %mul3A_640, %scan3A_575#13 : vector<16xf32>
      %add3A_642 = arith.addf %sub3A_639, %mul3A_641 : vector<16xf32>
      %mul3A_643 = arith.mulf %add3A_642, %gather3A_570 : vector<16xf32>
      %broadcast_in_dim3A_644 = arith.constant 97 : i32
      %broadcast_in_dim3A_645 = vector.broadcast %broadcast_in_dim3A_644 : i32 to vector<16xi32>
      %add3A_646 = arith.addi %broadcast_in_dim3A_645, %iota3A : vector<16xi32>
      tpu.vector_store_idx %arg31[%broadcast_in_dim3A_569, %add3A_646], %mul3A_643 : memref<128x129xf32, #tpu.memory_space<vmem>>[vector<16xi32>, vector<16xi32>], vector<16xf32>,
      %sub3A_647 = arith.constant 2.400000e+01 : f32
      %sub3A_648 = vector.broadcast %sub3A_647 : f32 to vector<16xf32>
      %sub3A_649 = arith.subf %sub3A_648, %scan3A_575#14 : vector<16xf32>
      %mul3A_650 = vector.broadcast %scan3A_237 : f32 to vector<16xf32>
      %mul3A_651 = arith.mulf %mul3A_650, %scan3A_575#15 : vector<16xf32>
      %add3A_652 = arith.addf %sub3A_649, %mul3A_651 : vector<16xf32>
      %mul3A_653 = arith.mulf %add3A_652, %gather3A_570 : vector<16xf32>
      %broadcast_in_dim3A_654 = arith.constant 113 : i32
      %broadcast_in_dim3A_655 = vector.broadcast %broadcast_in_dim3A_654 : i32 to vector<16xi32>
      %add3A_656 = arith.addi %broadcast_in_dim3A_655, %iota3A : vector<16xi32>
      tpu.vector_store_idx %arg31[%broadcast_in_dim3A_569, %add3A_656], %mul3A_653 : memref<128x129xf32, #tpu.memory_space<vmem>>[vector<16xi32>, vector<16xi32>], vector<16xf32>,
      %scan3A_657 = arith.constant 0 : i32
      scf.yield %scan3A_657 : i32
    }
    %scan3A_244 = arith.constant 32 : i32
    "tpu.region"() ({
      %run_scoped3A = tpu.sem_alloc : memref<!tpu.dma_semaphore, #tpu.memory_space<semaphore_mem>>
      %dma_start3A_245 = arith.constant 0 : i32
      %dma_start3A_246 = tpu.memref_slice %arg14[%mul3A_2, %dma_start3A_245] : memref<4096x129xf32, #tpu.memory_space<hbm>> -> memref<128x129xf32, #tpu.memory_space<hbm>>
      %dma_start3A_247 = arith.constant 0 : i32
      %dma_start3A_248 = tpu.memref_slice %arg14[%mul3A_2, %dma_start3A_247] : memref<4096x129xf32, #tpu.memory_space<hbm>> -> memref<128x129xf32, #tpu.memory_space<hbm>>
      tpu.enqueue_dma source(%arg31 : memref<128x129xf32, #tpu.memory_space<vmem>>) target(%dma_start3A_248 : memref<128x129xf32, #tpu.memory_space<hbm>>) target_semaphore(%run_scoped3A : memref<!tpu.dma_semaphore, #tpu.memory_space<semaphore_mem>>)
      %dma_wait3A_249 = arith.constant 0 : i32
      %dma_wait3A_250 = tpu.memref_slice %arg14[%mul3A_2, %dma_wait3A_249] : memref<4096x129xf32, #tpu.memory_space<hbm>> -> memref<128x129xf32, #tpu.memory_space<hbm>>
      %dma_wait3A_251 = arith.constant 0 : i32
      %dma_wait3A_252 = tpu.memref_slice %arg14[%mul3A_2, %dma_wait3A_251] : memref<4096x129xf32, #tpu.memory_space<hbm>> -> memref<128x129xf32, #tpu.memory_space<hbm>>
      tpu.wait_dma2 semaphore(%run_scoped3A : memref<!tpu.dma_semaphore, #tpu.memory_space<semaphore_mem>>) src(%arg31 : memref<128x129xf32, #tpu.memory_space<vmem>>) dst(%dma_wait3A_252 : memref<128x129xf32, #tpu.memory_space<hbm>>)
      tpu.yield
    }) : () -> ()
    return
  }
}

</mosaic_0001>

<sc_bundles>
// kernel: _run.3.cloned.1.call-start
scs
__scs_entry_jumppad:
0x0: {  	(pc) =	sbr.rel $0x88, $3  }
0x1: {  	(tag) =	ssettag $0x0;
	lr =	simm.s32 $0x1  }
0x2: {  	[smem:$0x3F95] =	sst lr;
	_ =	strace $0xD0000000  }
0x3: {  	_ = 	snop  }
0x4: {  	_ = 	snop  }
0x5: {  	_ = 	snop  }
0x6: {  	_ = 	snop  }
0x7: {  	_ = 	snop  }
__scs_overlays_trampoline_lowered:
0x8: {  	[smem:$0x3FA4] =	sst s0  }
0x9: {  	[smem:$0x3FA5] =	sst s1  }
0xa: {  	[smem:$0x3FA6] =	sst s2  }
0xb: {  	[smem:$0x3FA7] =	sst s3  }
0xc: {  	[smem:$0x3FA8] =	sst s4  }
0xd: {  	[smem:$0x3FA9] =	sst s5  }
0xe: {  	[smem:$0x3FAA] =	sst s6  }
0xf: {  	[smem:$0x3FAB] =	sst s7  }
0x10: {  	[smem:$0x3FAC] =	sst s8  }
0x11: {  	[smem:$0x3FAD] =	sst s9;
	s0 =	simm.s32 @!p0 $0x0  }
0x12: {  	s1 =	sld [smem:$0x3F93];
	s0 =	simm.s32 @p0 $0x1  }
0x13: {  	[smem:$0x3FAE] =	sst s0;
	s0 =	simm.s32 @!p1 $0x0  }
0x14: {  	s2 =	sld [smem:$0x3F92];
	s0 =	simm.s32 @p1 $0x1  }
0x15: {  	[smem:$0x3FAF] =	sst s0;
	s0 =	simm.s32 @!p2 $0x0  }
0x16: {  	s3 =	sld [smem:$0x3FDB];
	s0 =	simm.s32 @p2 $0x1  }
0x17: {  	s4 =	simm.s32 $0x1BF5;
	[smem:$0x3FB1] =	sst s0  }
0x18: {  	s0 =	sld [smem:$0x3F94];
	_ =	swait.ge [sflag:s4], $0x0  }
0x19: {  	s7 =	sld [smem:$0x3F95]  }
0x1a: {  	s8 =	sadd.s32 $0xFFFFE003, lr  }
0x1b: {  	s9 =	sadd.s32 $0xFFFFFEF7, lr;
	s5 =	simm.s32 $0xFFFFFFFF;
	p2 =	slt.u32 s8, $0xFFFFF086  }
0x1c: {  	p1 =	slt.u32 s9, $0xF7A;
	s5 =	simm.s32 @!p2 $0x0  }
0x1d: {  	s5 =	simm.s32 @p1 $0x1;
	p0 =	seq.s32 s7, s2  }
0x1e: {  	s7 =	smul.u32 @!p0 $0xF7A, s2;
	p2 =	seq.s32 @!p0 s5, $0x0  }
0x1f: {  	s9 =	smul.u32 $0xF7A, s1;
	s8 =	simm.s32 @!p0 $0x1BF5;
	p2 =	por !p2, p0  }
0x20: {  	[sflag:s8] =	ssyncset.s32 @!p0 $0xFFFFF086;
	s6 =	sadd.s32 @!p0 s3, s7;
	s7 =	simm.s32 @!p0 $0x108  }
0x21: {  	s3 =	sadd.s32 s3, s9;
	s6 =	sadd.s32 @!p0 $0x88, s6;
	s7 =	simm.s32 @p2 $0x1082  }
0x22: {  	[simem:s7], [sflag:s8] =	dma.local @!p0 [hbm:s6], $0xF7A  }
0x23: {  	s9 =	sor.u32 $0xD0000000, s2;
	s6 =	simm.s32 $0x108;
	_ =	swait.ge @!p0 [sflag:s8], $0x0  }
0x24: {  	s3 =	sadd.s32 $0x88, s3;
	s6 =	simm.s32 @!p1 $0x1082;
	[sflag:s4] =	ssyncset.s32 $0xFFFFF086  }
0x25: {  	[simem:s6], [sflag:s4] =	dma.local [hbm:s3], $0xF7A  }
0x26: {  	[smem:$0x3F95] =	sst s1;
	(tag) =	ssettag s2;
	_ =	strace s9  }
0x27: {  	s1 =	sld [smem:$0x3FA5]  }
0x28: {  	s2 =	sld [smem:$0x3FA6]  }
0x29: {  	s4 =	sld [smem:$0x3FA8]  }
0x2a: {  	p0 =	seq.s32 s5, $0x0;
	s5 =	sld [smem:$0x3FA9]  }
0x2b: {  	s6 =	sld [smem:$0x3FAA]  }
0x2c: {  	s7 =	sld [smem:$0x3FAB]  }
0x2d: {  	s3 =	simm.s32 $0x108;
	s8 =	sld [smem:$0x3FAC]  }
0x2e: {  	s3 =	simm.s32 @!p0 $0x1082;
	s9 =	sld [smem:$0x3FAD]  }
0x2f: {  	lr =	sadd.s32 s0, s3;
	s0 =	sld [smem:$0x3FA4]  }
0x30: {  	s3 =	sld [smem:$0x3FA7]  }
0x31: {  	[smem:$0x3FB0] =	sst s10  }
0x32: {  	s10 =	sld [smem:$0x3FAE];
	_ =	sdelay $0x3  }
0x33: {  	p0 =	seq.s32 s10, $0x1;
	s10 =	sld [smem:$0x3FB0];
	_ =	sdelay $0x3  }
0x34: {  	[smem:$0x3FB0] =	sst s10  }
0x35: {  	s10 =	sld [smem:$0x3FAF];
	_ =	sdelay $0x3  }
0x36: {  	p1 =	seq.s32 s10, $0x1;
	s10 =	sld [smem:$0x3FB0];
	_ =	sdelay $0x3  }
0x37: {  	[smem:$0x3FB0] =	sst s10  }
0x38: {  	s10 =	sld [smem:$0x3FB1]  }
0x39: {  	_ = 	snop;
	(pc) =	sbr.ind lr, $3  }
0x3a: {  	_ = 	snop  }
0x3b: {  	_ = 	snop  }
0x3c: {  	p2 =	seq.s32 s10, $0x1;
	s10 =	sld [smem:$0x3FB0]  }
0x3d: {  	_ =	shalt  }
0x3e: {  	_ =	shalt  }
0x3f: {  	_ =	shalt  }
0x40: {  	_ =	shalt  }
0x41: {  	_ =	shalt  }
0x42: {  	_ =	shalt  }
0x43: {  	_ =	shalt  }
0x44: {  	_ =	shalt  }
0x45: {  	_ =	shalt  }
0x46: {  	_ =	shalt  }
0x47: {  	_ =	shalt  }
0x48: {  	_ =	shalt  }
0x49: {  	_ =	shalt  }
0x4a: {  	_ =	shalt  }
0x4b: {  	_ =	shalt  }
0x4c: {  	_ =	shalt  }
0x4d: {  	_ =	shalt  }
0x4e: {  	_ =	shalt  }
0x4f: {  	_ =	shalt  }
0x50: {  	_ =	shalt  }
0x51: {  	_ =	shalt  }
0x52: {  	_ =	shalt  }
0x53: {  	_ =	shalt  }
0x54: {  	_ =	shalt  }
0x55: {  	_ =	shalt  }
0x56: {  	_ =	shalt  }
0x57: {  	_ =	shalt  }
0x58: {  	_ =	shalt  }
0x59: {  	_ =	shalt  }
0x5a: {  	_ =	shalt  }
0x5b: {  	_ =	shalt  }
0x5c: {  	_ =	shalt  }
0x5d: {  	_ =	shalt  }
0x5e: {  	_ =	shalt  }
0x5f: {  	_ =	shalt  }
0x60: {  	_ =	shalt  }
0x61: {  	_ =	shalt  }
0x62: {  	_ =	shalt  }
0x63: {  	_ =	shalt  }
0x64: {  	_ =	shalt  }
0x65: {  	_ =	shalt  }
0x66: {  	_ =	shalt  }
0x67: {  	_ =	shalt  }
0x68: {  	_ =	shalt  }
0x69: {  	_ =	shalt  }
0x6a: {  	_ =	shalt  }
0x6b: {  	_ =	shalt  }
0x6c: {  	_ =	shalt  }
0x6d: {  	_ =	shalt  }
0x6e: {  	_ =	shalt  }
0x6f: {  	_ =	shalt  }
0x70: {  	_ =	shalt  }
0x71: {  	_ =	shalt  }
0x72: {  	_ =	shalt  }
0x73: {  	_ =	shalt  }
0x74: {  	_ =	shalt  }
0x75: {  	_ =	shalt  }
0x76: {  	_ =	shalt  }
0x77: {  	_ =	shalt  }
0x78: {  	_ =	shalt  }
0x79: {  	_ =	shalt  }
0x7a: {  	_ =	shalt  }
0x7b: {  	_ =	shalt  }
0x7c: {  	_ =	shalt  }
0x7d: {  	_ =	shalt  }
0x7e: {  	_ =	shalt  }
0x7f: {  	_ =	shalt  }
0x80: {  	_ =	shalt  }
0x81: {  	_ =	shalt  }
0x82: {  	_ =	shalt  }
0x83: {  	_ =	shalt  }
0x84: {  	_ =	shalt  }
0x85: {  	_ =	shalt  }
0x86: {  	_ =	shalt  }
0x87: {  	_ =	shalt  }
.Lfunc_end0:
.L_simem_size_0:
called_computation_lowered:
.L_overlay_start_0:
0x88: {  	s2 =	sld [smem:$0x3FD9]  }
0x89: {  	s3 =	sld [smem:$0x3FFE];
	_ =	sdelay $0x1  }
0x8a: {  	s1 =	srdreg.scid  }
0x8b: {  	s0 =	sand.u32 $0x1, s1  }
0x8c: {  	s17 =	sshll.u32 s0, $0xA;
	s2 =	sadd.s32 s3, s2  }
0x8d: {  	s2 =	sadd.s32 s2, s17  }
0x8e: {  	[smem:$0x3FBC] =	sst s2  }
0x8f: {  	_ = 	snop  }
0x90: {  	s2 =	sld [smem:$0x3FC2]  }
0x91: {  	s18 =	sld [smem:$0x3FC1]  }
0x92: {  	s4 =	sld [smem:$0x3FC0]  }
0x93: {  	s5 =	sld [smem:$0x3FBF]  }
0x94: {  	s6 =	sld [smem:$0x3FBE]  }
0x95: {  	s7 =	sld [smem:$0x3FD0];
	(tm) =	ssettm $0x1  }
0x96: {  	s8 =	sld [smem:$0x3FFB];
	_ =	sdelay $0x3  }
0x97: {  	_ =	strace s8  }
0x98: {  	s8 =	sld [smem:$0x3FFC];
	_ =	sdelay $0x3  }
0x99: {  	_ =	strace s8  }
0x9a: {  	s8 =	sld [smem:$0x3FFD];
	_ =	sdelay $0x3  }
0x9b: {  	_ =	strace s8  }
0x9c: {  	_ =	strace $0x8FFFFFFF  }
0x9d: {  	s19 =	sld [smem:$0x3FDB];
	_ =	sdelay $0x1  }
0x9e: {  	s9 =	simm.s32 $_scs_section_size  }
0x9f: {  	s10 =	simm.s32 $_size__tile_overlayer_lowered;
	s11 =	simm.s32 $_tile_overlayer_lowered  }
0xa0: {  	s22 =	simm.s32 $0x1BFF;
	s21 =	sshll.u32 s11, $0x1;
	s8 =	sadd.s32 s9, s19  }
0xa1: {  	s12 =	simm.s32 $0x0;
	s20 =	sshll.u32 s10, $0x1;
	s10 =	sadd.s32 s21, s8  }
0xa2: {  	[timem:s12], [sflag:s22] =	dma.local [hbm:s10], s20  }
0xa3: {  	_ =	swait.ge [sflag:s22], s20  }
0xa4: {  	s9 =	ssub.s32 $0x0, s20;
	[sflag:s22] =	ssyncset.done $0x0  }
0xa5: {  	[sflag:s22] =	ssyncadd.s32 s9;
	_ =	sdelay $0x1  }
0xa6: {  	s23 =	simm.s32 $0x1B8B  }
0xa7: {  	_ =	swait.ge [sflag:s23], $0x1  }
0xa8: {  	[sflag:s23] =	ssyncset.done $0x0  }
0xa9: {  	s25 =	simm.s32 $0x1B8E;
	s24 =	sld [smem:$0x3FFE];
	[sflag:s23] =	ssyncadd.s32 $0xFFFFFFFF  }
0xaa: {  	s26 =	simm.s32 $execute0_lowered;
	[smem:$0x3FD2] =	sst s25  }
0xab: {  	s10 =	sshll.u32 s26, $0x1;
	_ =	strace $0x80000046;
	[dreg:$0x1] =	wrdreg $0xFFFFFFFF  }
0xac: {  	s28 =	simm.s32 $_size_execute0_lowered;
	s8 =	sadd.s32 s8, s10;
	[dreg:$0x0] =	wrdreg $0x0  }
0xad: {  	s10 =	sshll.u32 s28, $0x1;
	[dreg:$0x2] =	wrdreg s8  }
0xae: {  	[dreg:$0x3] =	wrdreg s10  }
0xaf: {  	[dreg:$0x4] =	wrdreg $0xC0  }
0xb0: {  	_ =	task [dreg:s12], $0x5FFFF  }
0xb1: {  	[dreg:$0x1] =	wrdreg $0xFFFFFFFF  }
0xb2: {  	[dreg:$0x0] =	wrdreg $0x60  }
0xb3: {  	[dreg:$0x2] =	wrdreg s24  }
0xb4: {  	[dreg:$0x3] =	wrdreg s2  }
0xb5: {  	[dreg:$0x4] =	wrdreg s18  }
0xb6: {  	[dreg:$0x5] =	wrdreg s4  }
0xb7: {  	[dreg:$0x6] =	wrdreg s5  }
0xb8: {  	[dreg:$0x7] =	wrdreg s6  }
0xb9: {  	[dreg:$0x8] =	wrdreg s7  }
0xba: {  	[dreg:$0x9] =	wrdreg $0x9  }
0xbb: {  	_ =	task.clear_ibuf [dreg:s12], $0xAFFFF;
	_ =	strace $0x90000046  }
0xbc: {  	s29 =	simm.s32 $0x9;
	_ =	strace $0x80000048  }
0xbd: {  	_ =	swait.ge [sflag:s29], $0x1  }
0xbe: {  	[sflag:s29] =	ssyncadd.s32 $0xFFFFFFFF  }
0xbf: {  	_ =	strace $0x90000048  }
0xc0: {  	_ =	sfence  }
0xc1: {  	s30 =	sld [smem:$0x0];
	_ =	sdelay $0x2  }
0xc2: {  	s31 =	sshll.u32 s1, $0xD;
	s1 =	sshrl.u32 s1, $0x2  }
0xc3: {  	s3 =	sand.u32 $0x4000, s31;
	s1 =	sadd.s32 s1, s30  }
0xc4: {  	s0 =	sor.u32 s3, s0;
	s1 =	sshll.u32 s1, $0x11  }
0xc5: {  	s0 =	sor.u32 s1, s0  }
0xc6: {  	s0 =	sadd.s32 $0x8F2B, s0  }
0xc7: {  	[sflag:s0] =	ssyncadd.remote.s32 $0x1  }
0xc8: {  	_ =	sfence.sel $0xFFFF  }
0xc9: {  	[dreg:$0x0] =	wrdreg $0xFFFFFFFF;
	(pc) =	sbr.abs _section_cstart, $3  }
0xca: {  	[dreg:$0x1] =	wrdreg $0xFFFFFFFF  }
0xcb: {  	_ =	task.clear_ibuf [dreg:s12], $0x2FFFF;
	_ =	strace $0x9FFFFFFF  }
0xcc: {  	(tm) =	ssettm $0x7FFFFFFF  }
0xcd: {  	_ =	shalt  }
tec
execute0_lowered:
.L_overlay_start_1:
0x0: {  	(tag) =	ssettag $0x1  }
0x1: {  	s0 =	rddreg [dreg:$0x0]  }
0x2: {  	s2 =	rddreg [dreg:$0x1]  }
0x3: {  	s3 =	rddreg [dreg:$0x2]  }
0x4: {  	s4 =	rddreg [dreg:$0x3]  }
0x5: {  	s6 =	rddreg [dreg:$0x4]  }
0x6: {  	s7 =	rddreg [dreg:$0x5]  }
0x7: {  	s8 =	rddreg [dreg:$0x6]  }
0x8: {  	s1 =	simm.s32 $0x0;
	s19 =	srdreg.scid;
	s11 =	stileid.u32  }
0x9: {  	s17 =	simm.s32 $0x5;
	s29 =	simm.s32 $0x10200;
	s30 =	simm.s32 $0x1  }
0xa: {  	s31 =	simm.s32 $0x1A200;
	[smem:$0x7FF] =	sst s1;
	s5 =	sadd.s32 $0x1E85400, s0  }
0xb: {  	s18 =	sadd.s32 $0x16E4200, s0;
	_ =	strace $0x80000047;
	[dreg:$0x8] =	wrdreg s5  }
0xc: {  	s28 =	simm.s32 $0x18200;
	s9 =	sadd.s32 $0x6C00, s0;
	[dreg:$0x9] =	wrdreg s18  }
0xd: {  	s10 =	sadd.s32 $0x4C00, s0;
	s11 =	sshll.u32 s11, $0x8;
	[dreg:$0xa] =	wrdreg s9  }
0xe: {  	s12 =	sadd.s32 $0x2C00, s0;
	s5 =	sadd.s32 $0xF43000, s0;
	[dreg:$0xb] =	wrdreg s10  }
0xf: {  	s9 =	sand.u32 $0x1, s19;
	[dreg:$0xc] =	wrdreg s12;
	s0 =	sadd.s32 $0xC00, s0  }
0x10: {  	v0 =	vlaneseq.u32;
	s18 =	simm.s32 $0x80;
	s19 =	simm.s32 $0x4;
	s20 =	ssub.s32 $0x2, s9  }
0x11: {  	v2 =	vmul.u32 $0x88, v0;
	s9 =	sshll.u32 s9, $0x7;
	[dreg:$0xd] =	wrdreg s0;
	s21 =	sshrl.u32 s20, $0x1  }
0x12: {  	s0 =	simm.s32 $0x12200;
	s9 =	sor.u32 s9, s11;
	s22 =	ssub.s32 s20, s21  }
0x13: {  	v4 =	vadd.s32 $0x880, v2;
	s23 =	sshrl.u32 s9, $0x3;
	s25 =	smul.u32 $0x11, s9;
	s26 =	sshll.u32 s9, $0x4  }
0x14: {  	v1 =	vmul.u32 $0x40, v0;
	[tilespmem:$0x1FFA0] =	vst v4;
	v4 =	vadd.s32 $0x1100, v2;
	s20 =	simm.s32 $0x4180;
	s21 =	simm.s32 $0x0;
	s3 =	sadd.s32 s3, s23  }
0x15: {  	[tilespmem:$0x1FFB0] =	vst v4;
	v4 =	vadd.s32 $0x1980, v2;
	s24 =	sadd.s32 s4, s23;
	s12 =	sadd.s32 s6, s23;
	s13 =	sadd.s32 s2, s23  }
0x16: {  	v3 =	vor.u32 $0x400, v1;
	s14 =	sadd.s32 s7, s26;
	s16 =	smax.u32 s22, $0x1;
	s7 =	simm.s32 $0x180;
	[tilespmem:$0x1FFC0] =	vst v4;
	v4 =	vadd.s32 $0x2200, v2  }
0x17: {  	v5 =	vor.u32 $0x800, v1;
	v7 =	vor.u32 $0xC00, v1;
	s22 =	simm.s32 $0x4200;
	s23 =	simm.s32 $0x6200;
	[dreg:$0xe] =	wrdreg s3;
	[tilespmem:$0x1FFD0] =	vst v4;
	v4 =	vadd.s32 $0x2A80, v2  }
0x18: {  	v9 =	vor.u32 $0x1000, v1;
	v11 =	vor.u32 $0x1400, v1;
	s26 =	simm.s32 $0x16200;
	s4 =	simm.s32 $0x2;
	[dreg:$0xf] =	wrdreg s24;
	[tilespmem:$0x1FFE0] =	vst v4;
	v4 =	vadd.s32 $0x3300, v2  }
0x19: {  	v13 =	vor.u32 $0x1800, v1;
	v15 =	vor.u32 $0x1C00, v1;
	v16 =	vadd.s32 $0x3B80, v2;
	s15 =	sadd.s32 s8, s25;
	s24 =	simm.s32 $0x14200;
	s25 =	simm.s32 $0x3;
	[tilespmem:$0x1FFF0] =	vst v4  }
.LBB2_1:
0x1a: {  	s2 =	rddreg [dreg:$0xe]  }
0x1b: {  	[tilespmem:s1], [sflag:$0x5] =	stream.linear.gather [hbm4b:s2+s1], $0x80, $0x38;
	[tilespmem:$0x1E600] =	vst v63  }
0x1c: {  	_ =	swait.ge [sflag:s17], $0x80  }
0x1d: {  	[sflag:s17] =	ssyncset.done $0x0  }
0x1e: {  	s3 =	rddreg [dreg:$0xf];
	[sflag:s17] =	ssyncadd.s32 $0xFFFFFF80  }
0x1f: {  	[tilespmem:s18], [sflag:$0x5] =	stream.linear.gather [hbm4b:s3+s1], $0x80, $0x38;
	[tilespmem:$0x1E600] =	vst v63  }
0x20: {  	_ =	swait.ge [sflag:s17], $0x80  }
0x21: {  	[sflag:s17] =	ssyncset.done $0x0  }
0x22: {  	s3 =	simm.s32 $0x100;
	[sflag:s17] =	ssyncadd.s32 $0xFFFFFF80  }
0x23: {  	[tilespmem:s3], [sflag:$0x5] =	stream.linear.gather [hbm4b:s12+s1], $0x80, $0x38;
	[tilespmem:$0x1E600] =	vst v63  }
0x24: {  	_ =	swait.ge [sflag:s17], $0x80  }
0x25: {  	[sflag:s17] =	ssyncset.done $0x0  }
0x26: {  	[sflag:s17] =	ssyncadd.s32 $0xFFFFFF80  }
0x27: {  	[tilespmem:s20], [sflag:$0x5] =	stream.linear.gather [hbm4b:s13+s1], $0x80, $0x38;
	[tilespmem:$0x1E600] =	vst v63  }
0x28: {  	_ =	swait.ge [sflag:s17], $0x80  }
0x29: {  	[sflag:s17] =	ssyncset.done $0x0  }
0x2a: {  	[sflag:s17] =	ssyncadd.s32 $0xFFFFFF80  }
0x2b: {  	[tilespmem:s7], [sflag:$0x5] =	stream.linear.gather [hbm4b:s14+s1], $0x4000, $0x38;
	[tilespmem:$0x1E600] =	vst v63  }
0x2c: {  	_ =	swait.ge [sflag:s17], $0x4000  }
0x2d: {  	[sflag:s17] =	ssyncset.done $0x0  }
0x2e: {  	s6 =	rddreg [dreg:$0x8];
	[sflag:s17] =	ssyncadd.s32 $0xFFFFC000  }
0x2f: {  	[tilespmem:s22], [sflag:$0x1] =	stream.indirect.gather [hbm4b:s6+s18], $0x40, s1, s18, $0xb8;
	[tilespmem:$0x1E600] =	vst v63  }
0x30: {  	s8 =	rddreg [dreg:$0x9]  }
0x31: {  	[tilespmem:s23], [sflag:$0x1] =	stream.indirect.gather [hbm4b:s8+s18], $0x40, s1, s18, $0xb8;
	[tilespmem:$0x1E600] =	vst v63  }
0x32: {  	s9 =	rddreg [dreg:$0xa];
	s6 =	simm.s32 $0x8200  }
0x33: {  	[tilespmem:s6], [sflag:$0x1] =	stream.indirect.gather [hbm4b:s9+s18], $0x40, s18, s18, $0xb8;
	[tilespmem:$0x1E600] =	vst v63  }
0x34: {  	s11 =	simm.s32 $0xA200;
	s10 =	rddreg [dreg:$0xb]  }
0x35: {  	[tilespmem:s11], [sflag:$0x1] =	stream.indirect.gather [hbm4b:s10+s18], $0x40, s18, s18, $0xb8;
	[tilespmem:$0x1E600] =	vst v63  }
0x36: {  	s8 =	rddreg [dreg:$0xc];
	s9 =	simm.s32 $0xC200  }
0x37: {  	[tilespmem:s9], [sflag:$0x1] =	stream.indirect.gather [hbm4b:s8+s18], $0x40, s18, s18, $0xb8;
	[tilespmem:$0x1E600] =	vst v63  }
0x38: {  	s10 =	rddreg [dreg:$0xd];
	s11 =	simm.s32 $0xE200  }
0x39: {  	[tilespmem:s11], [sflag:$0x1] =	stream.indirect.gather [hbm4b:s10+s18], $0x40, s18, s18, $0xb8;
	[tilespmem:$0x1E600] =	vst v63  }
0x3a: {  	_ = 	snop  }
0x3b: {  	[tilespmem:s29], [sflag:$0x1] =	stream.indirect.gather [hbm4b:s5+s18], $0x40, s3, s18, $0xb8;
	[tilespmem:$0x1E600] =	vst v63  }
0x3c: {  	_ =	swait.ge [sflag:s30], $0x2000  }
0x3d: {  	[sflag:s30] =	ssyncset.done $0x0  }
0x3e: {  	[sflag:s30] =	ssyncadd.s32 $0xFFFFE000  }
0x3f: {  	_ =	swait.ge [sflag:s30], $0x2000  }
0x40: {  	[sflag:s30] =	ssyncset.done $0x0  }
0x41: {  	[sflag:s30] =	ssyncadd.s32 $0xFFFFE000  }
0x42: {  	_ =	swait.ge [sflag:s30], $0x2000  }
0x43: {  	[sflag:s30] =	ssyncset.done $0x0  }
0x44: {  	[sflag:s30] =	ssyncadd.s32 $0xFFFFE000  }
0x45: {  	_ =	swait.ge [sflag:s30], $0x2000  }
0x46: {  	[sflag:s30] =	ssyncset.done $0x0  }
0x47: {  	[sflag:s30] =	ssyncadd.s32 $0xFFFFE000  }
0x48: {  	_ =	swait.ge [sflag:s30], $0x2000  }
0x49: {  	[sflag:s30] =	ssyncset.done $0x0  }
0x4a: {  	[sflag:s30] =	ssyncadd.s32 $0xFFFFE000  }
0x4b: {  	_ =	swait.ge [sflag:s30], $0x2000  }
0x4c: {  	[sflag:s30] =	ssyncset.done $0x0  }
0x4d: {  	[sflag:s30] =	ssyncadd.s32 $0xFFFFE000  }
0x4e: {  	_ =	swait.ge [sflag:s30], $0x2000  }
0x4f: {  	[sflag:s30] =	ssyncset.done $0x0  }
0x50: {  	s2 =	simm.s32 $0x0;
	[sflag:s30] =	ssyncadd.s32 $0xFFFFE000  }
0x51: {  	v22 =	vld [tilespmem:s2+$0xA200]  }
0x52: {  	v20 =	vld [tilespmem:s2+$0xA210]  }
0x53: {  	v18 =	vld [tilespmem:s2+$0xA220]  }
0x54: {  	v17 =	vld [tilespmem:s2+$0xA230]  }
0x55: {  	v21 =	vld [tilespmem:s2+$0xE200]  }
0x56: {  	v19 =	vld [tilespmem:s2+$0xE210]  }
0x57: {  	v30 =	vld [tilespmem:s2+$0x8200]  }
0x58: {  	v29 =	vld [tilespmem:s2+$0x8210]  }
0x59: {  	v27 =	vld [tilespmem:s2+$0x8220]  }
0x5a: {  	v26 =	vld [tilespmem:s2+$0x8230]  }
0x5b: {  	v28 =	vld [tilespmem:s2+$0xC200]  }
0x5c: {  	v25 =	vld [tilespmem:s2+$0xC210]  }
0x5d: {  	v24 =	vld [tilespmem:s2+$0xC220]  }
0x5e: {  	v23 =	vld [tilespmem:s2+$0xC230]  }
0x5f: {  	v36 =	vld [tilespmem:s2+$0x4200]  }
0x60: {  	v35 =	vld [tilespmem:s2+$0x4210]  }
0x61: {  	v33 =	vld [tilespmem:s2+$0x4220]  }
0x62: {  	v32 =	vld [tilespmem:s2+$0x4230]  }
0x63: {  	v34 =	vld [tilespmem:s2+$0x6200]  }
0x64: {  	v31 =	vld [tilespmem:s2+$0x6210]  }
0x65: {  	s3 =	simm.s32 $0x100;
	v36 =	vmul.f32 v30, v36;
	v30 =	vld [tilespmem:s2+$0x6220]  }
.LBB2_2:
0x66: {  	p0 =	sne.s32 s3, $0x7F00;
	v29 =	vmul.f32 v29, v35;
	v35 =	vld [tilespmem:s2+$0x6230]  }
0x67: {  	v27 =	vmul.f32 v27, v33;
	v36 =	vadd.f32 v22, v36;
	v33 =	vld [tilespmem:s2+$0xE220]  }
0x68: {  	s6 =	sshra.s32 s3, $0x2;
	v26 =	vmul.f32 v26, v32;
	v28 =	vmul.f32 v28, v34;
	v29 =	vadd.f32 v20, v29;
	v32 =	vld [tilespmem:s2+$0xE230]  }
0x69: {  	v27 =	vadd.f32 v18, v27;
	v22 =	vld [tilespmem:s6+$0xA200];
	[tilespmem:s2+$0x4200] =	vst v36;
	v25 =	vmul.f32 v25, v31  }
0x6a: {  	v26 =	vadd.f32 v17, v26;
	v20 =	vld [tilespmem:s6+$0xA210];
	v21 =	vadd.f32 v21, v28;
	[tilespmem:s2+$0x4210] =	vst v29;
	v24 =	vmul.f32 v24, v30  }
0x6b: {  	v18 =	vld [tilespmem:s6+$0xA220];
	v19 =	vadd.f32 v19, v25;
	[tilespmem:s2+$0x4220] =	vst v27;
	v23 =	vmul.f32 v23, v35  }
0x6c: {  	v17 =	vld [tilespmem:s6+$0xA230];
	v25 =	vand.u32 $0x7FFFFFFF, v21;
	v24 =	vadd.f32 v33, v24;
	[tilespmem:s2+$0x4230] =	vst v26  }
0x6d: {  	v21 =	vld [tilespmem:s6+$0xE200];
	[tilespmem:s2+$0x6200] =	vst v25;
	v25 =	vand.u32 $0x7FFFFFFF, v19;
	v23 =	vadd.f32 v32, v23  }
0x6e: {  	v19 =	vld [tilespmem:s6+$0xE210];
	[tilespmem:s2+$0x6210] =	vst v25;
	v24 =	vand.u32 $0x7FFFFFFF, v24  }
0x6f: {  	v30 =	vld [tilespmem:s6+$0x8200];
	[tilespmem:s2+$0x6220] =	vst v24;
	v23 =	vand.u32 $0x7FFFFFFF, v23  }
0x70: {  	v29 =	vld [tilespmem:s6+$0x8210];
	[tilespmem:s2+$0x6230] =	vst v23;
	s2 =	smov.u32 s6  }
0x71: {  	v27 =	vld [tilespmem:s2+$0x8220]  }
0x72: {  	v26 =	vld [tilespmem:s2+$0x8230]  }
0x73: {  	v28 =	vld [tilespmem:s2+$0xC200]  }
0x74: {  	v25 =	vld [tilespmem:s2+$0xC210]  }
0x75: {  	v24 =	vld [tilespmem:s2+$0xC220]  }
0x76: {  	v23 =	vld [tilespmem:s2+$0xC230]  }
0x77: {  	v36 =	vld [tilespmem:s2+$0x4200]  }
0x78: {  	v35 =	vld [tilespmem:s2+$0x4210]  }
.Ltmp0:
0x79: {  	v33 =	vld [tilespmem:s2+$0x4220];
	(pc) =	sbr.rel @p0 .LBB2_2-.Ltmp0, $4  }
0x7a: {  	v32 =	vld [tilespmem:s2+$0x4230]  }
0x7b: {  	v34 =	vld [tilespmem:s2+$0x6200]  }
0x7c: {  	v31 =	vld [tilespmem:s2+$0x6210]  }
0x7d: {  	s3 =	sadd.s32 $0x100, s3;
	v36 =	vmul.f32 v30, v36;
	v30 =	vld [tilespmem:s2+$0x6220]  }
0x7e: {  	v29 =	vmul.f32 v29, v35;
	v60 =	vld [tilespmem:s2+$0x6230]  }
0x7f: {  	v27 =	vmul.f32 v27, v33;
	v61 =	vld [tilespmem:s2+$0xE220];
	v22 =	vadd.f32 v22, v36  }
0x80: {  	v62 =	vld [tilespmem:s2+$0xE230];
	s3 =	simm.s32 $0x0;
	v26 =	vmul.f32 v26, v32;
	v28 =	vmul.f32 v28, v34;
	v20 =	vadd.f32 v20, v29  }
0x81: {  	v63 =	vadd.s32 s3, v0;
	v18 =	vadd.f32 v18, v27;
	[tilespmem:s2+$0x4200] =	vst v22;
	v22 =	vmul.f32 v25, v31  }
0x82: {  	v17 =	vadd.f32 v17, v26;
	v21 =	vadd.f32 v21, v28;
	[tilespmem:s2+$0x4210] =	vst v20;
	v20 =	vmul.f32 v24, v30  }
0x83: {  	[tilespmem:s2+$0x4220] =	vst v18;
	v19 =	vadd.f32 v19, v22;
	v18 =	vmul.f32 v23, v60;
	v22 =	vand.u32 $0x3F, v63  }
0x84: {  	[tilespmem:s2+$0x4230] =	vst v17;
	v21 =	vand.u32 $0x7FFFFFFF, v21;
	v20 =	vadd.f32 v61, v20;
	v17 =	vor.u32 v1, v22  }
0x85: {  	[tilespmem:s2+$0x6200] =	vst v21;
	v19 =	vand.u32 $0x7FFFFFFF, v19;
	v18 =	vadd.f32 v62, v18  }
0x86: {  	[tilespmem:s2+$0x6210] =	vst v19;
	v19 =	vand.u32 $0x7FFFFFFF, v20  }
0x87: {  	s10 =	simm.s32 $0x1;
	[tilespmem:s2+$0x6220] =	vst v19;
	v18 =	vand.u32 $0x7FFFFFFF, v18  }
0x88: {  	[tilespmem:s2+$0x6230] =	vst v18;
	v18 =	vadd.s32 s10, v0  }
0x89: {  	v19 =	vld.idx.msk [tilespmem:v17+s29+$0x0], $0xffff;
	v18 =	vand.u32 $0x3F, v18  }
0x8a: {  	v20 =	vld.idx.msk [tilespmem:v17+s22+$0x0], $0xffff;
	v21 =	vor.u32 v1, v18;
	_ =	sdelay $0x1  }
0x8b: {  	s11 =	simm.s32 $0x2  }
0x8c: {  	v24 =	vld.idx.msk [tilespmem:v17+s23+$0x0], $0xffff;
	v18 =	vadd.s32 s11, v0  }
0x8d: {  	v22 =	vand.u32 $0x3F, v18  }
0x8e: {  	v22 =	vor.u32 v1, v22;
	v20 =	vsub.f32 v19, v20;
	v19 =	vld.idx.msk [tilespmem:v21+s29+$0x0], $0xffff  }
0x8f: {  	v23 =	vld.idx.msk [tilespmem:v21+s22+$0x0], $0xffff  }
0x90: {  	v17 =	vld [tilespmem:$0x4180];
	v18 =	vimm.f32 $0.0e+00;
	v25 =	vand.u32 $0x7FFFFFFF, v20  }
0x91: {  	s2 =	simm.s32 $0x3;
	v21 =	vld.idx.msk [tilespmem:v21+s23+$0x0], $0xffff;
	v20 =	vadd.f32 v25, v18;
	v25 =	vmin.f32 v25, v24;
	v24 =	vmov v22  }
.LBB2_4:
0x92: {  	v4 =	vadd.s32 s2, v0;
	v18 =	vadd.f32 v25, v18;
	p0 =	sne.s32 s2, $0x3F  }
.Ltmp1:
0x93: {  	s2 =	sadd.s32 $0x1, s2;
	v26 =	vmov v19;
	v25 =	vand.u32 $0x3F, v4;
	v19 =	vld.idx.msk [tilespmem:v22+s29+$0x0], $0xffff;
	(pc) =	sbr.rel @p0 .LBB2_4-.Ltmp1, $3  }
0x94: {  	v26 =	vsub.f32 v26, v23;
	v23 =	vld.idx.msk [tilespmem:v22+s22+$0x0], $0xffff;
	v22 =	vor.u32 v1, v25;
	_ =	sdelay $0x1  }
0x95: {  	v25 =	vand.u32 $0x7FFFFFFF, v26  }
0x96: {  	v20 =	vadd.f32 v25, v20;
	v25 =	vmin.f32 v25, v21;
	v21 =	vld.idx.msk [tilespmem:v24+s23+$0x0], $0xffff;
	v24 =	vmov v22  }
0x97: {  	_ =	sdelay $0x3  }
0x98: {  	v26 =	vld.idx.msk [tilespmem:v22+s29+$0x0], $0xffff  }
0x99: {  	v22 =	vld.idx.msk [tilespmem:v22+s22+$0x0], $0xffff;
	_ =	sdelay $0x2  }
0x9a: {  	v19 =	vsub.f32 v19, v23;
	v23 =	vld.idx.msk [tilespmem:v24+s23+$0x0], $0xffff;
	_ =	sdelay $0x1  }
0x9b: {  	v18 =	vadd.f32 v25, v18;
	v19 =	vand.u32 $0x7FFFFFFF, v19;
	v22 =	vsub.f32 v26, v22  }
0x9c: {  	v21 =	vmin.f32 v19, v21  }
0x9d: {  	v19 =	vadd.f32 v19, v20;
	v18 =	vadd.f32 v21, v18;
	v20 =	vand.u32 $0x7FFFFFFF, v22  }
0x9e: {  	v21 =	vmin.f32 v20, v23  }
0x9f: {  	v19 =	vadd.f32 v20, v19;
	v18 =	vadd.f32 v21, v18  }
0xa0: {  	s2 =	simm.s32 $0x0  }
0xa1: {  	v20 =	vadd.s32 s2, v0;
	v19 =	vsub.f32 $2.400000000e+01, v19;
	v18 =	vmul.f32 $9.800000190e-01, v18  }
0xa2: {  	v20 =	vand.u32 $0x3F, v20  }
0xa3: {  	v18 =	vadd.f32 v18, v19;
	v19 =	vor.u32 v3, v20;
	_ =	sdelay $0x1  }
0xa4: {  	v17 =	vmul.f32 v18, v17  }
0xa5: {  	s10 =	simm.s32 $0x1  }
0xa6: {  	[tilespmem:v2+s31+$0x0] =	vst.idx.msk $0xffff, v17;
	v17 =	vadd.s32 s10, v0  }
0xa7: {  	v18 =	vld.idx.msk [tilespmem:v19+s29+$0x0], $0xffff;
	v17 =	vand.u32 $0x3F, v17  }
0xa8: {  	v20 =	vld.idx.msk [tilespmem:v19+s22+$0x0], $0xffff;
	v21 =	vor.u32 v3, v17;
	_ =	sdelay $0x1  }
0xa9: {  	s11 =	simm.s32 $0x2  }
0xaa: {  	v24 =	vld.idx.msk [tilespmem:v19+s23+$0x0], $0xffff;
	v19 =	vadd.s32 s11, v0  }
0xab: {  	v22 =	vand.u32 $0x3F, v19  }
0xac: {  	v22 =	vor.u32 v3, v22;
	v20 =	vsub.f32 v18, v20;
	v19 =	vld.idx.msk [tilespmem:v21+s29+$0x0], $0xffff  }
0xad: {  	v23 =	vld.idx.msk [tilespmem:v21+s22+$0x0], $0xffff  }
0xae: {  	v17 =	vld [tilespmem:$0x4190];
	v18 =	vimm.f32 $0.0e+00;
	v25 =	vand.u32 $0x7FFFFFFF, v20  }
0xaf: {  	s2 =	simm.s32 $0x3;
	v21 =	vld.idx.msk [tilespmem:v21+s23+$0x0], $0xffff;
	v20 =	vadd.f32 v25, v18;
	v25 =	vmin.f32 v25, v24;
	v24 =	vmov v22  }
.LBB2_6:
0xb0: {  	v4 =	vadd.s32 s2, v0;
	v18 =	vadd.f32 v25, v18;
	p0 =	sne.s32 s2, $0x3F  }
.Ltmp2:
0xb1: {  	s2 =	sadd.s32 $0x1, s2;
	v26 =	vmov v19;
	v25 =	vand.u32 $0x3F, v4;
	v19 =	vld.idx.msk [tilespmem:v22+s29+$0x0], $0xffff;
	(pc) =	sbr.rel @p0 .LBB2_6-.Ltmp2, $3  }
0xb2: {  	v26 =	vsub.f32 v26, v23;
	v23 =	vld.idx.msk [tilespmem:v22+s22+$0x0], $0xffff;
	v22 =	vor.u32 v3, v25;
	_ =	sdelay $0x1  }
0xb3: {  	v25 =	vand.u32 $0x7FFFFFFF, v26  }
0xb4: {  	v20 =	vadd.f32 v25, v20;
	v25 =	vmin.f32 v25, v21;
	v21 =	vld.idx.msk [tilespmem:v24+s23+$0x0], $0xffff;
	v24 =	vmov v22  }
0xb5: {  	_ =	sdelay $0x3  }
0xb6: {  	v26 =	vld.idx.msk [tilespmem:v22+s29+$0x0], $0xffff  }
0xb7: {  	v22 =	vld.idx.msk [tilespmem:v22+s22+$0x0], $0xffff;
	_ =	sdelay $0x2  }
0xb8: {  	v19 =	vsub.f32 v19, v23;
	v23 =	vld.idx.msk [tilespmem:v24+s23+$0x0], $0xffff;
	_ =	sdelay $0x1  }
0xb9: {  	v18 =	vadd.f32 v25, v18;
	v19 =	vand.u32 $0x7FFFFFFF, v19;
	v22 =	vsub.f32 v26, v22  }
0xba: {  	v21 =	vmin.f32 v19, v21  }
0xbb: {  	v19 =	vadd.f32 v19, v20;
	v18 =	vadd.f32 v21, v18;
	v20 =	vand.u32 $0x7FFFFFFF, v22  }
0xbc: {  	v21 =	vmin.f32 v20, v23  }
0xbd: {  	v4 =	vld [tilespmem:$0x1FFA0];
	v19 =	vadd.f32 v20, v19;
	v18 =	vadd.f32 v21, v18  }
0xbe: {  	s2 =	simm.s32 $0x0  }
0xbf: {  	v20 =	vadd.s32 s2, v0;
	v19 =	vsub.f32 $2.400000000e+01, v19;
	v18 =	vmul.f32 $9.800000190e-01, v18  }
0xc0: {  	v20 =	vand.u32 $0x3F, v20  }
0xc1: {  	v18 =	vadd.f32 v18, v19;
	v19 =	vor.u32 v5, v20;
	_ =	sdelay $0x1  }
0xc2: {  	v17 =	vmul.f32 v18, v17  }
0xc3: {  	s10 =	simm.s32 $0x1  }
0xc4: {  	[tilespmem:v4+s31+$0x0] =	vst.idx.msk $0xffff, v17;
	v17 =	vadd.s32 s10, v0  }
0xc5: {  	v18 =	vld.idx.msk [tilespmem:v19+s29+$0x0], $0xffff;
	v17 =	vand.u32 $0x3F, v17  }
0xc6: {  	v20 =	vld.idx.msk [tilespmem:v19+s22+$0x0], $0xffff;
	v21 =	vor.u32 v5, v17;
	_ =	sdelay $0x1  }
0xc7: {  	s11 =	simm.s32 $0x2  }
0xc8: {  	v24 =	vld.idx.msk [tilespmem:v19+s23+$0x0], $0xffff;
	v19 =	vadd.s32 s11, v0  }
0xc9: {  	v22 =	vand.u32 $0x3F, v19  }
0xca: {  	v22 =	vor.u32 v5, v22;
	v20 =	vsub.f32 v18, v20;
	v19 =	vld.idx.msk [tilespmem:v21+s29+$0x0], $0xffff  }
0xcb: {  	v23 =	vld.idx.msk [tilespmem:v21+s22+$0x0], $0xffff  }
0xcc: {  	v17 =	vld [tilespmem:$0x41A0];
	v18 =	vimm.f32 $0.0e+00;
	v25 =	vand.u32 $0x7FFFFFFF, v20  }
0xcd: {  	s2 =	simm.s32 $0x3;
	v21 =	vld.idx.msk [tilespmem:v21+s23+$0x0], $0xffff;
	v20 =	vadd.f32 v25, v18;
	v25 =	vmin.f32 v25, v24;
	v24 =	vmov v22  }
.LBB2_8:
0xce: {  	v4 =	vadd.s32 s2, v0;
	v18 =	vadd.f32 v25, v18;
	p0 =	sne.s32 s2, $0x3F  }
.Ltmp3:
0xcf: {  	s2 =	sadd.s32 $0x1, s2;
	v26 =	vmov v19;
	v25 =	vand.u32 $0x3F, v4;
	v19 =	vld.idx.msk [tilespmem:v22+s29+$0x0], $0xffff;
	(pc) =	sbr.rel @p0 .LBB2_8-.Ltmp3, $3  }
0xd0: {  	v26 =	vsub.f32 v26, v23;
	v23 =	vld.idx.msk [tilespmem:v22+s22+$0x0], $0xffff;
	v22 =	vor.u32 v5, v25;
	_ =	sdelay $0x1  }
0xd1: {  	v25 =	vand.u32 $0x7FFFFFFF, v26  }
0xd2: {  	v20 =	vadd.f32 v25, v20;
	v25 =	vmin.f32 v25, v21;
	v21 =	vld.idx.msk [tilespmem:v24+s23+$0x0], $0xffff;
	v24 =	vmov v22  }
0xd3: {  	_ =	sdelay $0x3  }
0xd4: {  	v26 =	vld.idx.msk [tilespmem:v22+s29+$0x0], $0xffff  }
0xd5: {  	v22 =	vld.idx.msk [tilespmem:v22+s22+$0x0], $0xffff;
	_ =	sdelay $0x2  }
0xd6: {  	v19 =	vsub.f32 v19, v23;
	v23 =	vld.idx.msk [tilespmem:v24+s23+$0x0], $0xffff;
	_ =	sdelay $0x1  }
0xd7: {  	v18 =	vadd.f32 v25, v18;
	v19 =	vand.u32 $0x7FFFFFFF, v19;
	v22 =	vsub.f32 v26, v22  }
0xd8: {  	v21 =	vmin.f32 v19, v21  }
0xd9: {  	v19 =	vadd.f32 v19, v20;
	v18 =	vadd.f32 v21, v18;
	v20 =	vand.u32 $0x7FFFFFFF, v22  }
0xda: {  	v21 =	vmin.f32 v20, v23  }
0xdb: {  	v4 =	vld [tilespmem:$0x1FFB0];
	v19 =	vadd.f32 v20, v19;
	v18 =	vadd.f32 v21, v18  }
0xdc: {  	s2 =	simm.s32 $0x0  }
0xdd: {  	v20 =	vadd.s32 s2, v0;
	v19 =	vsub.f32 $2.400000000e+01, v19;
	v18 =	vmul.f32 $9.800000190e-01, v18  }
0xde: {  	v20 =	vand.u32 $0x3F, v20  }
0xdf: {  	v18 =	vadd.f32 v18, v19;
	v19 =	vor.u32 v7, v20;
	_ =	sdelay $0x1  }
0xe0: {  	v17 =	vmul.f32 v18, v17  }
0xe1: {  	s10 =	simm.s32 $0x1  }
0xe2: {  	[tilespmem:v4+s31+$0x0] =	vst.idx.msk $0xffff, v17;
	v17 =	vadd.s32 s10, v0  }
0xe3: {  	v18 =	vld.idx.msk [tilespmem:v19+s29+$0x0], $0xffff;
	v17 =	vand.u32 $0x3F, v17  }
0xe4: {  	v20 =	vld.idx.msk [tilespmem:v19+s22+$0x0], $0xffff;
	v21 =	vor.u32 v7, v17;
	_ =	sdelay $0x1  }
0xe5: {  	s11 =	simm.s32 $0x2  }
0xe6: {  	v24 =	vld.idx.msk [tilespmem:v19+s23+$0x0], $0xffff;
	v19 =	vadd.s32 s11, v0  }
0xe7: {  	v22 =	vand.u32 $0x3F, v19  }
0xe8: {  	v22 =	vor.u32 v7, v22;
	v20 =	vsub.f32 v18, v20;
	v19 =	vld.idx.msk [tilespmem:v21+s29+$0x0], $0xffff  }
0xe9: {  	v23 =	vld.idx.msk [tilespmem:v21+s22+$0x0], $0xffff  }
0xea: {  	v17 =	vld [tilespmem:$0x41B0];
	v18 =	vimm.f32 $0.0e+00;
	v25 =	vand.u32 $0x7FFFFFFF, v20  }
0xeb: {  	s2 =	simm.s32 $0x3;
	v21 =	vld.idx.msk [tilespmem:v21+s23+$0x0], $0xffff;
	v20 =	vadd.f32 v25, v18;
	v25 =	vmin.f32 v25, v24;
	v24 =	vmov v22  }
.LBB2_10:
0xec: {  	v4 =	vadd.s32 s2, v0;
	v18 =	vadd.f32 v25, v18;
	p0 =	sne.s32 s2, $0x3F  }
.Ltmp4:
0xed: {  	s2 =	sadd.s32 $0x1, s2;
	v26 =	vmov v19;
	v25 =	vand.u32 $0x3F, v4;
	v19 =	vld.idx.msk [tilespmem:v22+s29+$0x0], $0xffff;
	(pc) =	sbr.rel @p0 .LBB2_10-.Ltmp4, $3  }
0xee: {  	v26 =	vsub.f32 v26, v23;
	v23 =	vld.idx.msk [tilespmem:v22+s22+$0x0], $0xffff;
	v22 =	vor.u32 v7, v25;
	_ =	sdelay $0x1  }
0xef: {  	v25 =	vand.u32 $0x7FFFFFFF, v26  }
0xf0: {  	v20 =	vadd.f32 v25, v20;
	v25 =	vmin.f32 v25, v21;
	v21 =	vld.idx.msk [tilespmem:v24+s23+$0x0], $0xffff;
	v24 =	vmov v22  }
0xf1: {  	_ =	sdelay $0x3  }
0xf2: {  	v26 =	vld.idx.msk [tilespmem:v22+s29+$0x0], $0xffff  }
0xf3: {  	v22 =	vld.idx.msk [tilespmem:v22+s22+$0x0], $0xffff;
	_ =	sdelay $0x2  }
0xf4: {  	v19 =	vsub.f32 v19, v23;
	v23 =	vld.idx.msk [tilespmem:v24+s23+$0x0], $0xffff;
	_ =	sdelay $0x1  }
0xf5: {  	v18 =	vadd.f32 v25, v18;
	v19 =	vand.u32 $0x7FFFFFFF, v19;
	v22 =	vsub.f32 v26, v22  }
0xf6: {  	v21 =	vmin.f32 v19, v21  }
0xf7: {  	v19 =	vadd.f32 v19, v20;
	v18 =	vadd.f32 v21, v18;
	v20 =	vand.u32 $0x7FFFFFFF, v22  }
0xf8: {  	v21 =	vmin.f32 v20, v23  }
0xf9: {  	v4 =	vld [tilespmem:$0x1FFC0];
	v19 =	vadd.f32 v20, v19;
	v18 =	vadd.f32 v21, v18  }
0xfa: {  	s2 =	simm.s32 $0x0  }
0xfb: {  	v20 =	vadd.s32 s2, v0;
	v19 =	vsub.f32 $2.400000000e+01, v19;
	v18 =	vmul.f32 $9.800000190e-01, v18  }
0xfc: {  	v20 =	vand.u32 $0x3F, v20  }
0xfd: {  	v18 =	vadd.f32 v18, v19;
	v19 =	vor.u32 v9, v20;
	_ =	sdelay $0x1  }
0xfe: {  	v17 =	vmul.f32 v18, v17  }
0xff: {  	s10 =	simm.s32 $0x1  }
0x100: {  	[tilespmem:v4+s31+$0x0] =	vst.idx.msk $0xffff, v17;
	v17 =	vadd.s32 s10, v0  }
0x101: {  	v18 =	vld.idx.msk [tilespmem:v19+s29+$0x0], $0xffff;
	v17 =	vand.u32 $0x3F, v17  }
0x102: {  	v20 =	vld.idx.msk [tilespmem:v19+s22+$0x0], $0xffff;
	v21 =	vor.u32 v9, v17;
	_ =	sdelay $0x1  }
0x103: {  	s11 =	simm.s32 $0x2  }
0x104: {  	v24 =	vld.idx.msk [tilespmem:v19+s23+$0x0], $0xffff;
	v19 =	vadd.s32 s11, v0  }
0x105: {  	v22 =	vand.u32 $0x3F, v19  }
0x106: {  	v22 =	vor.u32 v9, v22;
	v20 =	vsub.f32 v18, v20;
	v19 =	vld.idx.msk [tilespmem:v21+s29+$0x0], $0xffff  }
0x107: {  	v23 =	vld.idx.msk [tilespmem:v21+s22+$0x0], $0xffff  }
0x108: {  	v17 =	vld [tilespmem:$0x41C0];
	v18 =	vimm.f32 $0.0e+00;
	v25 =	vand.u32 $0x7FFFFFFF, v20  }
0x109: {  	s2 =	simm.s32 $0x3;
	v21 =	vld.idx.msk [tilespmem:v21+s23+$0x0], $0xffff;
	v20 =	vadd.f32 v25, v18;
	v25 =	vmin.f32 v25, v24;
	v24 =	vmov v22  }
.LBB2_12:
0x10a: {  	v4 =	vadd.s32 s2, v0;
	v18 =	vadd.f32 v25, v18;
	p0 =	sne.s32 s2, $0x3F  }
.Ltmp5:
0x10b: {  	s2 =	sadd.s32 $0x1, s2;
	v26 =	vmov v19;
	v25 =	vand.u32 $0x3F, v4;
	v19 =	vld.idx.msk [tilespmem:v22+s29+$0x0], $0xffff;
	(pc) =	sbr.rel @p0 .LBB2_12-.Ltmp5, $3  }
0x10c: {  	v26 =	vsub.f32 v26, v23;
	v23 =	vld.idx.msk [tilespmem:v22+s22+$0x0], $0xffff;
	v22 =	vor.u32 v9, v25;
	_ =	sdelay $0x1  }
0x10d: {  	v25 =	vand.u32 $0x7FFFFFFF, v26  }
0x10e: {  	v20 =	vadd.f32 v25, v20;
	v25 =	vmin.f32 v25, v21;
	v21 =	vld.idx.msk [tilespmem:v24+s23+$0x0], $0xffff;
	v24 =	vmov v22  }
0x10f: {  	_ =	sdelay $0x3  }
0x110: {  	v26 =	vld.idx.msk [tilespmem:v22+s29+$0x0], $0xffff  }
0x111: {  	v22 =	vld.idx.msk [tilespmem:v22+s22+$0x0], $0xffff;
	_ =	sdelay $0x2  }
0x112: {  	v19 =	vsub.f32 v19, v23;
	v23 =	vld.idx.msk [tilespmem:v24+s23+$0x0], $0xffff;
	_ =	sdelay $0x1  }
0x113: {  	v18 =	vadd.f32 v25, v18;
	v19 =	vand.u32 $0x7FFFFFFF, v19;
	v22 =	vsub.f32 v26, v22  }
0x114: {  	v21 =	vmin.f32 v19, v21  }
0x115: {  	v19 =	vadd.f32 v19, v20;
	v18 =	vadd.f32 v21, v18;
	v20 =	vand.u32 $0x7FFFFFFF, v22  }
0x116: {  	v21 =	vmin.f32 v20, v23  }
0x117: {  	v4 =	vld [tilespmem:$0x1FFD0];
	v19 =	vadd.f32 v20, v19;
	v18 =	vadd.f32 v21, v18  }
0x118: {  	s2 =	simm.s32 $0x0  }
0x119: {  	v20 =	vadd.s32 s2, v0;
	v19 =	vsub.f32 $2.400000000e+01, v19;
	v18 =	vmul.f32 $9.800000190e-01, v18  }
0x11a: {  	v20 =	vand.u32 $0x3F, v20  }
0x11b: {  	v18 =	vadd.f32 v18, v19;
	v19 =	vor.u32 v11, v20;
	_ =	sdelay $0x1  }
0x11c: {  	v17 =	vmul.f32 v18, v17  }
0x11d: {  	s10 =	simm.s32 $0x1  }
0x11e: {  	[tilespmem:v4+s31+$0x0] =	vst.idx.msk $0xffff, v17;
	v17 =	vadd.s32 s10, v0  }
0x11f: {  	v18 =	vld.idx.msk [tilespmem:v19+s29+$0x0], $0xffff;
	v17 =	vand.u32 $0x3F, v17  }
0x120: {  	v20 =	vld.idx.msk [tilespmem:v19+s22+$0x0], $0xffff;
	v21 =	vor.u32 v11, v17;
	_ =	sdelay $0x1  }
0x121: {  	s11 =	simm.s32 $0x2  }
0x122: {  	v24 =	vld.idx.msk [tilespmem:v19+s23+$0x0], $0xffff;
	v19 =	vadd.s32 s11, v0  }
0x123: {  	v22 =	vand.u32 $0x3F, v19  }
0x124: {  	v22 =	vor.u32 v11, v22;
	v20 =	vsub.f32 v18, v20;
	v19 =	vld.idx.msk [tilespmem:v21+s29+$0x0], $0xffff  }
0x125: {  	v23 =	vld.idx.msk [tilespmem:v21+s22+$0x0], $0xffff  }
0x126: {  	v17 =	vld [tilespmem:$0x41D0];
	v18 =	vimm.f32 $0.0e+00;
	v25 =	vand.u32 $0x7FFFFFFF, v20  }
0x127: {  	s2 =	simm.s32 $0x3;
	v21 =	vld.idx.msk [tilespmem:v21+s23+$0x0], $0xffff;
	v20 =	vadd.f32 v25, v18;
	v25 =	vmin.f32 v25, v24;
	v24 =	vmov v22  }
.LBB2_14:
0x128: {  	v4 =	vadd.s32 s2, v0;
	v18 =	vadd.f32 v25, v18;
	p0 =	sne.s32 s2, $0x3F  }
.Ltmp6:
0x129: {  	s2 =	sadd.s32 $0x1, s2;
	v26 =	vmov v19;
	v25 =	vand.u32 $0x3F, v4;
	v19 =	vld.idx.msk [tilespmem:v22+s29+$0x0], $0xffff;
	(pc) =	sbr.rel @p0 .LBB2_14-.Ltmp6, $3  }
0x12a: {  	v26 =	vsub.f32 v26, v23;
	v23 =	vld.idx.msk [tilespmem:v22+s22+$0x0], $0xffff;
	v22 =	vor.u32 v11, v25;
	_ =	sdelay $0x1  }
0x12b: {  	v25 =	vand.u32 $0x7FFFFFFF, v26  }
0x12c: {  	v20 =	vadd.f32 v25, v20;
	v25 =	vmin.f32 v25, v21;
	v21 =	vld.idx.msk [tilespmem:v24+s23+$0x0], $0xffff;
	v24 =	vmov v22  }
0x12d: {  	_ =	sdelay $0x3  }
0x12e: {  	v26 =	vld.idx.msk [tilespmem:v22+s29+$0x0], $0xffff  }
0x12f: {  	v22 =	vld.idx.msk [tilespmem:v22+s22+$0x0], $0xffff;
	_ =	sdelay $0x2  }
0x130: {  	v19 =	vsub.f32 v19, v23;
	v23 =	vld.idx.msk [tilespmem:v24+s23+$0x0], $0xffff;
	_ =	sdelay $0x1  }
0x131: {  	v18 =	vadd.f32 v25, v18;
	v19 =	vand.u32 $0x7FFFFFFF, v19;
	v22 =	vsub.f32 v26, v22  }
0x132: {  	v21 =	vmin.f32 v19, v21  }
0x133: {  	v19 =	vadd.f32 v19, v20;
	v18 =	vadd.f32 v21, v18;
	v20 =	vand.u32 $0x7FFFFFFF, v22  }
0x134: {  	v21 =	vmin.f32 v20, v23  }
0x135: {  	v4 =	vld [tilespmem:$0x1FFE0];
	v19 =	vadd.f32 v20, v19;
	v18 =	vadd.f32 v21, v18  }
0x136: {  	s2 =	simm.s32 $0x0  }
0x137: {  	v20 =	vadd.s32 s2, v0;
	v19 =	vsub.f32 $2.400000000e+01, v19;
	v18 =	vmul.f32 $9.800000190e-01, v18  }
0x138: {  	v20 =	vand.u32 $0x3F, v20  }
0x139: {  	v18 =	vadd.f32 v18, v19;
	v19 =	vor.u32 v13, v20;
	_ =	sdelay $0x1  }
0x13a: {  	v17 =	vmul.f32 v18, v17  }
0x13b: {  	s10 =	simm.s32 $0x1  }
0x13c: {  	[tilespmem:v4+s31+$0x0] =	vst.idx.msk $0xffff, v17;
	v17 =	vadd.s32 s10, v0  }
0x13d: {  	v18 =	vld.idx.msk [tilespmem:v19+s29+$0x0], $0xffff;
	v17 =	vand.u32 $0x3F, v17  }
0x13e: {  	v20 =	vld.idx.msk [tilespmem:v19+s22+$0x0], $0xffff;
	v21 =	vor.u32 v13, v17;
	_ =	sdelay $0x1  }
0x13f: {  	s11 =	simm.s32 $0x2  }
0x140: {  	v24 =	vld.idx.msk [tilespmem:v19+s23+$0x0], $0xffff;
	v19 =	vadd.s32 s11, v0  }
0x141: {  	v22 =	vand.u32 $0x3F, v19  }
0x142: {  	v22 =	vor.u32 v13, v22;
	v20 =	vsub.f32 v18, v20;
	v19 =	vld.idx.msk [tilespmem:v21+s29+$0x0], $0xffff  }
0x143: {  	v23 =	vld.idx.msk [tilespmem:v21+s22+$0x0], $0xffff  }
0x144: {  	v17 =	vld [tilespmem:$0x41E0];
	v18 =	vimm.f32 $0.0e+00;
	v25 =	vand.u32 $0x7FFFFFFF, v20  }
0x145: {  	s2 =	simm.s32 $0x3;
	v21 =	vld.idx.msk [tilespmem:v21+s23+$0x0], $0xffff;
	v20 =	vadd.f32 v25, v18;
	v25 =	vmin.f32 v25, v24;
	v24 =	vmov v22  }
.LBB2_16:
0x146: {  	v4 =	vadd.s32 s2, v0;
	v18 =	vadd.f32 v25, v18;
	p0 =	sne.s32 s2, $0x3F  }
.Ltmp7:
0x147: {  	s2 =	sadd.s32 $0x1, s2;
	v26 =	vmov v19;
	v25 =	vand.u32 $0x3F, v4;
	v19 =	vld.idx.msk [tilespmem:v22+s29+$0x0], $0xffff;
	(pc) =	sbr.rel @p0 .LBB2_16-.Ltmp7, $3  }
0x148: {  	v26 =	vsub.f32 v26, v23;
	v23 =	vld.idx.msk [tilespmem:v22+s22+$0x0], $0xffff;
	v22 =	vor.u32 v13, v25;
	_ =	sdelay $0x1  }
0x149: {  	v25 =	vand.u32 $0x7FFFFFFF, v26  }
0x14a: {  	v20 =	vadd.f32 v25, v20;
	v25 =	vmin.f32 v25, v21;
	v21 =	vld.idx.msk [tilespmem:v24+s23+$0x0], $0xffff;
	v24 =	vmov v22  }
0x14b: {  	_ =	sdelay $0x3  }
0x14c: {  	v26 =	vld.idx.msk [tilespmem:v22+s29+$0x0], $0xffff  }
0x14d: {  	v22 =	vld.idx.msk [tilespmem:v22+s22+$0x0], $0xffff;
	_ =	sdelay $0x2  }
0x14e: {  	v19 =	vsub.f32 v19, v23;
	v23 =	vld.idx.msk [tilespmem:v24+s23+$0x0], $0xffff;
	_ =	sdelay $0x1  }
0x14f: {  	v18 =	vadd.f32 v25, v18;
	v19 =	vand.u32 $0x7FFFFFFF, v19;
	v22 =	vsub.f32 v26, v22  }
0x150: {  	v21 =	vmin.f32 v19, v21  }
0x151: {  	v19 =	vadd.f32 v19, v20;
	v18 =	vadd.f32 v21, v18;
	v20 =	vand.u32 $0x7FFFFFFF, v22  }
0x152: {  	v21 =	vmin.f32 v20, v23  }
0x153: {  	v4 =	vld [tilespmem:$0x1FFF0];
	v19 =	vadd.f32 v20, v19;
	v18 =	vadd.f32 v21, v18  }
0x154: {  	s2 =	simm.s32 $0x0  }
0x155: {  	v20 =	vadd.s32 s2, v0;
	v19 =	vsub.f32 $2.400000000e+01, v19;
	v18 =	vmul.f32 $9.800000190e-01, v18  }
0x156: {  	v20 =	vand.u32 $0x3F, v20  }
0x157: {  	v18 =	vadd.f32 v18, v19;
	v19 =	vor.u32 v15, v20;
	_ =	sdelay $0x1  }
0x158: {  	v17 =	vmul.f32 v18, v17  }
0x159: {  	s10 =	simm.s32 $0x1  }
0x15a: {  	[tilespmem:v4+s31+$0x0] =	vst.idx.msk $0xffff, v17;
	v17 =	vadd.s32 s10, v0  }
0x15b: {  	v18 =	vld.idx.msk [tilespmem:v19+s29+$0x0], $0xffff;
	v17 =	vand.u32 $0x3F, v17  }
0x15c: {  	v20 =	vld.idx.msk [tilespmem:v19+s22+$0x0], $0xffff;
	v21 =	vor.u32 v15, v17;
	_ =	sdelay $0x1  }
0x15d: {  	s11 =	simm.s32 $0x2  }
0x15e: {  	v24 =	vld.idx.msk [tilespmem:v19+s23+$0x0], $0xffff;
	v19 =	vadd.s32 s11, v0  }
0x15f: {  	v22 =	vand.u32 $0x3F, v19  }
0x160: {  	v22 =	vor.u32 v15, v22;
	v20 =	vsub.f32 v18, v20;
	v19 =	vld.idx.msk [tilespmem:v21+s29+$0x0], $0xffff  }
0x161: {  	v23 =	vld.idx.msk [tilespmem:v21+s22+$0x0], $0xffff  }
0x162: {  	v17 =	vld [tilespmem:$0x41F0];
	v18 =	vimm.f32 $0.0e+00;
	v25 =	vand.u32 $0x7FFFFFFF, v20  }
0x163: {  	s2 =	simm.s32 $0x3;
	v21 =	vld.idx.msk [tilespmem:v21+s23+$0x0], $0xffff;
	v20 =	vadd.f32 v25, v18;
	v25 =	vmin.f32 v25, v24;
	v24 =	vmov v22  }
.LBB2_18:
0x164: {  	v4 =	vadd.s32 s2, v0;
	v18 =	vadd.f32 v25, v18;
	p0 =	sne.s32 s2, $0x3F  }
.Ltmp8:
0x165: {  	s2 =	sadd.s32 $0x1, s2;
	v26 =	vmov v19;
	v25 =	vand.u32 $0x3F, v4;
	v19 =	vld.idx.msk [tilespmem:v22+s29+$0x0], $0xffff;
	(pc) =	sbr.rel @p0 .LBB2_18-.Ltmp8, $3  }
0x166: {  	v26 =	vsub.f32 v26, v23;
	v23 =	vld.idx.msk [tilespmem:v22+s22+$0x0], $0xffff;
	v22 =	vor.u32 v15, v25;
	_ =	sdelay $0x1  }
0x167: {  	v25 =	vand.u32 $0x7FFFFFFF, v26  }
0x168: {  	v20 =	vadd.f32 v25, v20;
	v25 =	vmin.f32 v25, v21;
	v21 =	vld.idx.msk [tilespmem:v24+s23+$0x0], $0xffff;
	v24 =	vmov v22  }
0x169: {  	_ =	sdelay $0x3  }
0x16a: {  	v26 =	vld.idx.msk [tilespmem:v22+s29+$0x0], $0xffff  }
0x16b: {  	v60 =	vld.idx.msk [tilespmem:v22+s22+$0x0], $0xffff;
	_ =	sdelay $0x2  }
0x16c: {  	v61 =	vld.idx.msk [tilespmem:v24+s23+$0x0], $0xffff;
	v19 =	vsub.f32 v19, v23;
	_ =	sdelay $0x1  }
0x16d: {  	v18 =	vadd.f32 v25, v18;
	v19 =	vand.u32 $0x7FFFFFFF, v19;
	v22 =	vsub.f32 v26, v60  }
0x16e: {  	v21 =	vmin.f32 v19, v21  }
0x16f: {  	v19 =	vadd.f32 v19, v20;
	v18 =	vadd.f32 v21, v18;
	v62 =	vand.u32 $0x7FFFFFFF, v22  }
0x170: {  	v63 =	vmin.f32 v62, v61  }
0x171: {  	v19 =	vadd.f32 v62, v19;
	v18 =	vadd.f32 v63, v18;
	_ =	sdelay $0x1  }
0x172: {  	v19 =	vsub.f32 $2.400000000e+01, v19;
	v18 =	vmul.f32 $9.800000190e-01, v18;
	_ =	sdelay $0x1  }
0x173: {  	v18 =	vadd.f32 v18, v19;
	_ =	sdelay $0x1  }
0x174: {  	v17 =	vmul.f32 v18, v17;
	_ =	sdelay $0x1  }
0x175: {  	[tilespmem:v16+s31+$0x0] =	vst.idx.msk $0xffff, v17  }
0x176: {  	[tilespmem:s0], [sflag:$0x1] =	stream.indirect.gather [hbm4b:s5+s18], $0x40, s7, s18, $0xb8;
	[tilespmem:$0x1E600] =	vst v63  }
0x177: {  	s2 =	simm.s32 $0x200  }
0x178: {  	[tilespmem:s24], [sflag:$0x2] =	stream.indirect.gather [hbm4b:s5+s18], $0x40, s2, s18, $0xb8;
	[tilespmem:$0x1E600] =	vst v63  }
0x179: {  	s11 =	simm.s32 $0x280;
	s3 =	simm.s32 $0x0;
	s2 =	simm.s32 $0x0  }
0x17a: {  	[tilespmem:s26], [sflag:$0x3] =	stream.indirect.gather [hbm4b:s5+s18], $0x40, s11, s18, $0xb8;
	[tilespmem:$0x1E600] =	vst v63  }
.LBB2_20:
0x17b: {  	v19 =	vadd.s32 s2, v0  }
0x17c: {  	v19 =	vand.u32 $0x3F, v19  }
0x17d: {  	s6 =	sshllo.u32 s3, $0x2;
	v21 =	vor.u32 v3, v19  }
0x17e: {  	_ =	swait.ge [sflag:s30], $0x2000;
	s8 =	sshll.u32 s6, $0x7;
	v22 =	vor.u32 v15, v19  }
0x17f: {  	[sflag:s30] =	ssyncset.done $0x0;
	s8 =	sand.u32 $0x3FFFFF80, s8;
	v23 =	vor.u32 v1, v19  }
0x180: {  	s7 =	sshll.u32 s3, $0x2;
	[sflag:s30] =	ssyncadd.s32 $0xFFFFE000;
	v24 =	vor.u32 v7, v19;
	s8 =	sadd.s32 $0x180, s8  }
0x181: {  	v25 =	vor.u32 v5, v19;
	[tilespmem:s28], [sflag:$0x4] =	stream.indirect.gather [hbm4b:s5+s18], $0x40, s8, s18, $0xb8;
	[tilespmem:$0x1E600] =	vst v63  }
0x182: {  	v17 =	vmov s7;
	v27 =	vor.u32 v9, v19;
	v21 =	vld.idx.msk [tilespmem:v21+s0+$0x0], $0xffff  }
0x183: {  	v18 =	vshll.u32 v17, $0x6;
	v28 =	vor.u32 v13, v19;
	v29 =	vld.idx.msk [tilespmem:v22+s0+$0x0], $0xffff  }
0x184: {  	s11 =	simm.s32 $0x1;
	v20 =	vor.u32 v18, v19;
	v23 =	vld.idx.msk [tilespmem:v23+s0+$0x0], $0xffff  }
0x185: {  	v30 =	vadd.s32 s11, v0;
	v19 =	vor.u32 v11, v19;
	v24 =	vld.idx.msk [tilespmem:v24+s0+$0x0], $0xffff  }
0x186: {  	v30 =	vand.u32 $0x3F, v30;
	v25 =	vld.idx.msk [tilespmem:v25+s0+$0x0], $0xffff  }
0x187: {  	v32 =	vor.u32 v18, v30;
	v27 =	vld.idx.msk [tilespmem:v27+s0+$0x0], $0xffff  }
0x188: {  	v34 =	vor.u32 v15, v30;
	v28 =	vld.idx.msk [tilespmem:v28+s0+$0x0], $0xffff  }
0x189: {  	v26 =	vld.idx.msk [tilespmem:v20+s22+$0x0], $0xffff  }
0x18a: {  	v33 =	vor.u32 v1, v30;
	v31 =	vld.idx.msk [tilespmem:v19+s0+$0x0], $0xffff  }
0x18b: {  	v35 =	vor.u32 v5, v30;
	v36 =	vor.u32 v7, v30;
	v38 =	vor.u32 v11, v30;
	v19 =	vld.idx.msk [tilespmem:v20+s23+$0x0], $0xffff  }
0x18c: {  	v37 =	vor.u32 v9, v30;
	v52 =	vor.u32 v13, v30;
	v20 =	vor.u32 v3, v30;
	v30 =	vld.idx.msk [tilespmem:v32+s22+$0x0], $0xffff  }
0x18d: {  	v43 =	vld.idx.msk [tilespmem:v34+s0+$0x0], $0xffff  }
0x18e: {  	v21 =	vsub.f32 v21, v26  }
0x18f: {  	v22 =	vimm.f32 $0.0e+00;
	v29 =	vsub.f32 v29, v26;
	v23 =	vsub.f32 v23, v26  }
0x190: {  	v44 =	vld.idx.msk [tilespmem:v38+s0+$0x0], $0xffff;
	v38 =	vimm.f32 $0.0e+00;
	v24 =	vsub.f32 v24, v26;
	v28 =	vsub.f32 v28, v26  }
0x191: {  	v51 =	vld.idx.msk [tilespmem:v36+s0+$0x0], $0xffff;
	v36 =	vimm.f32 $0.0e+00;
	v25 =	vsub.f32 v25, v26;
	v40 =	vsub.f32 v27, v26  }
0x192: {  	v50 =	vld.idx.msk [tilespmem:v33+s0+$0x0], $0xffff;
	v33 =	vimm.f32 $0.0e+00;
	v31 =	vsub.f32 v31, v26;
	v45 =	vsub.f32 v43, v30  }
0x193: {  	v43 =	vld.idx.msk [tilespmem:v37+s0+$0x0], $0xffff;
	v37 =	vimm.f32 $0.0e+00;
	v27 =	vand.u32 $0x7FFFFFFF, v29;
	v42 =	vand.u32 $0x7FFFFFFF, v21  }
0x194: {  	v28 =	vand.u32 $0x7FFFFFFF, v28;
	v26 =	vand.u32 $0x7FFFFFFF, v25;
	v48 =	vand.u32 $0x7FFFFFFF, v23  }
0x195: {  	v39 =	vand.u32 $0x7FFFFFFF, v24;
	v46 =	vand.u32 $0x7FFFFFFF, v40;
	v53 =	vand.u32 $0x7FFFFFFF, v31  }
0x196: {  	v41 =	vld.idx.msk [tilespmem:v20+s0+$0x0], $0xffff;
	v40 =	vimm.f32 $0.0e+00;
	v31 =	vimm.f32 $0.0e+00;
	v20 =	vmin.f32 v27, v19  }
0x197: {  	v63 =	vmin.f32 v28, v19;
	v21 =	vadd.f32 v27, v22;
	v27 =	vmin.f32 v26, v19  }
0x198: {  	v52 =	vld.idx.msk [tilespmem:v52+s0+$0x0], $0xffff;
	v49 =	vmin.f32 v48, v19;
	v23 =	vadd.f32 v42, v22;
	v26 =	vadd.f32 v26, v22  }
0x199: {  	v29 =	vld.idx.msk [tilespmem:v32+s23+$0x0], $0xffff;
	v32 =	vmin.f32 v39, v19;
	v28 =	vadd.f32 v28, v22;
	v47 =	vmin.f32 v42, v19  }
0x19a: {  	v42 =	vld.idx.msk [tilespmem:v35+s0+$0x0], $0xffff;
	v35 =	vimm.f32 $0.0e+00;
	v20 =	vadd.f32 v20, v22;
	v24 =	vadd.f32 v63, v22  }
0x19b: {  	s9 =	simm.s32 $0x2;
	s8 =	simm.s32 $0x3;
	v25 =	vld.idx.msk [tilespmem:v17+s20+$0x0], $0xffff;
	v27 =	vadd.f32 v27, v22;
	v34 =	vsub.f32 v41, v30;
	v41 =	vimm.f32 $0.0e+00  }
.LBB2_21:
0x19c: {  	p0 =	sne.s32 s8, $0x3F;
	v54 =	vadd.s32 s9, v0;
	v55 =	vsub.f32 v50, v30;
	v50 =	vmin.f32 v53, v19;
	s9 =	smov.u32 s8;
	s8 =	sadd.s32 $0x1, s8  }
0x19d: {  	v56 =	vsub.f32 v51, v30;
	v22 =	vadd.f32 v48, v22;
	v54 =	vand.u32 $0x3F, v54  }
0x19e: {  	v41 =	vadd.f32 v49, v41;
	v48 =	vor.u32 v18, v54;
	v51 =	vor.u32 v1, v54  }
0x19f: {  	v40 =	vadd.f32 v50, v40;
	v49 =	vor.u32 v3, v54;
	v57 =	vor.u32 v5, v54  }
0x1a0: {  	v37 =	vadd.f32 v53, v37;
	v58 =	vor.u32 v7, v54;
	v59 =	vor.u32 v9, v54  }
0x1a1: {  	v38 =	vadd.f32 v46, v38;
	v53 =	vor.u32 v11, v54;
	v50 =	vor.u32 v15, v54  }
0x1a2: {  	v35 =	vadd.f32 v47, v35;
	v54 =	vor.u32 v13, v54;
	v52 =	vsub.f32 v52, v30  }
0x1a3: {  	v36 =	vadd.f32 v39, v36;
	v4 =	vmin.f32 v46, v19;
	v42 =	vsub.f32 v42, v30;
	v60 =	vld.idx.msk [tilespmem:v48+s23+$0x0], $0xffff  }
0x1a4: {  	v19 =	vmovc v29;
	v39 =	vand.u32 $0x7FFFFFFF, v45;
	v33 =	vadd.f32 v4, v33;
	v46 =	vsub.f32 v43, v30;
	v61 =	vld.idx.msk [tilespmem:v48+s22+$0x0], $0xffff  }
0x1a5: {  	v31 =	vadd.f32 v32, v31;
	v43 =	vmin.f32 v39, v19;
	v30 =	vsub.f32 v44, v30;
	v29 =	vld.idx.msk [tilespmem:v49+s0+$0x0], $0xffff  }
0x1a6: {  	v47 =	vand.u32 $0x7FFFFFFF, v34;
	v20 =	vadd.f32 v43, v20;
	v34 =	vand.u32 $0x7FFFFFFF, v52;
	v45 =	vld.idx.msk [tilespmem:v50+s0+$0x0], $0xffff  }
0x1a7: {  	v21 =	vadd.f32 v39, v21;
	v32 =	vand.u32 $0x7FFFFFFF, v42;
	v43 =	vmin.f32 v34, v19;
	v50 =	vld.idx.msk [tilespmem:v51+s0+$0x0], $0xffff  }
.Ltmp9:
0x1a8: {  	v39 =	vand.u32 $0x7FFFFFFF, v56;
	v52 =	vmin.f32 v32, v19;
	v48 =	vand.u32 $0x7FFFFFFF, v55;
	v51 =	vld.idx.msk [tilespmem:v58+s0+$0x0], $0xffff;
	(pc) =	sbr.rel @p0 .LBB2_21-.Ltmp9, $4  }
0x1a9: {  	v23 =	vadd.f32 v47, v23;
	v24 =	vadd.f32 v43, v24;
	v49 =	vmin.f32 v48, v19;
	v42 =	vld.idx.msk [tilespmem:v57+s0+$0x0], $0xffff  }
0x1aa: {  	v26 =	vadd.f32 v32, v26;
	v32 =	vmin.f32 v39, v19;
	v28 =	vadd.f32 v34, v28;
	v43 =	vld.idx.msk [tilespmem:v59+s0+$0x0], $0xffff  }
0x1ab: {  	v47 =	vmin.f32 v47, v19;
	v27 =	vadd.f32 v52, v27;
	v34 =	vsub.f32 v29, v61;
	v44 =	vld.idx.msk [tilespmem:v53+s0+$0x0], $0xffff  }
0x1ac: {  	v46 =	vand.u32 $0x7FFFFFFF, v46;
	v29 =	vmovc v60;
	v45 =	vsub.f32 v45, v61;
	v53 =	vand.u32 $0x7FFFFFFF, v30;
	v30 =	vmovc v61;
	v52 =	vld.idx.msk [tilespmem:v54+s0+$0x0], $0xffff  }
0x1ad: {  	v50 =	vsub.f32 v50, v30  }
0x1ae: {  	v51 =	vsub.f32 v51, v30;
	v22 =	vadd.f32 v48, v22  }
0x1af: {  	v54 =	vadd.s32 s9, v0;
	v41 =	vadd.f32 v49, v41;
	v37 =	vadd.f32 v53, v37  }
0x1b0: {  	v55 =	vmin.f32 v53, v19;
	v38 =	vadd.f32 v46, v38;
	v35 =	vadd.f32 v47, v35  }
0x1b1: {  	v36 =	vadd.f32 v39, v36;
	v19 =	vmin.f32 v46, v19;
	v31 =	vadd.f32 v32, v31  }
0x1b2: {  	v32 =	vand.u32 $0x7FFFFFFF, v34;
	v54 =	vand.u32 $0x3F, v54;
	v40 =	vadd.f32 v55, v40  }
0x1b3: {  	v42 =	vsub.f32 v42, v30;
	v45 =	vand.u32 $0x7FFFFFFF, v45;
	v18 =	vor.u32 v18, v54  }
0x1b4: {  	v19 =	vadd.f32 v19, v33;
	v23 =	vadd.f32 v32, v23;
	v61 =	vor.u32 v3, v54  }
0x1b5: {  	v32 =	vmin.f32 v32, v29;
	v60 =	vor.u32 v1, v54;
	v57 =	vor.u32 v15, v54  }
0x1b6: {  	v56 =	vor.u32 v5, v54;
	v62 =	vor.u32 v7, v54;
	v58 =	vor.u32 v9, v54  }
0x1b7: {  	v53 =	vor.u32 v11, v54;
	v47 =	vor.u32 v13, v54;
	v43 =	vsub.f32 v43, v30  }
0x1b8: {  	v63 =	vmin.f32 v45, v29;
	v21 =	vadd.f32 v45, v21;
	v32 =	vadd.f32 v32, v35;
	v39 =	vld.idx.msk [tilespmem:v18+s22+$0x0], $0xffff  }
0x1b9: {  	v20 =	vadd.f32 v63, v20;
	v63 =	vand.u32 $0x7FFFFFFF, v50;
	v52 =	vsub.f32 v52, v30;
	v46 =	vld.idx.msk [tilespmem:v61+s0+$0x0], $0xffff  }
0x1ba: {  	v33 =	vand.u32 $0x7FFFFFFF, v51;
	v30 =	vsub.f32 v44, v30;
	v22 =	vadd.f32 v63, v22;
	v54 =	vld.idx.msk [tilespmem:v57+s0+$0x0], $0xffff  }
0x1bb: {  	v43 =	vand.u32 $0x7FFFFFFF, v43;
	v59 =	vand.u32 $0x7FFFFFFF, v52;
	v48 =	vld.idx.msk [tilespmem:v60+s0+$0x0], $0xffff;
	v60 =	vand.u32 $0x7FFFFFFF, v42  }
0x1bc: {  	v61 =	vmin.f32 v59, v29;
	v62 =	vld.idx.msk [tilespmem:v62+s0+$0x0], $0xffff;
	v28 =	vadd.f32 v59, v28;
	v59 =	vmin.f32 v63, v29  }
0x1bd: {  	v42 =	vld.idx.msk [tilespmem:v47+s0+$0x0], $0xffff;
	v63 =	vadd.f32 v43, v38;
	v47 =	vmin.f32 v33, v29;
	v33 =	vadd.f32 v33, v36  }
0x1be: {  	v57 =	vld.idx.msk [tilespmem:v56+s0+$0x0], $0xffff;
	v24 =	vadd.f32 v61, v24;
	v26 =	vadd.f32 v60, v26  }
0x1bf: {  	v55 =	vmin.f32 v60, v29;
	v60 =	vld.idx.msk [tilespmem:v58+s0+$0x0], $0xffff;
	v41 =	vadd.f32 v59, v41;
	v31 =	vadd.f32 v47, v31  }
0x1c0: {  	v61 =	vld.idx.msk [tilespmem:v53+s0+$0x0], $0xffff;
	v27 =	vadd.f32 v55, v27;
	v34 =	vsub.f32 v46, v39  }
0x1c1: {  	v30 =	vand.u32 $0x7FFFFFFF, v30;
	v18 =	vld.idx.msk [tilespmem:v18+s23+$0x0], $0xffff;
	v44 =	vsub.f32 v54, v39;
	v48 =	vsub.f32 v48, v39  }
0x1c2: {  	v49 =	vsub.f32 v62, v39;
	v62 =	vmin.f32 v30, v29;
	v30 =	vadd.f32 v30, v37  }
0x1c3: {  	v45 =	vsub.f32 v42, v39;
	v52 =	vsub.f32 v57, v39  }
0x1c4: {  	v29 =	vmin.f32 v43, v29;
	v40 =	vadd.f32 v62, v40;
	v53 =	vsub.f32 v60, v39  }
0x1c5: {  	v19 =	vadd.f32 v29, v19;
	v29 =	vsub.f32 v61, v39;
	v54 =	vand.u32 $0x7FFFFFFF, v44  }
0x1c6: {  	v34 =	vand.u32 $0x7FFFFFFF, v34;
	v38 =	vand.u32 $0x7FFFFFFF, v45;
	v55 =	vmin.f32 v54, v18  }
0x1c7: {  	v56 =	vmin.f32 v38, v18;
	v57 =	vadd.f32 v54, v21;
	v21 =	vand.u32 $0x7FFFFFFF, v48  }
0x1c8: {  	v23 =	vadd.f32 v34, v23;
	v29 =	vand.u32 $0x7FFFFFFF, v29;
	v61 =	vand.u32 $0x7FFFFFFF, v53  }
0x1c9: {  	v39 =	vadd.f32 v55, v20;
	v20 =	vand.u32 $0x7FFFFFFF, v52;
	v24 =	vadd.f32 v56, v24  }
0x1ca: {  	v59 =	vmin.f32 v21, v18;
	v60 =	vmin.f32 v29, v18;
	v21 =	vadd.f32 v21, v22  }
0x1cb: {  	v29 =	vadd.f32 v29, v30;
	v30 =	vand.u32 $0x7FFFFFFF, v49;
	v36 =	vadd.f32 v61, v63  }
0x1cc: {  	v62 =	vmin.f32 v61, v18;
	v58 =	vmin.f32 v20, v18;
	v20 =	vadd.f32 v20, v26  }
0x1cd: {  	v26 =	vadd.f32 v38, v28;
	v28 =	vmin.f32 v34, v18;
	v22 =	vadd.f32 v59, v41  }
0x1ce: {  	v34 =	vadd.f32 v60, v40;
	v18 =	vmin.f32 v30, v18;
	v30 =	vadd.f32 v30, v33  }
0x1cf: {  	v63 =	vmul.u32 $0x88, v17;
	v19 =	vadd.f32 v62, v19;
	v17 =	vsub.f32 $2.400000000e+01, v23  }
0x1d0: {  	v27 =	vadd.f32 v58, v27;
	v28 =	vadd.f32 v28, v32  }
0x1d1: {  	v21 =	vsub.f32 $2.400000000e+01, v21;
	v31 =	vadd.f32 v18, v31;
	v22 =	vmul.f32 $9.800000190e-01, v22  }
0x1d2: {  	v18 =	vadd.s32 $0x1, v0;
	v29 =	vsub.f32 $2.400000000e+01, v29;
	v49 =	vmul.f32 $9.800000190e-01, v39  }
0x1d3: {  	v20 =	vsub.f32 $2.400000000e+01, v20;
	v21 =	vadd.f32 v22, v21;
	v22 =	vmul.f32 $9.800000190e-01, v28  }
0x1d4: {  	v34 =	vmul.f32 $9.800000190e-01, v34;
	v26 =	vsub.f32 $2.400000000e+01, v26;
	v23 =	vmul.f32 $9.800000190e-01, v27  }
0x1d5: {  	v27 =	vmul.f32 $9.800000190e-01, v31;
	v17 =	vadd.f32 v22, v17;
	v22 =	vsub.f32 $2.400000000e+01, v30  }
0x1d6: {  	v28 =	vmul.f32 v21, v25;
	v21 =	vadd.f32 v23, v20;
	v23 =	vadd.s32 $0x21, v0  }
0x1d7: {  	v30 =	vor.u32 v18, v63;
	v20 =	vadd.s32 $0x11, v0;
	v45 =	vadd.s32 v23, v63  }
0x1d8: {  	v31 =	vmul.f32 v17, v25;
	v17 =	vadd.f32 v27, v22;
	v27 =	vadd.s32 v20, v63  }
0x1d9: {  	v44 =	vmul.f32 v21, v25;
	v21 =	vsub.f32 $2.400000000e+01, v36;
	v22 =	vmul.f32 $9.800000190e-01, v19  }
0x1da: {  	v19 =	vadd.s32 $0x41, v0;
	v46 =	vmul.f32 v17, v25;
	v17 =	vadd.s32 $0x31, v0  }
0x1db: {  	v48 =	vadd.s32 v19, v63;
	v36 =	vadd.f32 v22, v21;
	v47 =	vadd.s32 v17, v63  }
0x1dc: {  	v21 =	vadd.s32 $0x51, v0;
	v22 =	vadd.s32 $0x61, v0;
	[tilespmem:v30+s31+$0x0] =	vst.idx.msk $0xffff, v28;
	v28 =	vadd.f32 v34, v29  }
0x1dd: {  	v29 =	vadd.s32 v21, v63;
	v30 =	vadd.s32 v22, v63;
	[tilespmem:v27+s31+$0x0] =	vst.idx.msk $0xffff, v31;
	v27 =	vmul.f32 $9.800000190e-01, v24  }
0x1de: {  	v50 =	vmul.f32 v36, v25;
	v31 =	vsub.f32 $2.400000000e+01, v57;
	v24 =	vadd.s32 $0x71, v0  }
0x1df: {  	[tilespmem:v45+s31+$0x0] =	vst.idx.msk $0xffff, v44;
	v26 =	vadd.f32 v27, v26;
	v27 =	vadd.s32 v24, v63  }
0x1e0: {  	v28 =	vmul.f32 v28, v25;
	v31 =	vadd.f32 v49, v31;
	[tilespmem:v47+s31+$0x0] =	vst.idx.msk $0xffff, v46  }
0x1e1: {  	[tilespmem:v48+s31+$0x0] =	vst.idx.msk $0xffff, v50;
	v26 =	vmul.f32 v26, v25  }
0x1e2: {  	s8 =	sor.u32 $0x1, s7;
	s10 =	simm.s32 $0x0;
	[tilespmem:v29+s31+$0x0] =	vst.idx.msk $0xffff, v28;
	v28 =	vmul.f32 v31, v25  }
0x1e3: {  	v25 =	vmov s8;
	[tilespmem:v30+s31+$0x0] =	vst.idx.msk $0xffff, v26;
	v26 =	vadd.s32 s10, v0  }
0x1e4: {  	[tilespmem:v27+s31+$0x0] =	vst.idx.msk $0xffff, v28;
	v27 =	vshll.u32 v25, $0x6;
	v26 =	vand.u32 $0x3F, v26  }
0x1e5: {  	p0 =	seq.s32 s3, $0x1F;
	v28 =	vor.u32 v27, v26  }
0x1e6: {  	s8 =	sshll.u32 @!p0 s3, $0x9;
	_ =	swait.ge [sflag:s4], $0x2000;
	v29 =	vor.u32 v3, v26  }
0x1e7: {  	s11 =	simm.s32 @!p0 $0x12200;
	s8 =	sand.u32 @!p0 $0x3FFFFE00, s8;
	v30 =	vor.u32 v15, v26;
	[sflag:s4] =	ssyncset.done $0x0  }
0x1e8: {  	s10 =	simm.s32 @!p0 $0x80;
	s9 =	sadd.s32 @!p0 $0x380, s8;
	v31 =	vor.u32 v1, v26;
	[sflag:s4] =	ssyncadd.s32 $0xFFFFE000  }
0x1e9: {  	v51 =	vor.u32 v7, v26;
	[tilespmem:s11], [sflag:$0x1] =	stream.indirect.gather @!p0 [hbm4b:s5+s10], $0x40, s9, s10, $0xb8;
	[tilespmem:$0x1E600] =	vst v63  }
0x1ea: {  	v54 =	vor.u32 v9, v26;
	v53 =	vld.idx.msk [tilespmem:v28+s22+$0x0], $0xffff  }
0x1eb: {  	v52 =	vor.u32 v5, v26;
	v29 =	vld.idx.msk [tilespmem:v29+s24+$0x0], $0xffff  }
0x1ec: {  	v55 =	vor.u32 v13, v26;
	s11 =	simm.s32 $0x1;
	v30 =	vld.idx.msk [tilespmem:v30+s24+$0x0], $0xffff  }
0x1ed: {  	v26 =	vor.u32 v11, v26;
	v57 =	vadd.s32 s11, v0;
	v56 =	vld.idx.msk [tilespmem:v31+s24+$0x0], $0xffff  }
0x1ee: {  	v32 =	vld.idx.msk [tilespmem:v51+s24+$0x0], $0xffff;
	v38 =	vand.u32 $0x3F, v57  }
0x1ef: {  	v35 =	vld.idx.msk [tilespmem:v54+s24+$0x0], $0xffff;
	v58 =	vor.u32 v3, v38  }
0x1f0: {  	v33 =	vld.idx.msk [tilespmem:v52+s24+$0x0], $0xffff;
	v59 =	vor.u32 v15, v38  }
0x1f1: {  	v36 =	vld.idx.msk [tilespmem:v55+s24+$0x0], $0xffff;
	v41 =	vor.u32 v1, v38  }
0x1f2: {  	v26 =	vld.idx.msk [tilespmem:v26+s24+$0x0], $0xffff;
	v46 =	vor.u32 v11, v38  }
0x1f3: {  	v31 =	vimm.f32 $0.0e+00;
	v28 =	vld.idx.msk [tilespmem:v28+s23+$0x0], $0xffff;
	v39 =	vor.u32 v27, v38;
	v44 =	vor.u32 v7, v38  }
0x1f4: {  	v43 =	vor.u32 v5, v38;
	v29 =	vsub.f32 v29, v53;
	v48 =	vsub.f32 v35, v53;
	v35 =	vld.idx.msk [tilespmem:v58+s24+$0x0], $0xffff  }
0x1f5: {  	v45 =	vor.u32 v9, v38;
	v30 =	vsub.f32 v30, v53;
	v37 =	vsub.f32 v56, v53;
	v51 =	vld.idx.msk [tilespmem:v59+s24+$0x0], $0xffff  }
0x1f6: {  	v60 =	vor.u32 v13, v38;
	v32 =	vsub.f32 v32, v53;
	v36 =	vsub.f32 v36, v53;
	v58 =	vld.idx.msk [tilespmem:v41+s24+$0x0], $0xffff  }
0x1f7: {  	v33 =	vsub.f32 v33, v53;
	v49 =	vsub.f32 v26, v53;
	v52 =	vld.idx.msk [tilespmem:v46+s24+$0x0], $0xffff;
	v46 =	vimm.f32 $0.0e+00  }
0x1f8: {  	v59 =	vld.idx.msk [tilespmem:v44+s24+$0x0], $0xffff;
	v44 =	vimm.f32 $0.0e+00;
	v41 =	vimm.f32 $0.0e+00;
	v30 =	vand.u32 $0x7FFFFFFF, v30  }
0x1f9: {  	v50 =	vand.u32 $0x7FFFFFFF, v29;
	v36 =	vand.u32 $0x7FFFFFFF, v36;
	v61 =	vand.u32 $0x7FFFFFFF, v33  }
0x1fa: {  	v38 =	vld.idx.msk [tilespmem:v39+s22+$0x0], $0xffff;
	v56 =	vand.u32 $0x7FFFFFFF, v37;
	v47 =	vand.u32 $0x7FFFFFFF, v32;
	v54 =	vand.u32 $0x7FFFFFFF, v48  }
0x1fb: {  	v37 =	vld.idx.msk [tilespmem:v39+s23+$0x0], $0xffff;
	v48 =	vimm.f32 $0.0e+00;
	v39 =	vimm.f32 $0.0e+00;
	v26 =	vmin.f32 v30, v28  }
0x1fc: {  	v62 =	vmin.f32 v36, v28;
	v30 =	vadd.f32 v30, v31;
	v63 =	vmin.f32 v61, v28  }
0x1fd: {  	v57 =	vmin.f32 v56, v28;
	v32 =	vadd.f32 v50, v31;
	v34 =	vadd.f32 v61, v31  }
0x1fe: {  	v60 =	vld.idx.msk [tilespmem:v60+s24+$0x0], $0xffff;
	v40 =	vmin.f32 v47, v28;
	v36 =	vadd.f32 v36, v31;
	v55 =	vmin.f32 v50, v28  }
0x1ff: {  	v50 =	vld.idx.msk [tilespmem:v43+s24+$0x0], $0xffff;
	v61 =	vand.u32 $0x7FFFFFFF, v49;
	v49 =	vimm.f32 $0.0e+00;
	v29 =	vadd.f32 v26, v31  }
0x200: {  	v43 =	vimm.f32 $0.0e+00;
	v26 =	vld.idx.msk [tilespmem:v25+s20+$0x0], $0xffff;
	v33 =	vadd.f32 v62, v31;
	v42 =	vsub.f32 v35, v38  }
0x201: {  	s10 =	simm.s32 $0x2;
	s9 =	simm.s32 $0x3;
	v35 =	vadd.f32 v63, v31;
	v53 =	vsub.f32 v51, v38;
	v51 =	vld.idx.msk [tilespmem:v45+s24+$0x0], $0xffff;
	v45 =	vimm.f32 $0.0e+00  }
.LBB2_23:
0x202: {  	p1 =	sne.s32 s9, $0x3F;
	v62 =	vadd.s32 s10, v0;
	v63 =	vsub.f32 v58, v38;
	v58 =	vmin.f32 v61, v28;
	s10 =	smov.u32 s9;
	s9 =	sadd.s32 $0x1, s9  }
0x203: {  	v4 =	vsub.f32 v59, v38;
	v31 =	vadd.f32 v56, v31;
	v62 =	vand.u32 $0x3F, v62  }
0x204: {  	v49 =	vadd.f32 v57, v49;
	v56 =	vor.u32 v27, v62;
	v59 =	vor.u32 v1, v62  }
0x205: {  	v48 =	vadd.f32 v58, v48;
	v57 =	vor.u32 v3, v62;
	v6 =	vor.u32 v5, v62  }
0x206: {  	v45 =	vadd.f32 v61, v45;
	v8 =	vor.u32 v7, v62;
	v10 =	vor.u32 v9, v62  }
0x207: {  	v46 =	vadd.f32 v54, v46;
	v61 =	vor.u32 v11, v62;
	v58 =	vor.u32 v15, v62  }
0x208: {  	v43 =	vadd.f32 v55, v43;
	v62 =	vor.u32 v13, v62;
	v60 =	vsub.f32 v60, v38  }
0x209: {  	v44 =	vadd.f32 v47, v44;
	v55 =	vmin.f32 v54, v28;
	v50 =	vsub.f32 v50, v38;
	v12 =	vld.idx.msk [tilespmem:v56+s23+$0x0], $0xffff  }
0x20a: {  	v28 =	vmovc v37;
	v47 =	vand.u32 $0x7FFFFFFF, v53;
	v41 =	vadd.f32 v55, v41;
	v54 =	vsub.f32 v51, v38;
	v14 =	vld.idx.msk [tilespmem:v56+s22+$0x0], $0xffff  }
0x20b: {  	v39 =	vadd.f32 v40, v39;
	v51 =	vmin.f32 v47, v28;
	v38 =	vsub.f32 v52, v38;
	v37 =	vld.idx.msk [tilespmem:v57+s24+$0x0], $0xffff  }
0x20c: {  	v55 =	vand.u32 $0x7FFFFFFF, v42;
	v29 =	vadd.f32 v51, v29;
	v42 =	vand.u32 $0x7FFFFFFF, v60;
	v53 =	vld.idx.msk [tilespmem:v58+s24+$0x0], $0xffff  }
0x20d: {  	v30 =	vadd.f32 v47, v30;
	v40 =	vand.u32 $0x7FFFFFFF, v50;
	v51 =	vmin.f32 v42, v28;
	v58 =	vld.idx.msk [tilespmem:v59+s24+$0x0], $0xffff  }
.Ltmp10:
0x20e: {  	v47 =	vand.u32 $0x7FFFFFFF, v4;
	v56 =	vand.u32 $0x7FFFFFFF, v63;
	v59 =	vld.idx.msk [tilespmem:v8+s24+$0x0], $0xffff;
	v8 =	vmin.f32 v40, v28;
	(pc) =	sbr.rel @p1 .LBB2_23-.Ltmp10, $4  }
0x20f: {  	v32 =	vadd.f32 v55, v32;
	v33 =	vadd.f32 v51, v33;
	v57 =	vmin.f32 v56, v28;
	v50 =	vld.idx.msk [tilespmem:v6+s24+$0x0], $0xffff  }
0x210: {  	v34 =	vadd.f32 v40, v34;
	v36 =	vadd.f32 v42, v36;
	v40 =	vmin.f32 v47, v28;
	v51 =	vld.idx.msk [tilespmem:v10+s24+$0x0], $0xffff  }
0x211: {  	v55 =	vmin.f32 v55, v28;
	v35 =	vadd.f32 v8, v35;
	v42 =	vsub.f32 v37, v14;
	v52 =	vld.idx.msk [tilespmem:v61+s24+$0x0], $0xffff  }
0x212: {  	v54 =	vand.u32 $0x7FFFFFFF, v54;
	v37 =	vmovc v12;
	v53 =	vsub.f32 v53, v14;
	v61 =	vand.u32 $0x7FFFFFFF, v38;
	v38 =	vmovc v14;
	v60 =	vld.idx.msk [tilespmem:v62+s24+$0x0], $0xffff  }
0x213: {  	v6 =	vsub.f32 v58, v38;
	v10 =	vsub.f32 v59, v38  }
0x214: {  	v4 =	vadd.s32 s10, v0;
	v12 =	vadd.f32 v56, v31;
	v31 =	vadd.f32 v57, v49  }
0x215: {  	v8 =	vmin.f32 v61, v28;
	v45 =	vadd.f32 v61, v45;
	v46 =	vadd.f32 v54, v46  }
0x216: {  	v43 =	vadd.f32 v55, v43;
	v44 =	vadd.f32 v47, v44;
	v28 =	vmin.f32 v54, v28  }
0x217: {  	v39 =	vadd.f32 v40, v39;
	v40 =	vand.u32 $0x7FFFFFFF, v42;
	v4 =	vand.u32 $0x3F, v4  }
0x218: {  	v8 =	vadd.f32 v8, v48;
	v50 =	vsub.f32 v50, v38;
	v53 =	vand.u32 $0x7FFFFFFF, v53  }
0x219: {  	v28 =	vadd.f32 v28, v41;
	v32 =	vadd.f32 v40, v32;
	v14 =	vor.u32 v27, v4  }
0x21a: {  	v40 =	vmin.f32 v40, v37;
	v27 =	vor.u32 v1, v4;
	v49 =	vor.u32 v3, v4  }
0x21b: {  	v56 =	vor.u32 v5, v4;
	v48 =	vor.u32 v7, v4;
	v57 =	vor.u32 v15, v4  }
0x21c: {  	v58 =	vor.u32 v9, v4;
	v59 =	vor.u32 v11, v4;
	v4 =	vor.u32 v13, v4  }
0x21d: {  	v51 =	vsub.f32 v51, v38;
	v63 =	vmin.f32 v53, v37;
	v30 =	vadd.f32 v53, v30  }
0x21e: {  	v6 =	vand.u32 $0x7FFFFFFF, v6;
	v10 =	vand.u32 $0x7FFFFFFF, v10;
	v40 =	vadd.f32 v40, v43;
	v47 =	vld.idx.msk [tilespmem:v14+s22+$0x0], $0xffff  }
0x21f: {  	v61 =	vand.u32 $0x7FFFFFFF, v50;
	v60 =	vsub.f32 v60, v38;
	v38 =	vsub.f32 v52, v38;
	v49 =	vld.idx.msk [tilespmem:v49+s24+$0x0], $0xffff  }
0x220: {  	v29 =	vadd.f32 v63, v29;
	v63 =	vmin.f32 v61, v37;
	v34 =	vadd.f32 v61, v34;
	v52 =	vld.idx.msk [tilespmem:v57+s24+$0x0], $0xffff  }
0x221: {  	v35 =	vadd.f32 v63, v35;
	v60 =	vand.u32 $0x7FFFFFFF, v60;
	v38 =	vand.u32 $0x7FFFFFFF, v38;
	v27 =	vld.idx.msk [tilespmem:v27+s24+$0x0], $0xffff  }
0x222: {  	v62 =	vmin.f32 v60, v37;
	v48 =	vld.idx.msk [tilespmem:v48+s24+$0x0], $0xffff;
	v36 =	vadd.f32 v60, v36;
	v57 =	vmin.f32 v6, v37  }
0x223: {  	v4 =	vld.idx.msk [tilespmem:v4+s24+$0x0], $0xffff;
	v63 =	vmin.f32 v38, v37;
	v6 =	vadd.f32 v6, v12;
	v38 =	vadd.f32 v38, v45  }
0x224: {  	v61 =	vld.idx.msk [tilespmem:v58+s24+$0x0], $0xffff;
	v58 =	vmin.f32 v10, v37;
	v10 =	vadd.f32 v10, v44;
	v33 =	vadd.f32 v62, v33  }
0x225: {  	v42 =	vld.idx.msk [tilespmem:v56+s24+$0x0], $0xffff;
	v12 =	vadd.f32 v57, v31;
	v31 =	vand.u32 $0x7FFFFFFF, v51;
	v8 =	vadd.f32 v63, v8  }
0x226: {  	v62 =	vld.idx.msk [tilespmem:v59+s24+$0x0], $0xffff;
	v39 =	vadd.f32 v58, v39;
	v57 =	vadd.f32 v31, v46;
	v31 =	vmin.f32 v31, v37  }
0x227: {  	v28 =	vadd.f32 v31, v28;
	v41 =	vsub.f32 v49, v47  }
0x228: {  	v14 =	vld.idx.msk [tilespmem:v14+s23+$0x0], $0xffff;
	v60 =	vsub.f32 v52, v47;
	v27 =	vsub.f32 v27, v47  }
0x229: {  	v48 =	vsub.f32 v48, v47;
	v4 =	vsub.f32 v4, v47  }
0x22a: {  	v25 =	vmul.u32 $0x88, v25;
	v42 =	vsub.f32 v42, v47;
	v59 =	vsub.f32 v61, v47  }
0x22b: {  	v31 =	vsub.f32 v62, v47;
	v60 =	vand.u32 $0x7FFFFFFF, v60;
	v41 =	vand.u32 $0x7FFFFFFF, v41  }
0x22c: {  	v4 =	vand.u32 $0x7FFFFFFF, v4;
	v42 =	vand.u32 $0x7FFFFFFF, v42;
	v27 =	vand.u32 $0x7FFFFFFF, v27  }
0x22d: {  	v49 =	vand.u32 $0x7FFFFFFF, v48;
	v61 =	vmin.f32 v60, v14;
	v62 =	vmin.f32 v4, v14  }
0x22e: {  	v30 =	vadd.f32 v60, v30;
	v63 =	vmin.f32 v42, v14;
	v32 =	vadd.f32 v41, v32  }
0x22f: {  	v50 =	vmin.f32 v27, v14;
	v34 =	vadd.f32 v42, v34;
	v51 =	vmin.f32 v49, v14  }
0x230: {  	v4 =	vadd.f32 v4, v36;
	v31 =	vand.u32 $0x7FFFFFFF, v31;
	v6 =	vadd.f32 v27, v6  }
0x231: {  	v27 =	vand.u32 $0x7FFFFFFF, v59;
	v10 =	vadd.f32 v49, v10;
	v29 =	vadd.f32 v61, v29  }
0x232: {  	v53 =	vmin.f32 v41, v14;
	v33 =	vadd.f32 v62, v33;
	v35 =	vadd.f32 v63, v35  }
0x233: {  	v52 =	vmin.f32 v31, v14;
	v12 =	vadd.f32 v50, v12;
	v31 =	vadd.f32 v31, v38  }
0x234: {  	v37 =	vadd.f32 v27, v57;
	v36 =	vadd.f32 v53, v40;
	v14 =	vmin.f32 v27, v14  }
0x235: {  	v54 =	vadd.f32 v51, v39;
	v6 =	vsub.f32 $2.400000000e+01, v6;
	v12 =	vmul.f32 $9.800000190e-01, v12  }
0x236: {  	v56 =	vadd.s32 v20, v25;
	v14 =	vadd.f32 v14, v28;
	v27 =	vsub.f32 $2.400000000e+01, v32  }
0x237: {  	v28 =	vmul.f32 $9.800000190e-01, v36;
	v6 =	vadd.f32 v12, v6;
	v12 =	vadd.s32 v18, v25  }
0x238: {  	v57 =	vadd.s32 v23, v25;
	v8 =	vadd.f32 v52, v8;
	v10 =	vsub.f32 $2.400000000e+01, v10  }
0x239: {  	v55 =	vmul.f32 $9.800000190e-01, v35;
	v27 =	vadd.f32 v28, v27;
	v28 =	vsub.f32 $2.400000000e+01, v34  }
0x23a: {  	v4 =	vsub.f32 $2.400000000e+01, v4;
	v30 =	vsub.f32 $2.400000000e+01, v30;
	v6 =	vmul.f32 v6, v26  }
0x23b: {  	v32 =	vmul.f32 $9.800000190e-01, v54;
	v8 =	vmul.f32 $9.800000190e-01, v8;
	v28 =	vadd.f32 v55, v28  }
0x23c: {  	v58 =	vsub.f32 $2.400000000e+01, v37;
	v27 =	vmul.f32 v27, v26;
	[tilespmem:v12+s31+$0x0] =	vst.idx.msk $0xffff, v6;
	v6 =	vmul.f32 $9.800000190e-01, v14  }
0x23d: {  	v12 =	vsub.f32 $2.400000000e+01, v31;
	v14 =	vmul.f32 v28, v26;
	v28 =	vadd.s32 v17, v25  }
0x23e: {  	v10 =	vadd.f32 v32, v10;
	v31 =	vadd.s32 v19, v25;
	[tilespmem:v56+s31+$0x0] =	vst.idx.msk $0xffff, v27;
	v27 =	vmul.f32 $9.800000190e-01, v33  }
0x23f: {  	v6 =	vadd.f32 v6, v58;
	v8 =	vadd.f32 v8, v12;
	v12 =	vadd.s32 v21, v25  }
0x240: {  	v29 =	vmul.f32 $9.800000190e-01, v29;
	v10 =	vmul.f32 v10, v26;
	[tilespmem:v57+s31+$0x0] =	vst.idx.msk $0xffff, v14;
	v14 =	vadd.s32 v22, v25  }
0x241: {  	v4 =	vadd.f32 v27, v4;
	v27 =	vadd.s32 v24, v25;
	v6 =	vmul.f32 v6, v26  }
0x242: {  	v8 =	vmul.f32 v8, v26;
	[tilespmem:v28+s31+$0x0] =	vst.idx.msk $0xffff, v10;
	v10 =	vadd.f32 v29, v30  }
0x243: {  	v4 =	vmul.f32 v4, v26;
	[tilespmem:v31+s31+$0x0] =	vst.idx.msk $0xffff, v6  }
0x244: {  	s7 =	sor.u32 $0x2, s7;
	s9 =	simm.s32 $0x0;
	[tilespmem:v12+s31+$0x0] =	vst.idx.msk $0xffff, v8;
	v6 =	vmul.f32 v10, v26  }
0x245: {  	v25 =	vmov s7;
	[tilespmem:v14+s31+$0x0] =	vst.idx.msk $0xffff, v4;
	v4 =	vadd.s32 s9, v0  }
0x246: {  	[tilespmem:v27+s31+$0x0] =	vst.idx.msk $0xffff, v6;
	v27 =	vshll.u32 v25, $0x6;
	v4 =	vand.u32 $0x3F, v4  }
0x247: {  	v6 =	vor.u32 v27, v4  }
0x248: {  	_ =	swait.ge [sflag:s25], $0x2000;
	v8 =	vor.u32 v3, v4  }
0x249: {  	s10 =	simm.s32 @!p0 $0x14200;
	v10 =	vor.u32 v15, v4;
	[sflag:s25] =	ssyncset.done $0x0  }
0x24a: {  	s7 =	sadd.s32 @!p0 $0x400, s8;
	s9 =	simm.s32 @!p0 $0x80;
	v28 =	vor.u32 v9, v4;
	[sflag:s25] =	ssyncadd.s32 $0xFFFFE000  }
0x24b: {  	v12 =	vor.u32 v1, v4;
	[tilespmem:s10], [sflag:$0x2] =	stream.indirect.gather @!p0 [hbm4b:s5+s9], $0x40, s7, s9, $0xb8;
	[tilespmem:$0x1E600] =	vst v63  }
0x24c: {  	v14 =	vor.u32 v7, v4;
	v29 =	vld.idx.msk [tilespmem:v6+s22+$0x0], $0xffff  }
0x24d: {  	v26 =	vor.u32 v5, v4;
	v8 =	vld.idx.msk [tilespmem:v8+s26+$0x0], $0xffff  }
0x24e: {  	s11 =	simm.s32 $0x1;
	v30 =	vor.u32 v13, v4;
	v10 =	vld.idx.msk [tilespmem:v10+s26+$0x0], $0xffff  }
0x24f: {  	v4 =	vor.u32 v11, v4;
	v59 =	vld.idx.msk [tilespmem:v28+s26+$0x0], $0xffff;
	v28 =	vadd.s32 s11, v0  }
0x250: {  	v12 =	vld.idx.msk [tilespmem:v12+s26+$0x0], $0xffff;
	v63 =	vand.u32 $0x3F, v28  }
0x251: {  	v14 =	vld.idx.msk [tilespmem:v14+s26+$0x0], $0xffff;
	v48 =	vor.u32 v27, v63  }
0x252: {  	v26 =	vld.idx.msk [tilespmem:v26+s26+$0x0], $0xffff;
	v51 =	vor.u32 v15, v63  }
0x253: {  	v46 =	vimm.f32 $0.0e+00;
	v41 =	vimm.f32 $0.0e+00;
	v30 =	vld.idx.msk [tilespmem:v30+s26+$0x0], $0xffff  }
0x254: {  	v39 =	vimm.f32 $0.0e+00;
	v31 =	vimm.f32 $0.0e+00;
	v4 =	vld.idx.msk [tilespmem:v4+s26+$0x0], $0xffff;
	v49 =	vor.u32 v1, v63  }
0x255: {  	v28 =	vld.idx.msk [tilespmem:v6+s23+$0x0], $0xffff;
	v50 =	vor.u32 v5, v63;
	v52 =	vor.u32 v7, v63;
	v43 =	vor.u32 v9, v63  }
0x256: {  	v44 =	vor.u32 v11, v63;
	v8 =	vsub.f32 v8, v29;
	v10 =	vsub.f32 v10, v29;
	v38 =	vld.idx.msk [tilespmem:v48+s22+$0x0], $0xffff  }
0x257: {  	v60 =	vor.u32 v13, v63;
	v6 =	vsub.f32 v12, v29;
	v12 =	vsub.f32 v14, v29;
	v61 =	vld.idx.msk [tilespmem:v51+s26+$0x0], $0xffff  }
0x258: {  	v14 =	vor.u32 v3, v63;
	v30 =	vsub.f32 v30, v29;
	v26 =	vsub.f32 v26, v29;
	v37 =	vld.idx.msk [tilespmem:v48+s23+$0x0], $0xffff  }
0x259: {  	v45 =	vsub.f32 v59, v29;
	v4 =	vsub.f32 v4, v29;
	v10 =	vand.u32 $0x7FFFFFFF, v10;
	v58 =	vld.idx.msk [tilespmem:v49+s26+$0x0], $0xffff  }
0x25a: {  	v8 =	vand.u32 $0x7FFFFFFF, v8;
	v53 =	vand.u32 $0x7FFFFFFF, v30;
	v62 =	vand.u32 $0x7FFFFFFF, v26;
	v59 =	vld.idx.msk [tilespmem:v52+s26+$0x0], $0xffff  }
0x25b: {  	v56 =	vand.u32 $0x7FFFFFFF, v6;
	v47 =	vand.u32 $0x7FFFFFFF, v12;
	v54 =	vand.u32 $0x7FFFFFFF, v45;
	v51 =	vld.idx.msk [tilespmem:v43+s26+$0x0], $0xffff  }
0x25c: {  	v49 =	vimm.f32 $0.0e+00;
	v48 =	vimm.f32 $0.0e+00;
	v52 =	vld.idx.msk [tilespmem:v44+s26+$0x0], $0xffff;
	v45 =	vimm.f32 $0.0e+00  }
0x25d: {  	v43 =	vimm.f32 $0.0e+00;
	v44 =	vimm.f32 $0.0e+00;
	v29 =	vmin.f32 v10, v28;
	v14 =	vld.idx.msk [tilespmem:v14+s26+$0x0], $0xffff  }
0x25e: {  	v63 =	vmin.f32 v53, v28;
	v30 =	vadd.f32 v10, v31;
	v6 =	vmin.f32 v62, v28  }
0x25f: {  	v57 =	vmin.f32 v56, v28;
	v32 =	vadd.f32 v8, v31;
	v34 =	vadd.f32 v62, v31  }
0x260: {  	v26 =	vld.idx.msk [tilespmem:v25+s20+$0x0], $0xffff;
	v40 =	vmin.f32 v47, v28;
	v36 =	vadd.f32 v53, v31;
	v29 =	vadd.f32 v29, v31  }
0x261: {  	v50 =	vld.idx.msk [tilespmem:v50+s26+$0x0], $0xffff;
	v55 =	vmin.f32 v8, v28;
	v33 =	vadd.f32 v63, v31;
	v35 =	vadd.f32 v6, v31  }
0x262: {  	s9 =	simm.s32 $0x2;
	s7 =	simm.s32 $0x3;
	v60 =	vld.idx.msk [tilespmem:v60+s26+$0x0], $0xffff;
	v53 =	vsub.f32 v61, v38;
	v61 =	vand.u32 $0x7FFFFFFF, v4;
	v42 =	vsub.f32 v14, v38  }
.LBB2_25:
0x263: {  	p1 =	sne.s32 s7, $0x3F;
	v4 =	vadd.s32 s9, v0;
	v6 =	vsub.f32 v58, v38;
	v8 =	vmin.f32 v61, v28;
	s9 =	smov.u32 s7;
	s7 =	sadd.s32 $0x1, s7  }
0x264: {  	v10 =	vsub.f32 v59, v38;
	v31 =	vadd.f32 v56, v31;
	v4 =	vand.u32 $0x3F, v4  }
0x265: {  	v49 =	vadd.f32 v57, v49;
	v12 =	vor.u32 v27, v4;
	v14 =	vor.u32 v1, v4  }
0x266: {  	v48 =	vadd.f32 v8, v48;
	v56 =	vor.u32 v3, v4;
	v57 =	vor.u32 v5, v4  }
0x267: {  	v45 =	vadd.f32 v61, v45;
	v8 =	vor.u32 v7, v4;
	v62 =	vor.u32 v9, v4  }
0x268: {  	v46 =	vadd.f32 v54, v46;
	v61 =	vor.u32 v11, v4;
	v58 =	vor.u32 v15, v4  }
0x269: {  	v43 =	vadd.f32 v55, v43;
	v4 =	vor.u32 v13, v4;
	v59 =	vsub.f32 v60, v38  }
0x26a: {  	v44 =	vadd.f32 v47, v44;
	v55 =	vmin.f32 v54, v28;
	v50 =	vsub.f32 v50, v38;
	v63 =	vld.idx.msk [tilespmem:v12+s23+$0x0], $0xffff  }
0x26b: {  	v28 =	vmovc v37;
	v47 =	vand.u32 $0x7FFFFFFF, v53;
	v41 =	vadd.f32 v55, v41;
	v54 =	vsub.f32 v51, v38;
	v12 =	vld.idx.msk [tilespmem:v12+s22+$0x0], $0xffff  }
0x26c: {  	v39 =	vadd.f32 v40, v39;
	v51 =	vmin.f32 v47, v28;
	v38 =	vsub.f32 v52, v38;
	v37 =	vld.idx.msk [tilespmem:v56+s26+$0x0], $0xffff  }
0x26d: {  	v55 =	vand.u32 $0x7FFFFFFF, v42;
	v29 =	vadd.f32 v51, v29;
	v42 =	vand.u32 $0x7FFFFFFF, v59;
	v53 =	vld.idx.msk [tilespmem:v58+s26+$0x0], $0xffff  }
0x26e: {  	v30 =	vadd.f32 v47, v30;
	v40 =	vmin.f32 v42, v28;
	v58 =	vld.idx.msk [tilespmem:v14+s26+$0x0], $0xffff;
	v14 =	vand.u32 $0x7FFFFFFF, v50  }
.Ltmp11:
0x26f: {  	v47 =	vand.u32 $0x7FFFFFFF, v10;
	v56 =	vand.u32 $0x7FFFFFFF, v6;
	v59 =	vld.idx.msk [tilespmem:v8+s26+$0x0], $0xffff;
	v6 =	vmin.f32 v14, v28;
	(pc) =	sbr.rel @p1 .LBB2_25-.Ltmp11, $4  }
0x270: {  	v32 =	vadd.f32 v55, v32;
	v33 =	vadd.f32 v40, v33;
	v50 =	vld.idx.msk [tilespmem:v57+s26+$0x0], $0xffff;
	v57 =	vmin.f32 v56, v28  }
0x271: {  	v36 =	vadd.f32 v42, v36;
	v40 =	vmin.f32 v47, v28;
	v34 =	vadd.f32 v14, v34;
	v51 =	vld.idx.msk [tilespmem:v62+s26+$0x0], $0xffff  }
0x272: {  	v55 =	vmin.f32 v55, v28;
	v35 =	vadd.f32 v6, v35;
	v42 =	vsub.f32 v37, v12;
	v52 =	vld.idx.msk [tilespmem:v61+s26+$0x0], $0xffff  }
0x273: {  	v54 =	vand.u32 $0x7FFFFFFF, v54;
	v37 =	vmovc v63;
	v53 =	vsub.f32 v53, v12;
	v61 =	vand.u32 $0x7FFFFFFF, v38;
	v38 =	vmovc v12;
	v60 =	vld.idx.msk [tilespmem:v4+s26+$0x0], $0xffff  }
0x274: {  	v6 =	vsub.f32 v58, v38;
	v10 =	vsub.f32 v59, v38  }
0x275: {  	v4 =	vadd.s32 s9, v0;
	v12 =	vadd.f32 v56, v31;
	v31 =	vadd.f32 v57, v49  }
0x276: {  	v8 =	vmin.f32 v61, v28;
	v45 =	vadd.f32 v61, v45;
	v46 =	vadd.f32 v54, v46  }
0x277: {  	v43 =	vadd.f32 v55, v43;
	v44 =	vadd.f32 v47, v44;
	v28 =	vmin.f32 v54, v28  }
0x278: {  	v39 =	vadd.f32 v40, v39;
	v40 =	vand.u32 $0x7FFFFFFF, v42;
	v4 =	vand.u32 $0x3F, v4  }
0x279: {  	v8 =	vadd.f32 v8, v48;
	v50 =	vsub.f32 v50, v38;
	v53 =	vand.u32 $0x7FFFFFFF, v53  }
0x27a: {  	v28 =	vadd.f32 v28, v41;
	v32 =	vadd.f32 v40, v32;
	v14 =	vor.u32 v27, v4  }
0x27b: {  	v40 =	vmin.f32 v40, v37;
	v27 =	vor.u32 v1, v4;
	v49 =	vor.u32 v3, v4  }
0x27c: {  	v56 =	vor.u32 v5, v4;
	v48 =	vor.u32 v7, v4;
	v57 =	vor.u32 v15, v4  }
0x27d: {  	v58 =	vor.u32 v9, v4;
	v59 =	vor.u32 v11, v4;
	v4 =	vor.u32 v13, v4  }
0x27e: {  	v51 =	vsub.f32 v51, v38;
	v63 =	vmin.f32 v53, v37;
	v30 =	vadd.f32 v53, v30  }
0x27f: {  	v6 =	vand.u32 $0x7FFFFFFF, v6;
	v10 =	vand.u32 $0x7FFFFFFF, v10;
	v40 =	vadd.f32 v40, v43;
	v47 =	vld.idx.msk [tilespmem:v14+s22+$0x0], $0xffff  }
0x280: {  	v61 =	vand.u32 $0x7FFFFFFF, v50;
	v60 =	vsub.f32 v60, v38;
	v38 =	vsub.f32 v52, v38;
	v49 =	vld.idx.msk [tilespmem:v49+s26+$0x0], $0xffff  }
0x281: {  	v29 =	vadd.f32 v63, v29;
	v63 =	vmin.f32 v61, v37;
	v34 =	vadd.f32 v61, v34;
	v52 =	vld.idx.msk [tilespmem:v57+s26+$0x0], $0xffff  }
0x282: {  	v35 =	vadd.f32 v63, v35;
	v60 =	vand.u32 $0x7FFFFFFF, v60;
	v38 =	vand.u32 $0x7FFFFFFF, v38;
	v27 =	vld.idx.msk [tilespmem:v27+s26+$0x0], $0xffff  }
0x283: {  	v62 =	vmin.f32 v60, v37;
	v48 =	vld.idx.msk [tilespmem:v48+s26+$0x0], $0xffff;
	v36 =	vadd.f32 v60, v36;
	v57 =	vmin.f32 v6, v37  }
0x284: {  	v4 =	vld.idx.msk [tilespmem:v4+s26+$0x0], $0xffff;
	v63 =	vmin.f32 v38, v37;
	v6 =	vadd.f32 v6, v12;
	v38 =	vadd.f32 v38, v45  }
0x285: {  	v61 =	vld.idx.msk [tilespmem:v58+s26+$0x0], $0xffff;
	v58 =	vmin.f32 v10, v37;
	v10 =	vadd.f32 v10, v44;
	v33 =	vadd.f32 v62, v33  }
0x286: {  	v42 =	vld.idx.msk [tilespmem:v56+s26+$0x0], $0xffff;
	v12 =	vadd.f32 v57, v31;
	v31 =	vand.u32 $0x7FFFFFFF, v51;
	v8 =	vadd.f32 v63, v8  }
0x287: {  	v62 =	vld.idx.msk [tilespmem:v59+s26+$0x0], $0xffff;
	v39 =	vadd.f32 v58, v39;
	v57 =	vadd.f32 v31, v46;
	v31 =	vmin.f32 v31, v37  }
0x288: {  	v28 =	vadd.f32 v31, v28;
	v41 =	vsub.f32 v49, v47  }
0x289: {  	v14 =	vld.idx.msk [tilespmem:v14+s23+$0x0], $0xffff;
	v60 =	vsub.f32 v52, v47;
	v27 =	vsub.f32 v27, v47  }
0x28a: {  	v48 =	vsub.f32 v48, v47;
	v4 =	vsub.f32 v4, v47  }
0x28b: {  	v25 =	vmul.u32 $0x88, v25;
	v42 =	vsub.f32 v42, v47;
	v59 =	vsub.f32 v61, v47  }
0x28c: {  	v31 =	vsub.f32 v62, v47;
	v60 =	vand.u32 $0x7FFFFFFF, v60;
	v41 =	vand.u32 $0x7FFFFFFF, v41  }
0x28d: {  	v4 =	vand.u32 $0x7FFFFFFF, v4;
	v42 =	vand.u32 $0x7FFFFFFF, v42;
	v27 =	vand.u32 $0x7FFFFFFF, v27  }
0x28e: {  	v49 =	vand.u32 $0x7FFFFFFF, v48;
	v61 =	vmin.f32 v60, v14;
	v62 =	vmin.f32 v4, v14  }
0x28f: {  	v30 =	vadd.f32 v60, v30;
	v63 =	vmin.f32 v42, v14;
	v32 =	vadd.f32 v41, v32  }
0x290: {  	v50 =	vmin.f32 v27, v14;
	v34 =	vadd.f32 v42, v34;
	v51 =	vmin.f32 v49, v14  }
0x291: {  	v4 =	vadd.f32 v4, v36;
	v31 =	vand.u32 $0x7FFFFFFF, v31;
	v6 =	vadd.f32 v27, v6  }
0x292: {  	v27 =	vand.u32 $0x7FFFFFFF, v59;
	v10 =	vadd.f32 v49, v10;
	v29 =	vadd.f32 v61, v29  }
0x293: {  	v53 =	vmin.f32 v41, v14;
	v33 =	vadd.f32 v62, v33;
	v35 =	vadd.f32 v63, v35  }
0x294: {  	v52 =	vmin.f32 v31, v14;
	v12 =	vadd.f32 v50, v12;
	v31 =	vadd.f32 v31, v38  }
0x295: {  	v37 =	vadd.f32 v27, v57;
	v36 =	vadd.f32 v53, v40;
	v14 =	vmin.f32 v27, v14  }
0x296: {  	v54 =	vadd.f32 v51, v39;
	v6 =	vsub.f32 $2.400000000e+01, v6;
	v12 =	vmul.f32 $9.800000190e-01, v12  }
0x297: {  	v56 =	vadd.s32 v20, v25;
	v14 =	vadd.f32 v14, v28;
	v27 =	vsub.f32 $2.400000000e+01, v32  }
0x298: {  	v28 =	vmul.f32 $9.800000190e-01, v36;
	v6 =	vadd.f32 v12, v6;
	v12 =	vadd.s32 v18, v25  }
0x299: {  	v57 =	vadd.s32 v23, v25;
	v8 =	vadd.f32 v52, v8;
	v10 =	vsub.f32 $2.400000000e+01, v10  }
0x29a: {  	v55 =	vmul.f32 $9.800000190e-01, v35;
	v27 =	vadd.f32 v28, v27;
	v28 =	vsub.f32 $2.400000000e+01, v34  }
0x29b: {  	v4 =	vsub.f32 $2.400000000e+01, v4;
	v30 =	vsub.f32 $2.400000000e+01, v30;
	v6 =	vmul.f32 v6, v26  }
0x29c: {  	v32 =	vmul.f32 $9.800000190e-01, v54;
	v8 =	vmul.f32 $9.800000190e-01, v8;
	v28 =	vadd.f32 v55, v28  }
0x29d: {  	v58 =	vsub.f32 $2.400000000e+01, v37;
	v27 =	vmul.f32 v27, v26;
	[tilespmem:v12+s31+$0x0] =	vst.idx.msk $0xffff, v6;
	v6 =	vmul.f32 $9.800000190e-01, v14  }
0x29e: {  	v12 =	vsub.f32 $2.400000000e+01, v31;
	v14 =	vmul.f32 v28, v26;
	v28 =	vadd.s32 v17, v25  }
0x29f: {  	v10 =	vadd.f32 v32, v10;
	v31 =	vadd.s32 v19, v25;
	[tilespmem:v56+s31+$0x0] =	vst.idx.msk $0xffff, v27;
	v27 =	vmul.f32 $9.800000190e-01, v33  }
0x2a0: {  	v6 =	vadd.f32 v6, v58;
	v8 =	vadd.f32 v8, v12;
	v12 =	vadd.s32 v21, v25  }
0x2a1: {  	v29 =	vmul.f32 $9.800000190e-01, v29;
	v10 =	vmul.f32 v10, v26;
	[tilespmem:v57+s31+$0x0] =	vst.idx.msk $0xffff, v14;
	v14 =	vadd.s32 v22, v25  }
0x2a2: {  	v4 =	vadd.f32 v27, v4;
	v27 =	vadd.s32 v24, v25;
	v6 =	vmul.f32 v6, v26  }
0x2a3: {  	v8 =	vmul.f32 v8, v26;
	[tilespmem:v28+s31+$0x0] =	vst.idx.msk $0xffff, v10;
	v10 =	vadd.f32 v29, v30  }
0x2a4: {  	v4 =	vmul.f32 v4, v26;
	[tilespmem:v31+s31+$0x0] =	vst.idx.msk $0xffff, v6  }
0x2a5: {  	s7 =	simm.s32 $0x0;
	[tilespmem:v12+s31+$0x0] =	vst.idx.msk $0xffff, v8;
	v6 =	vmul.f32 v10, v26  }
0x2a6: {  	v25 =	vmov s6;
	[tilespmem:v14+s31+$0x0] =	vst.idx.msk $0xffff, v4;
	v4 =	vadd.s32 s7, v0  }
0x2a7: {  	[tilespmem:v27+s31+$0x0] =	vst.idx.msk $0xffff, v6;
	v27 =	vshll.u32 v25, $0x6;
	v4 =	vand.u32 $0x3F, v4  }
0x2a8: {  	v6 =	vor.u32 v27, v4  }
0x2a9: {  	_ =	swait.ge [sflag:s19], $0x2000;
	v8 =	vor.u32 v3, v4  }
0x2aa: {  	s6 =	sadd.s32 @!p0 $0x480, s8;
	v10 =	vor.u32 v15, v4;
	[sflag:s19] =	ssyncset.done $0x0  }
0x2ab: {  	s8 =	simm.s32 @!p0 $0x16200;
	s7 =	simm.s32 @!p0 $0x80;
	v28 =	vor.u32 v9, v4;
	[sflag:s19] =	ssyncadd.s32 $0xFFFFE000  }
0x2ac: {  	v12 =	vor.u32 v1, v4;
	[tilespmem:s8], [sflag:$0x3] =	stream.indirect.gather @!p0 [hbm4b:s5+s7], $0x40, s6, s7, $0xb8;
	[tilespmem:$0x1E600] =	vst v63  }
0x2ad: {  	v14 =	vor.u32 v7, v4;
	v29 =	vld.idx.msk [tilespmem:v6+s22+$0x0], $0xffff  }
0x2ae: {  	v26 =	vor.u32 v5, v4;
	v8 =	vld.idx.msk [tilespmem:v8+s28+$0x0], $0xffff  }
0x2af: {  	s11 =	simm.s32 $0x1;
	v30 =	vor.u32 v13, v4;
	v10 =	vld.idx.msk [tilespmem:v10+s28+$0x0], $0xffff  }
0x2b0: {  	v4 =	vor.u32 v11, v4;
	v59 =	vld.idx.msk [tilespmem:v28+s28+$0x0], $0xffff;
	v28 =	vadd.s32 s11, v0  }
0x2b1: {  	v12 =	vld.idx.msk [tilespmem:v12+s28+$0x0], $0xffff;
	v63 =	vand.u32 $0x3F, v28  }
0x2b2: {  	v14 =	vld.idx.msk [tilespmem:v14+s28+$0x0], $0xffff;
	v48 =	vor.u32 v27, v63  }
0x2b3: {  	v26 =	vld.idx.msk [tilespmem:v26+s28+$0x0], $0xffff;
	v51 =	vor.u32 v15, v63  }
0x2b4: {  	v46 =	vimm.f32 $0.0e+00;
	v41 =	vimm.f32 $0.0e+00;
	v30 =	vld.idx.msk [tilespmem:v30+s28+$0x0], $0xffff  }
0x2b5: {  	v39 =	vimm.f32 $0.0e+00;
	v31 =	vimm.f32 $0.0e+00;
	v4 =	vld.idx.msk [tilespmem:v4+s28+$0x0], $0xffff;
	v49 =	vor.u32 v1, v63  }
0x2b6: {  	v28 =	vld.idx.msk [tilespmem:v6+s23+$0x0], $0xffff;
	v50 =	vor.u32 v5, v63;
	v52 =	vor.u32 v7, v63;
	v43 =	vor.u32 v9, v63  }
0x2b7: {  	v44 =	vor.u32 v11, v63;
	v8 =	vsub.f32 v8, v29;
	v10 =	vsub.f32 v10, v29;
	v38 =	vld.idx.msk [tilespmem:v48+s22+$0x0], $0xffff  }
0x2b8: {  	v60 =	vor.u32 v13, v63;
	v6 =	vsub.f32 v12, v29;
	v12 =	vsub.f32 v14, v29;
	v61 =	vld.idx.msk [tilespmem:v51+s28+$0x0], $0xffff  }
0x2b9: {  	v14 =	vor.u32 v3, v63;
	v30 =	vsub.f32 v30, v29;
	v26 =	vsub.f32 v26, v29;
	v37 =	vld.idx.msk [tilespmem:v48+s23+$0x0], $0xffff  }
0x2ba: {  	v45 =	vsub.f32 v59, v29;
	v4 =	vsub.f32 v4, v29;
	v10 =	vand.u32 $0x7FFFFFFF, v10;
	v58 =	vld.idx.msk [tilespmem:v49+s28+$0x0], $0xffff  }
0x2bb: {  	v8 =	vand.u32 $0x7FFFFFFF, v8;
	v53 =	vand.u32 $0x7FFFFFFF, v30;
	v62 =	vand.u32 $0x7FFFFFFF, v26;
	v59 =	vld.idx.msk [tilespmem:v52+s28+$0x0], $0xffff  }
0x2bc: {  	v56 =	vand.u32 $0x7FFFFFFF, v6;
	v47 =	vand.u32 $0x7FFFFFFF, v12;
	v54 =	vand.u32 $0x7FFFFFFF, v45;
	v51 =	vld.idx.msk [tilespmem:v43+s28+$0x0], $0xffff  }
0x2bd: {  	v49 =	vimm.f32 $0.0e+00;
	v48 =	vimm.f32 $0.0e+00;
	v52 =	vld.idx.msk [tilespmem:v44+s28+$0x0], $0xffff;
	v45 =	vimm.f32 $0.0e+00  }
0x2be: {  	v43 =	vimm.f32 $0.0e+00;
	v44 =	vimm.f32 $0.0e+00;
	v29 =	vmin.f32 v10, v28;
	v14 =	vld.idx.msk [tilespmem:v14+s28+$0x0], $0xffff  }
0x2bf: {  	v63 =	vmin.f32 v53, v28;
	v30 =	vadd.f32 v10, v31;
	v6 =	vmin.f32 v62, v28  }
0x2c0: {  	v57 =	vmin.f32 v56, v28;
	v32 =	vadd.f32 v8, v31;
	v34 =	vadd.f32 v62, v31  }
0x2c1: {  	v26 =	vld.idx.msk [tilespmem:v25+s20+$0x0], $0xffff;
	v40 =	vmin.f32 v47, v28;
	v36 =	vadd.f32 v53, v31;
	v29 =	vadd.f32 v29, v31  }
0x2c2: {  	v50 =	vld.idx.msk [tilespmem:v50+s28+$0x0], $0xffff;
	v55 =	vmin.f32 v8, v28;
	v33 =	vadd.f32 v63, v31;
	v35 =	vadd.f32 v6, v31  }
0x2c3: {  	s7 =	simm.s32 $0x2;
	s6 =	simm.s32 $0x3;
	v60 =	vld.idx.msk [tilespmem:v60+s28+$0x0], $0xffff;
	v53 =	vsub.f32 v61, v38;
	v61 =	vand.u32 $0x7FFFFFFF, v4;
	v42 =	vsub.f32 v14, v38  }
.LBB2_27:
0x2c4: {  	p0 =	sne.s32 s6, $0x3F;
	v4 =	vadd.s32 s7, v0;
	v6 =	vsub.f32 v58, v38;
	v8 =	vmin.f32 v61, v28;
	s7 =	smov.u32 s6;
	s6 =	sadd.s32 $0x1, s6  }
0x2c5: {  	v10 =	vsub.f32 v59, v38;
	v31 =	vadd.f32 v56, v31;
	v4 =	vand.u32 $0x3F, v4  }
0x2c6: {  	v49 =	vadd.f32 v57, v49;
	v12 =	vor.u32 v27, v4;
	v14 =	vor.u32 v1, v4  }
0x2c7: {  	v48 =	vadd.f32 v8, v48;
	v56 =	vor.u32 v3, v4;
	v57 =	vor.u32 v5, v4  }
0x2c8: {  	v45 =	vadd.f32 v61, v45;
	v8 =	vor.u32 v7, v4;
	v62 =	vor.u32 v9, v4  }
0x2c9: {  	v46 =	vadd.f32 v54, v46;
	v61 =	vor.u32 v11, v4;
	v58 =	vor.u32 v15, v4  }
0x2ca: {  	v43 =	vadd.f32 v55, v43;
	v4 =	vor.u32 v13, v4;
	v59 =	vsub.f32 v60, v38  }
0x2cb: {  	v44 =	vadd.f32 v47, v44;
	v55 =	vmin.f32 v54, v28;
	v50 =	vsub.f32 v50, v38;
	v63 =	vld.idx.msk [tilespmem:v12+s23+$0x0], $0xffff  }
0x2cc: {  	v28 =	vmovc v37;
	v47 =	vand.u32 $0x7FFFFFFF, v53;
	v41 =	vadd.f32 v55, v41;
	v54 =	vsub.f32 v51, v38;
	v12 =	vld.idx.msk [tilespmem:v12+s22+$0x0], $0xffff  }
0x2cd: {  	v39 =	vadd.f32 v40, v39;
	v51 =	vmin.f32 v47, v28;
	v38 =	vsub.f32 v52, v38;
	v37 =	vld.idx.msk [tilespmem:v56+s28+$0x0], $0xffff  }
0x2ce: {  	v55 =	vand.u32 $0x7FFFFFFF, v42;
	v29 =	vadd.f32 v51, v29;
	v42 =	vand.u32 $0x7FFFFFFF, v59;
	v53 =	vld.idx.msk [tilespmem:v58+s28+$0x0], $0xffff  }
0x2cf: {  	v30 =	vadd.f32 v47, v30;
	v40 =	vmin.f32 v42, v28;
	v58 =	vld.idx.msk [tilespmem:v14+s28+$0x0], $0xffff;
	v14 =	vand.u32 $0x7FFFFFFF, v50  }
.Ltmp12:
0x2d0: {  	v47 =	vand.u32 $0x7FFFFFFF, v10;
	v56 =	vand.u32 $0x7FFFFFFF, v6;
	v59 =	vld.idx.msk [tilespmem:v8+s28+$0x0], $0xffff;
	v6 =	vmin.f32 v14, v28;
	(pc) =	sbr.rel @p0 .LBB2_27-.Ltmp12, $4  }
0x2d1: {  	v32 =	vadd.f32 v55, v32;
	v33 =	vadd.f32 v40, v33;
	v50 =	vld.idx.msk [tilespmem:v57+s28+$0x0], $0xffff;
	v57 =	vmin.f32 v56, v28  }
0x2d2: {  	v36 =	vadd.f32 v42, v36;
	v40 =	vmin.f32 v47, v28;
	v34 =	vadd.f32 v14, v34;
	v51 =	vld.idx.msk [tilespmem:v62+s28+$0x0], $0xffff  }
0x2d3: {  	v55 =	vmin.f32 v55, v28;
	v35 =	vadd.f32 v6, v35;
	v42 =	vsub.f32 v37, v12;
	v52 =	vld.idx.msk [tilespmem:v61+s28+$0x0], $0xffff  }
0x2d4: {  	v54 =	vand.u32 $0x7FFFFFFF, v54;
	v37 =	vmovc v63;
	v53 =	vsub.f32 v53, v12;
	v61 =	vand.u32 $0x7FFFFFFF, v38;
	v38 =	vmovc v12;
	v60 =	vld.idx.msk [tilespmem:v4+s28+$0x0], $0xffff  }
0x2d5: {  	v6 =	vsub.f32 v58, v38;
	v10 =	vsub.f32 v59, v38  }
0x2d6: {  	v12 =	vadd.f32 v56, v31;
	v31 =	vadd.f32 v57, v49  }
0x2d7: {  	v4 =	vadd.s32 s7, v0;
	v45 =	vadd.f32 v61, v45;
	v46 =	vadd.f32 v54, v46  }
0x2d8: {  	v8 =	vmin.f32 v61, v28;
	v43 =	vadd.f32 v55, v43;
	v44 =	vadd.f32 v47, v44  }
0x2d9: {  	v62 =	vmin.f32 v54, v28;
	v39 =	vadd.f32 v40, v39;
	v40 =	vand.u32 $0x7FFFFFFF, v42  }
0x2da: {  	v4 =	vand.u32 $0x3F, v4;
	v8 =	vadd.f32 v8, v48;
	v50 =	vsub.f32 v50, v38  }
0x2db: {  	v53 =	vand.u32 $0x7FFFFFFF, v53;
	v28 =	vadd.f32 v62, v41;
	v14 =	vor.u32 v27, v4  }
0x2dc: {  	v32 =	vadd.f32 v40, v32;
	v40 =	vmin.f32 v40, v37;
	v49 =	vor.u32 v3, v4  }
0x2dd: {  	v27 =	vor.u32 v1, v4;
	v56 =	vor.u32 v5, v4;
	v57 =	vor.u32 v15, v4  }
0x2de: {  	v48 =	vor.u32 v7, v4;
	v58 =	vor.u32 v9, v4;
	v59 =	vor.u32 v11, v4  }
0x2df: {  	v4 =	vor.u32 v13, v4;
	v51 =	vsub.f32 v51, v38;
	v63 =	vmin.f32 v53, v37  }
0x2e0: {  	v30 =	vadd.f32 v53, v30;
	v6 =	vand.u32 $0x7FFFFFFF, v6;
	v10 =	vand.u32 $0x7FFFFFFF, v10;
	v47 =	vld.idx.msk [tilespmem:v14+s22+$0x0], $0xffff  }
0x2e1: {  	v40 =	vadd.f32 v40, v43;
	v61 =	vand.u32 $0x7FFFFFFF, v50;
	v60 =	vsub.f32 v60, v38;
	v49 =	vld.idx.msk [tilespmem:v49+s28+$0x0], $0xffff  }
0x2e2: {  	v29 =	vadd.f32 v63, v29;
	v38 =	vsub.f32 v52, v38;
	v63 =	vmin.f32 v61, v37;
	v52 =	vld.idx.msk [tilespmem:v57+s28+$0x0], $0xffff  }
0x2e3: {  	v34 =	vadd.f32 v61, v34;
	v35 =	vadd.f32 v63, v35;
	v60 =	vand.u32 $0x7FFFFFFF, v60;
	v27 =	vld.idx.msk [tilespmem:v27+s28+$0x0], $0xffff  }
0x2e4: {  	v38 =	vand.u32 $0x7FFFFFFF, v38;
	v62 =	vmin.f32 v60, v37;
	v48 =	vld.idx.msk [tilespmem:v48+s28+$0x0], $0xffff;
	v36 =	vadd.f32 v60, v36  }
0x2e5: {  	v4 =	vld.idx.msk [tilespmem:v4+s28+$0x0], $0xffff;
	v57 =	vmin.f32 v6, v37;
	v63 =	vmin.f32 v38, v37;
	v6 =	vadd.f32 v6, v12  }
0x2e6: {  	v61 =	vld.idx.msk [tilespmem:v58+s28+$0x0], $0xffff;
	v38 =	vadd.f32 v38, v45;
	v58 =	vmin.f32 v10, v37;
	v10 =	vadd.f32 v10, v44  }
0x2e7: {  	v42 =	vld.idx.msk [tilespmem:v56+s28+$0x0], $0xffff;
	v56 =	vand.u32 $0x7FFFFFFF, v51;
	v33 =	vadd.f32 v62, v33;
	v12 =	vadd.f32 v57, v31  }
0x2e8: {  	v62 =	vld.idx.msk [tilespmem:v59+s28+$0x0], $0xffff;
	v8 =	vadd.f32 v63, v8;
	v57 =	vadd.f32 v56, v46;
	v31 =	vmin.f32 v56, v37  }
0x2e9: {  	v39 =	vadd.f32 v58, v39;
	v28 =	vadd.f32 v31, v28  }
0x2ea: {  	v25 =	vmul.u32 $0x88, v25;
	v41 =	vsub.f32 v49, v47;
	v60 =	vsub.f32 v52, v47  }
0x2eb: {  	v14 =	vld.idx.msk [tilespmem:v14+s23+$0x0], $0xffff;
	v27 =	vsub.f32 v27, v47;
	v48 =	vsub.f32 v48, v47  }
0x2ec: {  	v20 =	vadd.s32 v20, v25;
	v4 =	vsub.f32 v4, v47;
	v42 =	vsub.f32 v42, v47  }
0x2ed: {  	v23 =	vadd.s32 v23, v25;
	v59 =	vsub.f32 v61, v47;
	v61 =	vsub.f32 v62, v47  }
0x2ee: {  	v60 =	vand.u32 $0x7FFFFFFF, v60;
	v41 =	vand.u32 $0x7FFFFFFF, v41;
	v4 =	vand.u32 $0x7FFFFFFF, v4  }
0x2ef: {  	v42 =	vand.u32 $0x7FFFFFFF, v42;
	v27 =	vand.u32 $0x7FFFFFFF, v27;
	v50 =	vand.u32 $0x7FFFFFFF, v48  }
0x2f0: {  	v54 =	vand.u32 $0x7FFFFFFF, v59;
	v62 =	vmin.f32 v60, v14;
	v63 =	vmin.f32 v4, v14  }
0x2f1: {  	v30 =	vadd.f32 v60, v30;
	v49 =	vmin.f32 v42, v14;
	v32 =	vadd.f32 v41, v32  }
0x2f2: {  	v51 =	vmin.f32 v27, v14;
	v34 =	vadd.f32 v42, v34;
	v4 =	vadd.f32 v4, v36  }
0x2f3: {  	v52 =	vmin.f32 v50, v14;
	v6 =	vadd.f32 v27, v6;
	v37 =	vadd.f32 v54, v57  }
0x2f4: {  	v31 =	vand.u32 $0x7FFFFFFF, v61;
	v10 =	vadd.f32 v50, v10;
	v29 =	vadd.f32 v62, v29  }
0x2f5: {  	v55 =	vmin.f32 v41, v14;
	v33 =	vadd.f32 v63, v33;
	v35 =	vadd.f32 v49, v35  }
0x2f6: {  	v53 =	vmin.f32 v31, v14;
	v12 =	vadd.f32 v51, v12;
	v31 =	vadd.f32 v31, v38  }
0x2f7: {  	v36 =	vadd.f32 v55, v40;
	v14 =	vmin.f32 v54, v14;
	v58 =	vadd.f32 v52, v39  }
0x2f8: {  	v8 =	vadd.f32 v53, v8;
	v6 =	vsub.f32 $2.400000000e+01, v6;
	v12 =	vmul.f32 $9.800000190e-01, v12  }
0x2f9: {  	v17 =	vadd.s32 v17, v25;
	v14 =	vadd.f32 v14, v28;
	v56 =	vsub.f32 $2.400000000e+01, v32  }
0x2fa: {  	v57 =	vmul.f32 $9.800000190e-01, v36;
	v6 =	vadd.f32 v12, v6;
	v12 =	vadd.s32 v18, v25  }
0x2fb: {  	v19 =	vadd.s32 v19, v25;
	v59 =	vsub.f32 $2.400000000e+01, v34;
	v10 =	vsub.f32 $2.400000000e+01, v10  }
0x2fc: {  	v61 =	vsub.f32 $2.400000000e+01, v37;
	v60 =	vmul.f32 $9.800000190e-01, v35;
	v18 =	vadd.f32 v57, v56  }
0x2fd: {  	v4 =	vsub.f32 $2.400000000e+01, v4;
	v62 =	vsub.f32 $2.400000000e+01, v30;
	v6 =	vmul.f32 v6, v26  }
0x2fe: {  	v32 =	vmul.f32 $9.800000190e-01, v58;
	v27 =	vadd.f32 v60, v59;
	v18 =	vmul.f32 v18, v26  }
0x2ff: {  	v8 =	vmul.f32 $9.800000190e-01, v8;
	[tilespmem:v12+s31+$0x0] =	vst.idx.msk $0xffff, v6;
	v6 =	vmul.f32 $9.800000190e-01, v14;
	v12 =	vsub.f32 $2.400000000e+01, v31  }
0x300: {  	v10 =	vadd.f32 v32, v10;
	v14 =	vmul.f32 v27, v26;
	[tilespmem:v20+s31+$0x0] =	vst.idx.msk $0xffff, v18;
	v18 =	vmul.f32 $9.800000190e-01, v33  }
0x301: {  	v6 =	vadd.f32 v6, v61;
	v8 =	vadd.f32 v8, v12;
	v12 =	vadd.s32 v21, v25  }
0x302: {  	s3 =	sadd.s32 $0x1, s3;
	v63 =	vmul.f32 $9.800000190e-01, v29;
	v10 =	vmul.f32 v10, v26;
	[tilespmem:v23+s31+$0x0] =	vst.idx.msk $0xffff, v14;
	v14 =	vadd.s32 v22, v25  }
0x303: {  	p0 =	sne.s32 s3, $0x20;
	v4 =	vadd.f32 v18, v4;
	v18 =	vadd.s32 v24, v25;
	v6 =	vmul.f32 v6, v26  }
.Ltmp13:
0x304: {  	[tilespmem:v17+s31+$0x0] =	vst.idx.msk $0xffff, v10;
	v10 =	vadd.f32 v63, v62;
	v8 =	vmul.f32 v8, v26;
	(pc) =	sbr.rel @p0 .LBB2_20-.Ltmp13, $4  }
0x305: {  	v4 =	vmul.f32 v4, v26;
	[tilespmem:v19+s31+$0x0] =	vst.idx.msk $0xffff, v6  }
0x306: {  	v6 =	vmul.f32 v10, v26;
	[tilespmem:v12+s31+$0x0] =	vst.idx.msk $0xffff, v8  }
0x307: {  	[tilespmem:v14+s31+$0x0] =	vst.idx.msk $0xffff, v4  }
0x308: {  	[tilespmem:v18+s31+$0x0] =	vst.idx.msk $0xffff, v6  }
0x309: {  	s21 =	sadd.s32 $0x1, s21  }
0x30a: {  	p0 =	sne.s32 s21, s16  }
.Ltmp14:
0x30b: {  	_ = 	snop;
	(pc) =	sbr.rel @p0 .LBB2_1-.Ltmp14, $4  }
0x30c: {  	[hbm4b:s15+s1] =	stream.linear.scatter [tilespmem:s31], [sflag:$0x5], $0x4400, $0x38;
	[tilespmem:$0x1E600] =	vst v63  }
0x30d: {  	_ =	swait.ge [sflag:s17], $0x4400  }
0x30e: {  	[sflag:s17] =	ssyncset.done $0x0  }
0x30f: {  	s7 =	simm.s32 $0x180;
	[sflag:s17] =	ssyncadd.s32 $0xFFFFBC00  }
0x310: {  	_ =	sfence.sel $0x180000  }
0x311: {  	[bflag:$0x0] =	sbarrier.arrive $0xFFFF  }
0x312: {  	_ =	strace $0x90000047  }
0x313: {  	s0 =	stileid.u32;
	[bflag:$0x2] =	sbarrier.arrive $0xFFFF  }
0x314: {  	p0 =	sne.s32 s0, $0x0;
	s0 =	rddreg [dreg:$0x7]  }
0x315: {  	s0 =	sadd.s32 @!p0 $0x100000, s0  }
0x316: {  	[sflag:s0] =	ssyncadd.tile.s32 @!p0 $0x1;
	_ =	shalt  }
.Lfunc_end2:
_tile_overlayer_lowered:
.L_overlay_start_2:
0x317: {  	(tag) =	ssettag $0x2  }
0x318: {  	s0 =	rddreg [dreg:$0x0];
	s2 =	stileid.u32  }
0x319: {  	s1 =	rddreg [dreg:$0x1];
	p0 =	sne.s32 s2, $0x0  }
0x31a: {  	s3 =	rddreg [dreg:$0x2];
	[bflag:$0x3] =	sbarrier.arrive $0xFFFF;
	s2 =	simm.s32 @!p0 $0x1C05  }
0x31b: {  	[timem:s3], [sflag:s2] =	dma.local @!p0 [hbm:s0], s1  }
0x31c: {  	s0 =	simm.s32 @!p0 $0x5  }
0x31d: {  	_ =	swait.ge @!p0 [sflag:s0], s1  }
0x31e: {  	s1 =	ssub.s32 @!p0 $0x0, s1;
	[sflag:s0] =	ssyncset.done @!p0 $0x0  }
0x31f: {  	[sflag:s0] =	ssyncadd.s32 @!p0 s1  }
0x320: {  	[bflag:$0x3] =	sbarrier.arrive $0xFFFF  }
0x321: {  	_ =	shalt  }

</sc_bundles>
